<compile_context>
chip_gen: v7x
topology: tpu7x:2x2x1
jax: 0.10.2.dev20260603
libtpu: 0.0.44.dev20260713+nightly
codegen_flags: <defaults>
</compile_context>

<pallas_src>
import functools

import jax
import jax.numpy as jnp
from jax import lax
from jax.experimental import pallas as pl
from jax.experimental.pallas import tpu as pltpu
from jax.experimental.pallas import tpu_sc as plsc

N = 10000
E = 320000
D = 128
EPS = 1e-5

NC = 2
NS = 16
NW = NC * NS
C = 128
G = 80
EPW_PAD = G * C
BC = 8
NBLK = G // BC
N_PAD = 10240
RPT = N_PAD // NS

_mesh = plsc.VectorSubcoreMesh(core_axis_name="c", subcore_axis_name="s")


@functools.partial(
    pl.kernel,
    out_type=jax.ShapeDtypeStruct((NC * N_PAD, D), jnp.float32),
    mesh=_mesh,
    scratch_types=[
        pltpu.VMEM((2, BC, C), jnp.int32),
        pltpu.VMEM((2, BC, C), jnp.int32),
        pltpu.VMEM((2, C, D), jnp.float32),
        pltpu.VMEM_SHARED((N_PAD, D), jnp.float32),
        pltpu.SemaphoreType.DMA((2,)),
        pltpu.SemaphoreType.DMA((2,)),
    ],
)
def _sc_aggregate(features_hbm, srcs_hbm, dsts_hbm, zeros_hbm, out_hbm,
                  sidx, didx, rows_v, agg_sh, isem, gsem):
    cid = lax.axis_index("c")
    sid = lax.axis_index("s")
    wid = sid * NC + cid

    def fetch_block(k, s):
        pltpu.async_copy(srcs_hbm.at[wid].at[pl.ds(k * BC, BC)], sidx.at[s],
                         isem.at[s])
        pltpu.async_copy(dsts_hbm.at[wid].at[pl.ds(k * BC, BC)], didx.at[s],
                         isem.at[s])

    def wait_block(s):
        pltpu.make_async_copy(srcs_hbm.at[wid].at[pl.ds(0, BC)], sidx.at[s],
                              isem.at[s]).wait()
        pltpu.make_async_copy(dsts_hbm.at[wid].at[pl.ds(0, BC)], didx.at[s],
                              isem.at[s]).wait()

    def start_gather(s, j, r):
        pltpu.async_copy(features_hbm.at[sidx.at[s, j]], rows_v.at[r],
                         gsem.at[r])

    def wait_gather(r):
        pltpu.make_async_copy(features_hbm.at[sidx.at[0, 0]], rows_v.at[r],
                              gsem.at[r]).wait()

    fetch_block(0, 0)
    fetch_block(1, 1)
    wait_block(0)
    start_gather(0, 0, 0)
    start_gather(0, 1, 1)
    pltpu.sync_copy(zeros_hbm.at[pl.ds(sid * RPT, RPT)],
                    agg_sh.at[pl.ds(sid * RPT, RPT)])
    plsc.subcore_barrier()

    @pl.loop(0, NBLK // 2)
    def _outer(o):
        for s in range(2):
            k = 2 * o + s
            for j in range(BC):
                g = k * BC + j
                r = j % 2
                wait_gather(r)
                pltpu.sync_copy(rows_v.at[r], agg_sh.at[didx.at[s, j]],
                                add=True)
                if j == 2:
                    @pl.when(jnp.logical_and(k >= 1, k + 1 <= NBLK - 1))
                    def _():
                        fetch_block(k + 1, 1 - s)
                if j == 6:
                    @pl.when(k + 1 <= NBLK - 1)
                    def _():
                        wait_block(1 - s)
                if j < BC - 2:
                    start_gather(s, j + 2, r)
                else:
                    @pl.when(g + 2 < G)
                    def _():
                        start_gather(1 - s, j - (BC - 2), r)

    plsc.subcore_barrier()
    pltpu.sync_copy(agg_sh.at[pl.ds(sid * RPT, RPT)],
                    out_hbm.at[pl.ds(cid * N_PAD + sid * RPT, RPT)])


def _tc_finish_body(parts_ref, feat_ref, w_ref, b_ref, gamma_ref, beta_ref,
                    out_ref):
    agg = parts_ref[:N, :] + parts_ref[N_PAD:N_PAD + N, :]
    h = jnp.dot(agg, w_ref[...], preferred_element_type=jnp.float32)
    h = h + b_ref[...]
    mean = jnp.mean(h, axis=0, keepdims=True)
    hc = h - mean
    var = jnp.mean(hc * hc, axis=0, keepdims=True)
    out_ref[...] = (feat_ref[...]
                    + hc * lax.rsqrt(var + EPS) * gamma_ref[...]
                    + beta_ref[...])


_tc_finish = pl.pallas_call(
    _tc_finish_body,
    out_shape=jax.ShapeDtypeStruct((N, D), jnp.float32),
)


def kernel(features, edge_index, W, b, gamma, beta):
    epw = E // NW
    src = edge_index[0].astype(jnp.int32).reshape(NW, epw)
    dst = edge_index[1].astype(jnp.int32).reshape(NW, epw)
    src = jnp.pad(src, ((0, 0), (0, EPW_PAD - epw))).reshape(NW, G, C)
    dst = jnp.pad(dst, ((0, 0), (0, EPW_PAD - epw)),
                  constant_values=N).reshape(NW, G, C)
    zeros = jnp.zeros((N_PAD, D), jnp.float32)
    parts = _sc_aggregate(features, src, dst, zeros)
    return _tc_finish(parts, features, W,
                      b.reshape(1, D), gamma.reshape(1, D), beta.reshape(1, D))

# --- scband reference (transcript-rebuilt; emitter-appended) ---
"""Pipeline reference for scband-gcnlayer-69552700391515 (READ-ONLY COPY).

The authoritative reference and input builder live on the scoring server;
editing this copy changes nothing except your own understanding.
"""

import jax, jax.numpy as jnp
import numpy as np

N_NODES = 10000
N_EDGES = 320000
D = 128
EPS = 1e-5

def setup_inputs(seed: int = 0) -> dict:
    key = jax.random.key(seed)
    k1, k2, k3, k4 = jax.random.split(key, 4)
    features = jax.random.normal(k1, (N_NODES, D), dtype=jnp.float32)
    edge_index = jax.random.randint(k2, (2, N_EDGES), 0, N_NODES, dtype=jnp.int64)
    # apply_func = Linear(indim=128, outdim=128)
    W = jax.random.normal(k3, (D, D), dtype=jnp.float32) * (1.0 / np.sqrt(D))
    b = jnp.zeros((D,), dtype=jnp.float32)
    # BatchNorm1d affine params
    gamma = jnp.ones((D,), dtype=jnp.float32)
    beta = jnp.zeros((D,), dtype=jnp.float32)
    return {"features": features, "edge_index": edge_index, "W": W, "b": b, "gamma": gamma, "beta": beta}

def reference(features, edge_index, W, b, gamma, beta):
    src = edge_index[0]
    dst = edge_index[1]
    h_in = features
    # update_all(copy_src, sum): scatter-add source features into destination nodes
    msgs = jnp.take(features, src, axis=0)
    agg = jax.ops.segment_sum(msgs, dst, num_segments=features.shape[0])
    # apply_func: Linear
    h = agg @ W + b
    # BatchNorm1d (training mode, biased variance)
    mean = jnp.mean(h, axis=0)
    var = jnp.var(h, axis=0)
    h = (h - mean) / jnp.sqrt(var + EPS) * gamma + beta
    # activation is None; residual (indim == outdim)
    h = h_in + h
    # dropout p=0.0 -> identity
    return h

if __name__ == "__main__":
    import jax
    _d = setup_inputs()
    print(jax.jit(kernel)(*tuple(_d.values())))

</pallas_src>

<mosaic_0001>
#map = affine_map<(d0, d1) -> (0, 0)>
#map1 = affine_map<(d0, d1) -> (0, 0, 0)>
module attributes {stable_mosaic.version = 14 : i64} {
  func.func @_sc_aggregate(%arg0: i32, %arg1: i32, %arg2: memref<10000x128xf32, #tpu.memory_space<hbm>>, %arg3: memref<32x80x128xi32, #tpu.memory_space<hbm>>, %arg4: memref<32x80x128xi32, #tpu.memory_space<hbm>>, %arg5: memref<10240x128xf32, #tpu.memory_space<hbm>>, %arg6: memref<20480x128xf32, #tpu.memory_space<hbm>>, %arg7: memref<2x8x128xi32, #tpu.memory_space<vmem>>, %arg8: memref<2x8x128xi32, #tpu.memory_space<vmem>>, %arg9: memref<2x128x128xf32, #tpu.memory_space<vmem>>, %arg10: memref<10240x128xf32, #tpu.memory_space<vmem_shared>>, %arg11: memref<2x!tpu.dma_semaphore, #tpu.memory_space<semaphore_mem>>, %arg12: memref<2x!tpu.dma_semaphore, #tpu.memory_space<semaphore_mem>>) attributes {dimension_semantics = [#tpu.dimension_semantics<core_parallel>, #tpu.dimension_semantics<subcore_parallel>], iteration_bounds = array<i64: 2, 16>, scalar_prefetch = 0 : i64, scratch_operands = 6 : i64, tpu.core_type = #tpu.core_type<sc_vector_subcore>, window_params = [{transform_indices = #map}, {transform_indices = #map1}, {transform_indices = #map1}, {transform_indices = #map}, {transform_indices = #map}]} {
    %mul3A = arith.constant 2 : i32
    %mul3A_0 = arith.muli %arg1, %mul3A : i32
    %add3A = arith.addi %mul3A_0, %arg0 : i32
    %dma_start3A = arith.constant 0 : i32
    %dma_start3A_1 = arith.constant 0 : i32
    %dma_start3A_2 = arith.constant 0 : i32
    %dma_start3A_3 = arith.constant 0 : i32
    %dma_start3A_4 = tpu.memref_slice %arg7[%dma_start3A, %dma_start3A_2, %dma_start3A_3] : memref<2x8x128xi32, #tpu.memory_space<vmem>> -> memref<1x8x128xi32, #tpu.memory_space<vmem>>
    %dma_start3A_5 = tpu.memref_squeeze %dma_start3A_4 : memref<1x8x128xi32, #tpu.memory_space<vmem>> -> memref<8x128xi32, #tpu.memory_space<vmem>>
    %dma_start3A_6 = arith.constant 0 : i32
    %dma_start3A_7 = arith.constant 0 : i32
    %dma_start3A_8 = tpu.memref_slice %arg3[%add3A, %dma_start3A_6, %dma_start3A_7] : memref<32x80x128xi32, #tpu.memory_space<hbm>> -> memref<1x80x128xi32, #tpu.memory_space<hbm>>
    %dma_start3A_9 = tpu.memref_squeeze %dma_start3A_8 : memref<1x80x128xi32, #tpu.memory_space<hbm>> -> memref<80x128xi32, #tpu.memory_space<hbm>>
    %dma_start3A_10 = arith.constant 0 : i32
    %dma_start3A_11 = arith.constant 0 : i32
    %dma_start3A_12 = tpu.memref_slice %dma_start3A_9[%dma_start3A_10, %dma_start3A_11] : memref<80x128xi32, #tpu.memory_space<hbm>> -> memref<8x128xi32, #tpu.memory_space<hbm>>
    %dma_start3A_13 = tpu.memref_slice %arg11[%dma_start3A_1] : memref<2x!tpu.dma_semaphore, #tpu.memory_space<semaphore_mem>> -> memref<1x!tpu.dma_semaphore, #tpu.memory_space<semaphore_mem>>
    %dma_start3A_14 = tpu.memref_squeeze %dma_start3A_13 : memref<1x!tpu.dma_semaphore, #tpu.memory_space<semaphore_mem>> -> memref<!tpu.dma_semaphore, #tpu.memory_space<semaphore_mem>>
    %dma_start3A_15 = arith.constant 0 : i32
    %dma_start3A_16 = arith.constant 0 : i32
    %dma_start3A_17 = tpu.memref_slice %arg7[%dma_start3A, %dma_start3A_15, %dma_start3A_16] : memref<2x8x128xi32, #tpu.memory_space<vmem>> -> memref<1x8x128xi32, #tpu.memory_space<vmem>>
    %dma_start3A_18 = tpu.memref_squeeze %dma_start3A_17 : memref<1x8x128xi32, #tpu.memory_space<vmem>> -> memref<8x128xi32, #tpu.memory_space<vmem>>
    %dma_start3A_19 = arith.constant 0 : i32
    %dma_start3A_20 = arith.constant 0 : i32
    %dma_start3A_21 = tpu.memref_slice %arg3[%add3A, %dma_start3A_19, %dma_start3A_20] : memref<32x80x128xi32, #tpu.memory_space<hbm>> -> memref<1x80x128xi32, #tpu.memory_space<hbm>>
    %dma_start3A_22 = tpu.memref_squeeze %dma_start3A_21 : memref<1x80x128xi32, #tpu.memory_space<hbm>> -> memref<80x128xi32, #tpu.memory_space<hbm>>
    %dma_start3A_23 = arith.constant 0 : i32
    %dma_start3A_24 = arith.constant 0 : i32
    %dma_start3A_25 = tpu.memref_slice %dma_start3A_22[%dma_start3A_23, %dma_start3A_24] : memref<80x128xi32, #tpu.memory_space<hbm>> -> memref<8x128xi32, #tpu.memory_space<hbm>>
    tpu.enqueue_dma source(%dma_start3A_25 : memref<8x128xi32, #tpu.memory_space<hbm>>) target(%dma_start3A_18 : memref<8x128xi32, #tpu.memory_space<vmem>>) target_semaphore(%dma_start3A_14 : memref<!tpu.dma_semaphore, #tpu.memory_space<semaphore_mem>>)
    %dma_start3A_26 = arith.constant 0 : i32
    %dma_start3A_27 = arith.constant 0 : i32
    %dma_start3A_28 = arith.constant 0 : i32
    %dma_start3A_29 = arith.constant 0 : i32
    %dma_start3A_30 = tpu.memref_slice %arg8[%dma_start3A_26, %dma_start3A_28, %dma_start3A_29] : memref<2x8x128xi32, #tpu.memory_space<vmem>> -> memref<1x8x128xi32, #tpu.memory_space<vmem>>
    %dma_start3A_31 = tpu.memref_squeeze %dma_start3A_30 : memref<1x8x128xi32, #tpu.memory_space<vmem>> -> memref<8x128xi32, #tpu.memory_space<vmem>>
    %dma_start3A_32 = arith.constant 0 : i32
    %dma_start3A_33 = arith.constant 0 : i32
    %dma_start3A_34 = tpu.memref_slice %arg4[%add3A, %dma_start3A_32, %dma_start3A_33] : memref<32x80x128xi32, #tpu.memory_space<hbm>> -> memref<1x80x128xi32, #tpu.memory_space<hbm>>
    %dma_start3A_35 = tpu.memref_squeeze %dma_start3A_34 : memref<1x80x128xi32, #tpu.memory_space<hbm>> -> memref<80x128xi32, #tpu.memory_space<hbm>>
    %dma_start3A_36 = arith.constant 0 : i32
    %dma_start3A_37 = arith.constant 0 : i32
    %dma_start3A_38 = tpu.memref_slice %dma_start3A_35[%dma_start3A_36, %dma_start3A_37] : memref<80x128xi32, #tpu.memory_space<hbm>> -> memref<8x128xi32, #tpu.memory_space<hbm>>
    %dma_start3A_39 = tpu.memref_slice %arg11[%dma_start3A_27] : memref<2x!tpu.dma_semaphore, #tpu.memory_space<semaphore_mem>> -> memref<1x!tpu.dma_semaphore, #tpu.memory_space<semaphore_mem>>
    %dma_start3A_40 = tpu.memref_squeeze %dma_start3A_39 : memref<1x!tpu.dma_semaphore, #tpu.memory_space<semaphore_mem>> -> memref<!tpu.dma_semaphore, #tpu.memory_space<semaphore_mem>>
    %dma_start3A_41 = arith.constant 0 : i32
    %dma_start3A_42 = arith.constant 0 : i32
    %dma_start3A_43 = tpu.memref_slice %arg8[%dma_start3A_26, %dma_start3A_41, %dma_start3A_42] : memref<2x8x128xi32, #tpu.memory_space<vmem>> -> memref<1x8x128xi32, #tpu.memory_space<vmem>>
    %dma_start3A_44 = tpu.memref_squeeze %dma_start3A_43 : memref<1x8x128xi32, #tpu.memory_space<vmem>> -> memref<8x128xi32, #tpu.memory_space<vmem>>
    %dma_start3A_45 = arith.constant 0 : i32
    %dma_start3A_46 = arith.constant 0 : i32
    %dma_start3A_47 = tpu.memref_slice %arg4[%add3A, %dma_start3A_45, %dma_start3A_46] : memref<32x80x128xi32, #tpu.memory_space<hbm>> -> memref<1x80x128xi32, #tpu.memory_space<hbm>>
    %dma_start3A_48 = tpu.memref_squeeze %dma_start3A_47 : memref<1x80x128xi32, #tpu.memory_space<hbm>> -> memref<80x128xi32, #tpu.memory_space<hbm>>
    %dma_start3A_49 = arith.constant 0 : i32
    %dma_start3A_50 = arith.constant 0 : i32
    %dma_start3A_51 = tpu.memref_slice %dma_start3A_48[%dma_start3A_49, %dma_start3A_50] : memref<80x128xi32, #tpu.memory_space<hbm>> -> memref<8x128xi32, #tpu.memory_space<hbm>>
    tpu.enqueue_dma source(%dma_start3A_51 : memref<8x128xi32, #tpu.memory_space<hbm>>) target(%dma_start3A_44 : memref<8x128xi32, #tpu.memory_space<vmem>>) target_semaphore(%dma_start3A_40 : memref<!tpu.dma_semaphore, #tpu.memory_space<semaphore_mem>>)
    %dma_start3A_52 = arith.constant 1 : i32
    %dma_start3A_53 = arith.constant 1 : i32
    %dma_start3A_54 = arith.constant 0 : i32
    %dma_start3A_55 = arith.constant 0 : i32
    %dma_start3A_56 = tpu.memref_slice %arg7[%dma_start3A_52, %dma_start3A_54, %dma_start3A_55] : memref<2x8x128xi32, #tpu.memory_space<vmem>> -> memref<1x8x128xi32, #tpu.memory_space<vmem>>
    %dma_start3A_57 = tpu.memref_squeeze %dma_start3A_56 : memref<1x8x128xi32, #tpu.memory_space<vmem>> -> memref<8x128xi32, #tpu.memory_space<vmem>>
    %dma_start3A_58 = arith.constant 0 : i32
    %dma_start3A_59 = arith.constant 0 : i32
    %dma_start3A_60 = tpu.memref_slice %arg3[%add3A, %dma_start3A_58, %dma_start3A_59] : memref<32x80x128xi32, #tpu.memory_space<hbm>> -> memref<1x80x128xi32, #tpu.memory_space<hbm>>
    %dma_start3A_61 = tpu.memref_squeeze %dma_start3A_60 : memref<1x80x128xi32, #tpu.memory_space<hbm>> -> memref<80x128xi32, #tpu.memory_space<hbm>>
    %dma_start3A_62 = arith.constant 8 : i32
    %dma_start3A_63 = arith.constant 0 : i32
    %dma_start3A_64 = tpu.memref_slice %dma_start3A_61[%dma_start3A_62, %dma_start3A_63] : memref<80x128xi32, #tpu.memory_space<hbm>> -> memref<8x128xi32, #tpu.memory_space<hbm>>
    %dma_start3A_65 = tpu.memref_slice %arg11[%dma_start3A_53] : memref<2x!tpu.dma_semaphore, #tpu.memory_space<semaphore_mem>> -> memref<1x!tpu.dma_semaphore, #tpu.memory_space<semaphore_mem>>
    %dma_start3A_66 = tpu.memref_squeeze %dma_start3A_65 : memref<1x!tpu.dma_semaphore, #tpu.memory_space<semaphore_mem>> -> memref<!tpu.dma_semaphore, #tpu.memory_space<semaphore_mem>>
    %dma_start3A_67 = arith.constant 0 : i32
    %dma_start3A_68 = arith.constant 0 : i32
    %dma_start3A_69 = tpu.memref_slice %arg7[%dma_start3A_52, %dma_start3A_67, %dma_start3A_68] : memref<2x8x128xi32, #tpu.memory_space<vmem>> -> memref<1x8x128xi32, #tpu.memory_space<vmem>>
    %dma_start3A_70 = tpu.memref_squeeze %dma_start3A_69 : memref<1x8x128xi32, #tpu.memory_space<vmem>> -> memref<8x128xi32, #tpu.memory_space<vmem>>
    %dma_start3A_71 = arith.constant 0 : i32
    %dma_start3A_72 = arith.constant 0 : i32
    %dma_start3A_73 = tpu.memref_slice %arg3[%add3A, %dma_start3A_71, %dma_start3A_72] : memref<32x80x128xi32, #tpu.memory_space<hbm>> -> memref<1x80x128xi32, #tpu.memory_space<hbm>>
    %dma_start3A_74 = tpu.memref_squeeze %dma_start3A_73 : memref<1x80x128xi32, #tpu.memory_space<hbm>> -> memref<80x128xi32, #tpu.memory_space<hbm>>
    %dma_start3A_75 = arith.constant 8 : i32
    %dma_start3A_76 = arith.constant 0 : i32
    %dma_start3A_77 = tpu.memref_slice %dma_start3A_74[%dma_start3A_75, %dma_start3A_76] : memref<80x128xi32, #tpu.memory_space<hbm>> -> memref<8x128xi32, #tpu.memory_space<hbm>>
    tpu.enqueue_dma source(%dma_start3A_77 : memref<8x128xi32, #tpu.memory_space<hbm>>) target(%dma_start3A_70 : memref<8x128xi32, #tpu.memory_space<vmem>>) target_semaphore(%dma_start3A_66 : memref<!tpu.dma_semaphore, #tpu.memory_space<semaphore_mem>>)
    %dma_start3A_78 = arith.constant 1 : i32
    %dma_start3A_79 = arith.constant 1 : i32
    %dma_start3A_80 = arith.constant 0 : i32
    %dma_start3A_81 = arith.constant 0 : i32
    %dma_start3A_82 = tpu.memref_slice %arg8[%dma_start3A_78, %dma_start3A_80, %dma_start3A_81] : memref<2x8x128xi32, #tpu.memory_space<vmem>> -> memref<1x8x128xi32, #tpu.memory_space<vmem>>
    %dma_start3A_83 = tpu.memref_squeeze %dma_start3A_82 : memref<1x8x128xi32, #tpu.memory_space<vmem>> -> memref<8x128xi32, #tpu.memory_space<vmem>>
    %dma_start3A_84 = arith.constant 0 : i32
    %dma_start3A_85 = arith.constant 0 : i32
    %dma_start3A_86 = tpu.memref_slice %arg4[%add3A, %dma_start3A_84, %dma_start3A_85] : memref<32x80x128xi32, #tpu.memory_space<hbm>> -> memref<1x80x128xi32, #tpu.memory_space<hbm>>
    %dma_start3A_87 = tpu.memref_squeeze %dma_start3A_86 : memref<1x80x128xi32, #tpu.memory_space<hbm>> -> memref<80x128xi32, #tpu.memory_space<hbm>>
    %dma_start3A_88 = arith.constant 8 : i32
    %dma_start3A_89 = arith.constant 0 : i32
    %dma_start3A_90 = tpu.memref_slice %dma_start3A_87[%dma_start3A_88, %dma_start3A_89] : memref<80x128xi32, #tpu.memory_space<hbm>> -> memref<8x128xi32, #tpu.memory_space<hbm>>
    %dma_start3A_91 = tpu.memref_slice %arg11[%dma_start3A_79] : memref<2x!tpu.dma_semaphore, #tpu.memory_space<semaphore_mem>> -> memref<1x!tpu.dma_semaphore, #tpu.memory_space<semaphore_mem>>
    %dma_start3A_92 = tpu.memref_squeeze %dma_start3A_91 : memref<1x!tpu.dma_semaphore, #tpu.memory_space<semaphore_mem>> -> memref<!tpu.dma_semaphore, #tpu.memory_space<semaphore_mem>>
    %dma_start3A_93 = arith.constant 0 : i32
    %dma_start3A_94 = arith.constant 0 : i32
    %dma_start3A_95 = tpu.memref_slice %arg8[%dma_start3A_78, %dma_start3A_93, %dma_start3A_94] : memref<2x8x128xi32, #tpu.memory_space<vmem>> -> memref<1x8x128xi32, #tpu.memory_space<vmem>>
    %dma_start3A_96 = tpu.memref_squeeze %dma_start3A_95 : memref<1x8x128xi32, #tpu.memory_space<vmem>> -> memref<8x128xi32, #tpu.memory_space<vmem>>
    %dma_start3A_97 = arith.constant 0 : i32
    %dma_start3A_98 = arith.constant 0 : i32
    %dma_start3A_99 = tpu.memref_slice %arg4[%add3A, %dma_start3A_97, %dma_start3A_98] : memref<32x80x128xi32, #tpu.memory_space<hbm>> -> memref<1x80x128xi32, #tpu.memory_space<hbm>>
    %dma_start3A_100 = tpu.memref_squeeze %dma_start3A_99 : memref<1x80x128xi32, #tpu.memory_space<hbm>> -> memref<80x128xi32, #tpu.memory_space<hbm>>
    %dma_start3A_101 = arith.constant 8 : i32
    %dma_start3A_102 = arith.constant 0 : i32
    %dma_start3A_103 = tpu.memref_slice %dma_start3A_100[%dma_start3A_101, %dma_start3A_102] : memref<80x128xi32, #tpu.memory_space<hbm>> -> memref<8x128xi32, #tpu.memory_space<hbm>>
    tpu.enqueue_dma source(%dma_start3A_103 : memref<8x128xi32, #tpu.memory_space<hbm>>) target(%dma_start3A_96 : memref<8x128xi32, #tpu.memory_space<vmem>>) target_semaphore(%dma_start3A_92 : memref<!tpu.dma_semaphore, #tpu.memory_space<semaphore_mem>>)
    %dma_wait3A = arith.constant 0 : i32
    %dma_wait3A_104 = arith.constant 0 : i32
    %dma_wait3A_105 = arith.constant 0 : i32
    %dma_wait3A_106 = arith.constant 0 : i32
    %dma_wait3A_107 = tpu.memref_slice %arg7[%dma_wait3A, %dma_wait3A_105, %dma_wait3A_106] : memref<2x8x128xi32, #tpu.memory_space<vmem>> -> memref<1x8x128xi32, #tpu.memory_space<vmem>>
    %dma_wait3A_108 = tpu.memref_squeeze %dma_wait3A_107 : memref<1x8x128xi32, #tpu.memory_space<vmem>> -> memref<8x128xi32, #tpu.memory_space<vmem>>
    %dma_wait3A_109 = arith.constant 0 : i32
    %dma_wait3A_110 = arith.constant 0 : i32
    %dma_wait3A_111 = tpu.memref_slice %arg3[%add3A, %dma_wait3A_109, %dma_wait3A_110] : memref<32x80x128xi32, #tpu.memory_space<hbm>> -> memref<1x80x128xi32, #tpu.memory_space<hbm>>
    %dma_wait3A_112 = tpu.memref_squeeze %dma_wait3A_111 : memref<1x80x128xi32, #tpu.memory_space<hbm>> -> memref<80x128xi32, #tpu.memory_space<hbm>>
    %dma_wait3A_113 = arith.constant 0 : i32
    %dma_wait3A_114 = arith.constant 0 : i32
    %dma_wait3A_115 = tpu.memref_slice %dma_wait3A_112[%dma_wait3A_113, %dma_wait3A_114] : memref<80x128xi32, #tpu.memory_space<hbm>> -> memref<8x128xi32, #tpu.memory_space<hbm>>
    %dma_wait3A_116 = tpu.memref_slice %arg11[%dma_wait3A_104] : memref<2x!tpu.dma_semaphore, #tpu.memory_space<semaphore_mem>> -> memref<1x!tpu.dma_semaphore, #tpu.memory_space<semaphore_mem>>
    %dma_wait3A_117 = tpu.memref_squeeze %dma_wait3A_116 : memref<1x!tpu.dma_semaphore, #tpu.memory_space<semaphore_mem>> -> memref<!tpu.dma_semaphore, #tpu.memory_space<semaphore_mem>>
    %dma_wait3A_118 = arith.constant 0 : i32
    %dma_wait3A_119 = arith.constant 0 : i32
    %dma_wait3A_120 = tpu.memref_slice %arg7[%dma_wait3A, %dma_wait3A_118, %dma_wait3A_119] : memref<2x8x128xi32, #tpu.memory_space<vmem>> -> memref<1x8x128xi32, #tpu.memory_space<vmem>>
    %dma_wait3A_121 = tpu.memref_squeeze %dma_wait3A_120 : memref<1x8x128xi32, #tpu.memory_space<vmem>> -> memref<8x128xi32, #tpu.memory_space<vmem>>
    %dma_wait3A_122 = arith.constant 0 : i32
    %dma_wait3A_123 = arith.constant 0 : i32
    %dma_wait3A_124 = tpu.memref_slice %arg3[%add3A, %dma_wait3A_122, %dma_wait3A_123] : memref<32x80x128xi32, #tpu.memory_space<hbm>> -> memref<1x80x128xi32, #tpu.memory_space<hbm>>
    %dma_wait3A_125 = tpu.memref_squeeze %dma_wait3A_124 : memref<1x80x128xi32, #tpu.memory_space<hbm>> -> memref<80x128xi32, #tpu.memory_space<hbm>>
    %dma_wait3A_126 = arith.constant 0 : i32
    %dma_wait3A_127 = arith.constant 0 : i32
    %dma_wait3A_128 = tpu.memref_slice %dma_wait3A_125[%dma_wait3A_126, %dma_wait3A_127] : memref<80x128xi32, #tpu.memory_space<hbm>> -> memref<8x128xi32, #tpu.memory_space<hbm>>
    tpu.wait_dma2 semaphore(%dma_wait3A_117 : memref<!tpu.dma_semaphore, #tpu.memory_space<semaphore_mem>>) src(%dma_wait3A_128 : memref<8x128xi32, #tpu.memory_space<hbm>>) dst(%dma_wait3A_121 : memref<8x128xi32, #tpu.memory_space<vmem>>)
    %dma_wait3A_129 = arith.constant 0 : i32
    %dma_wait3A_130 = arith.constant 0 : i32
    %dma_wait3A_131 = arith.constant 0 : i32
    %dma_wait3A_132 = arith.constant 0 : i32
    %dma_wait3A_133 = tpu.memref_slice %arg8[%dma_wait3A_129, %dma_wait3A_131, %dma_wait3A_132] : memref<2x8x128xi32, #tpu.memory_space<vmem>> -> memref<1x8x128xi32, #tpu.memory_space<vmem>>
    %dma_wait3A_134 = tpu.memref_squeeze %dma_wait3A_133 : memref<1x8x128xi32, #tpu.memory_space<vmem>> -> memref<8x128xi32, #tpu.memory_space<vmem>>
    %dma_wait3A_135 = arith.constant 0 : i32
    %dma_wait3A_136 = arith.constant 0 : i32
    %dma_wait3A_137 = tpu.memref_slice %arg4[%add3A, %dma_wait3A_135, %dma_wait3A_136] : memref<32x80x128xi32, #tpu.memory_space<hbm>> -> memref<1x80x128xi32, #tpu.memory_space<hbm>>
    %dma_wait3A_138 = tpu.memref_squeeze %dma_wait3A_137 : memref<1x80x128xi32, #tpu.memory_space<hbm>> -> memref<80x128xi32, #tpu.memory_space<hbm>>
    %dma_wait3A_139 = arith.constant 0 : i32
    %dma_wait3A_140 = arith.constant 0 : i32
    %dma_wait3A_141 = tpu.memref_slice %dma_wait3A_138[%dma_wait3A_139, %dma_wait3A_140] : memref<80x128xi32, #tpu.memory_space<hbm>> -> memref<8x128xi32, #tpu.memory_space<hbm>>
    %dma_wait3A_142 = tpu.memref_slice %arg11[%dma_wait3A_130] : memref<2x!tpu.dma_semaphore, #tpu.memory_space<semaphore_mem>> -> memref<1x!tpu.dma_semaphore, #tpu.memory_space<semaphore_mem>>
    %dma_wait3A_143 = tpu.memref_squeeze %dma_wait3A_142 : memref<1x!tpu.dma_semaphore, #tpu.memory_space<semaphore_mem>> -> memref<!tpu.dma_semaphore, #tpu.memory_space<semaphore_mem>>
    %dma_wait3A_144 = arith.constant 0 : i32
    %dma_wait3A_145 = arith.constant 0 : i32
    %dma_wait3A_146 = tpu.memref_slice %arg8[%dma_wait3A_129, %dma_wait3A_144, %dma_wait3A_145] : memref<2x8x128xi32, #tpu.memory_space<vmem>> -> memref<1x8x128xi32, #tpu.memory_space<vmem>>
    %dma_wait3A_147 = tpu.memref_squeeze %dma_wait3A_146 : memref<1x8x128xi32, #tpu.memory_space<vmem>> -> memref<8x128xi32, #tpu.memory_space<vmem>>
    %dma_wait3A_148 = arith.constant 0 : i32
    %dma_wait3A_149 = arith.constant 0 : i32
    %dma_wait3A_150 = tpu.memref_slice %arg4[%add3A, %dma_wait3A_148, %dma_wait3A_149] : memref<32x80x128xi32, #tpu.memory_space<hbm>> -> memref<1x80x128xi32, #tpu.memory_space<hbm>>
    %dma_wait3A_151 = tpu.memref_squeeze %dma_wait3A_150 : memref<1x80x128xi32, #tpu.memory_space<hbm>> -> memref<80x128xi32, #tpu.memory_space<hbm>>
    %dma_wait3A_152 = arith.constant 0 : i32
    %dma_wait3A_153 = arith.constant 0 : i32
    %dma_wait3A_154 = tpu.memref_slice %dma_wait3A_151[%dma_wait3A_152, %dma_wait3A_153] : memref<80x128xi32, #tpu.memory_space<hbm>> -> memref<8x128xi32, #tpu.memory_space<hbm>>
    tpu.wait_dma2 semaphore(%dma_wait3A_143 : memref<!tpu.dma_semaphore, #tpu.memory_space<semaphore_mem>>) src(%dma_wait3A_154 : memref<8x128xi32, #tpu.memory_space<hbm>>) dst(%dma_wait3A_147 : memref<8x128xi32, #tpu.memory_space<vmem>>)
    %dma_start3A_155 = arith.constant 0 : i32
    %dma_start3A_156 = arith.constant 0 : i32
    %dma_start3A_157 = arith.constant 0 : i32
    %dma_start3A_158 = arith.constant 0 : i32
    %dma_start3A_159 = arith.constant 0 : i32
    %dma_start3A_160 = arith.constant 0 : i32
    %dma_start3A_161 = tpu.memref_slice %arg9[%dma_start3A_157, %dma_start3A_159, %dma_start3A_160] : memref<2x128x128xf32, #tpu.memory_space<vmem>> -> memref<1x128x128xf32, #tpu.memory_space<vmem>>
    %dma_start3A_162 = tpu.memref_squeeze %dma_start3A_161 : memref<1x128x128xf32, #tpu.memory_space<vmem>> -> memref<128x128xf32, #tpu.memory_space<vmem>>
    %dma_start3A_163 = arith.constant 0 : i32
    %dma_start3A_164 = tpu.memref_slice %arg7[%dma_start3A_155, %dma_start3A_156, %dma_start3A_163] : memref<2x8x128xi32, #tpu.memory_space<vmem>> -> memref<1x1x128xi32, #tpu.memory_space<vmem>>
    %dma_start3A_165 = tpu.memref_squeeze %dma_start3A_164 : memref<1x1x128xi32, #tpu.memory_space<vmem>> -> memref<128xi32, #tpu.memory_space<vmem>>
    %dma_start3A_166 = arith.constant 0 : i32
    %dma_start3A_167 = arith.constant 0 : i32
    %dma_start3A_168 = tpu.memref_slice %arg2[%dma_start3A_166, %dma_start3A_167] : memref<10000x128xf32, #tpu.memory_space<hbm>> -> memref<10000x128xf32, #tpu.memory_space<hbm>>
    %dma_start3A_169 = tpu.memref_slice %arg12[%dma_start3A_158] : memref<2x!tpu.dma_semaphore, #tpu.memory_space<semaphore_mem>> -> memref<1x!tpu.dma_semaphore, #tpu.memory_space<semaphore_mem>>
    %dma_start3A_170 = tpu.memref_squeeze %dma_start3A_169 : memref<1x!tpu.dma_semaphore, #tpu.memory_space<semaphore_mem>> -> memref<!tpu.dma_semaphore, #tpu.memory_space<semaphore_mem>>
    tpu.enqueue_indirect_dma source(%dma_start3A_168 : memref<10000x128xf32, #tpu.memory_space<hbm>>) target(%dma_start3A_162 : memref<128x128xf32, #tpu.memory_space<vmem>>) offsets(%dma_start3A_165 : memref<128xi32, #tpu.memory_space<vmem>>) semaphore(%dma_start3A_170 : memref<!tpu.dma_semaphore, #tpu.memory_space<semaphore_mem>>)
    %dma_start3A_171 = arith.constant 0 : i32
    %dma_start3A_172 = arith.constant 1 : i32
    %dma_start3A_173 = arith.constant 1 : i32
    %dma_start3A_174 = arith.constant 1 : i32
    %dma_start3A_175 = arith.constant 0 : i32
    %dma_start3A_176 = arith.constant 0 : i32
    %dma_start3A_177 = tpu.memref_slice %arg9[%dma_start3A_173, %dma_start3A_175, %dma_start3A_176] : memref<2x128x128xf32, #tpu.memory_space<vmem>> -> memref<1x128x128xf32, #tpu.memory_space<vmem>>
    %dma_start3A_178 = tpu.memref_squeeze %dma_start3A_177 : memref<1x128x128xf32, #tpu.memory_space<vmem>> -> memref<128x128xf32, #tpu.memory_space<vmem>>
    %dma_start3A_179 = arith.constant 0 : i32
    %dma_start3A_180 = tpu.memref_slice %arg7[%dma_start3A_171, %dma_start3A_172, %dma_start3A_179] : memref<2x8x128xi32, #tpu.memory_space<vmem>> -> memref<1x1x128xi32, #tpu.memory_space<vmem>>
    %dma_start3A_181 = tpu.memref_squeeze %dma_start3A_180 : memref<1x1x128xi32, #tpu.memory_space<vmem>> -> memref<128xi32, #tpu.memory_space<vmem>>
    %dma_start3A_182 = arith.constant 0 : i32
    %dma_start3A_183 = arith.constant 0 : i32
    %dma_start3A_184 = tpu.memref_slice %arg2[%dma_start3A_182, %dma_start3A_183] : memref<10000x128xf32, #tpu.memory_space<hbm>> -> memref<10000x128xf32, #tpu.memory_space<hbm>>
    %dma_start3A_185 = tpu.memref_slice %arg12[%dma_start3A_174] : memref<2x!tpu.dma_semaphore, #tpu.memory_space<semaphore_mem>> -> memref<1x!tpu.dma_semaphore, #tpu.memory_space<semaphore_mem>>
    %dma_start3A_186 = tpu.memref_squeeze %dma_start3A_185 : memref<1x!tpu.dma_semaphore, #tpu.memory_space<semaphore_mem>> -> memref<!tpu.dma_semaphore, #tpu.memory_space<semaphore_mem>>
    tpu.enqueue_indirect_dma source(%dma_start3A_184 : memref<10000x128xf32, #tpu.memory_space<hbm>>) target(%dma_start3A_178 : memref<128x128xf32, #tpu.memory_space<vmem>>) offsets(%dma_start3A_181 : memref<128xi32, #tpu.memory_space<vmem>>) semaphore(%dma_start3A_186 : memref<!tpu.dma_semaphore, #tpu.memory_space<semaphore_mem>>)
    %mul3A_187 = arith.constant 640 : i32
    %mul3A_188 = arith.muli %arg1, %mul3A_187 : i32
    %mul3A_189 = arith.constant 640 : i32
    %mul3A_190 = arith.muli %arg1, %mul3A_189 : i32
    "tpu.region"() ({
      %run_scoped3A = tpu.sem_alloc : memref<!tpu.dma_semaphore, #tpu.memory_space<semaphore_mem>>
      %dma_start3A_203 = arith.constant 0 : i32
      %dma_start3A_204 = tpu.memref_slice %arg10[%mul3A_190, %dma_start3A_203] : memref<10240x128xf32, #tpu.memory_space<vmem_shared>> -> memref<640x128xf32, #tpu.memory_space<vmem_shared>>
      %dma_start3A_205 = arith.constant 0 : i32
      %dma_start3A_206 = tpu.memref_slice %arg5[%mul3A_188, %dma_start3A_205] : memref<10240x128xf32, #tpu.memory_space<hbm>> -> memref<640x128xf32, #tpu.memory_space<hbm>>
      tpu.enqueue_dma source(%dma_start3A_206 : memref<640x128xf32, #tpu.memory_space<hbm>>) target(%dma_start3A_204 : memref<640x128xf32, #tpu.memory_space<vmem_shared>>) target_semaphore(%run_scoped3A : memref<!tpu.dma_semaphore, #tpu.memory_space<semaphore_mem>>)
      %dma_wait3A_207 = arith.constant 0 : i32
      %dma_wait3A_208 = tpu.memref_slice %arg10[%mul3A_190, %dma_wait3A_207] : memref<10240x128xf32, #tpu.memory_space<vmem_shared>> -> memref<640x128xf32, #tpu.memory_space<vmem_shared>>
      %dma_wait3A_209 = arith.constant 0 : i32
      %dma_wait3A_210 = tpu.memref_slice %arg5[%mul3A_188, %dma_wait3A_209] : memref<10240x128xf32, #tpu.memory_space<hbm>> -> memref<640x128xf32, #tpu.memory_space<hbm>>
      tpu.wait_dma2 semaphore(%run_scoped3A : memref<!tpu.dma_semaphore, #tpu.memory_space<semaphore_mem>>) src(%dma_wait3A_210 : memref<640x128xf32, #tpu.memory_space<hbm>>) dst(%dma_wait3A_208 : memref<640x128xf32, #tpu.memory_space<vmem_shared>>)
      tpu.yield
    }) : () -> ()
    %barrier3A = arith.constant 0 : index
    tpu.barrier barrier_id(%barrier3A)
    %scan3A = arith.constant 0 : i32
    %scan3A_191 = arith.constant 5 : i32
    %scan3A_192 = arith.addi %scan3A, %scan3A_191 : i32
    %scan3A_193 = arith.constant 1 : i32
    scf.for %scan3A_203 = %scan3A to %scan3A_192 step %scan3A_193  : i32 {
      %mul3A_204 = arith.constant 1 : i32
      %mul3A_205 = arith.muli %scan3A_203, %mul3A_204 : i32
      %add3A_206 = arith.constant 0 : i32
      %add3A_207 = arith.addi %add3A_206, %mul3A_205 : i32
      %mul3A_208 = arith.constant 2 : i32
      %mul3A_209 = arith.muli %mul3A_208, %add3A_207 : i32
      %add3A_210 = arith.constant 0 : i32
      %add3A_211 = arith.addi %mul3A_209, %add3A_210 : i32
      %mul3A_212 = arith.constant 8 : i32
      %mul3A_213 = arith.muli %add3A_211, %mul3A_212 : i32
      %add3A_214 = arith.constant 0 : i32
      %add3A_215 = arith.addi %mul3A_213, %add3A_214 : i32
      %dma_wait3A_216 = arith.constant 0 : i32
      %dma_wait3A_217 = arith.constant 0 : i32
      %dma_wait3A_218 = arith.constant 0 : i32
      %dma_wait3A_219 = arith.constant 0 : i32
      %dma_wait3A_220 = arith.constant 0 : i32
      %dma_wait3A_221 = arith.constant 0 : i32
      %dma_wait3A_222 = tpu.memref_slice %arg9[%dma_wait3A_218, %dma_wait3A_220, %dma_wait3A_221] : memref<2x128x128xf32, #tpu.memory_space<vmem>> -> memref<1x128x128xf32, #tpu.memory_space<vmem>>
      %dma_wait3A_223 = tpu.memref_squeeze %dma_wait3A_222 : memref<1x128x128xf32, #tpu.memory_space<vmem>> -> memref<128x128xf32, #tpu.memory_space<vmem>>
      %dma_wait3A_224 = arith.constant 0 : i32
      %dma_wait3A_225 = tpu.memref_slice %arg7[%dma_wait3A_216, %dma_wait3A_217, %dma_wait3A_224] : memref<2x8x128xi32, #tpu.memory_space<vmem>> -> memref<1x1x128xi32, #tpu.memory_space<vmem>>
      %dma_wait3A_226 = tpu.memref_squeeze %dma_wait3A_225 : memref<1x1x128xi32, #tpu.memory_space<vmem>> -> memref<128xi32, #tpu.memory_space<vmem>>
      %dma_wait3A_227 = arith.constant 0 : i32
      %dma_wait3A_228 = arith.constant 0 : i32
      %dma_wait3A_229 = tpu.memref_slice %arg2[%dma_wait3A_227, %dma_wait3A_228] : memref<10000x128xf32, #tpu.memory_space<hbm>> -> memref<10000x128xf32, #tpu.memory_space<hbm>>
      %dma_wait3A_230 = tpu.memref_slice %arg12[%dma_wait3A_219] : memref<2x!tpu.dma_semaphore, #tpu.memory_space<semaphore_mem>> -> memref<1x!tpu.dma_semaphore, #tpu.memory_space<semaphore_mem>>
      %dma_wait3A_231 = tpu.memref_squeeze %dma_wait3A_230 : memref<1x!tpu.dma_semaphore, #tpu.memory_space<semaphore_mem>> -> memref<!tpu.dma_semaphore, #tpu.memory_space<semaphore_mem>>
      tpu.wait_indirect_dma semaphore(%dma_wait3A_231 : memref<!tpu.dma_semaphore, #tpu.memory_space<semaphore_mem>>) src(%dma_wait3A_229 : memref<10000x128xf32, #tpu.memory_space<hbm>>) dst(%dma_wait3A_223 : memref<128x128xf32, #tpu.memory_space<vmem>>)
      %run_scoped3A = arith.constant 0 : i32
      %run_scoped3A_232 = arith.constant 0 : i32
      %run_scoped3A_233 = arith.constant 0 : i32
      "tpu.region"() ({
        %run_scoped3A_831 = tpu.sem_alloc : memref<!tpu.dma_semaphore, #tpu.memory_space<semaphore_mem>>
        %dma_start3A_832 = arith.constant 0 : i32
        %dma_start3A_833 = arith.constant 0 : i32
        %dma_start3A_834 = tpu.memref_slice %arg9[%run_scoped3A, %dma_start3A_832, %dma_start3A_833] : memref<2x128x128xf32, #tpu.memory_space<vmem>> -> memref<1x128x128xf32, #tpu.memory_space<vmem>>
        %dma_start3A_835 = tpu.memref_squeeze %dma_start3A_834 : memref<1x128x128xf32, #tpu.memory_space<vmem>> -> memref<128x128xf32, #tpu.memory_space<vmem>>
        %dma_start3A_836 = arith.constant 0 : i32
        %dma_start3A_837 = tpu.memref_slice %arg8[%run_scoped3A_232, %run_scoped3A_233, %dma_start3A_836] : memref<2x8x128xi32, #tpu.memory_space<vmem>> -> memref<1x1x128xi32, #tpu.memory_space<vmem>>
        %dma_start3A_838 = tpu.memref_squeeze %dma_start3A_837 : memref<1x1x128xi32, #tpu.memory_space<vmem>> -> memref<128xi32, #tpu.memory_space<vmem>>
        %dma_start3A_839 = arith.constant 0 : i32
        %dma_start3A_840 = arith.constant 0 : i32
        %dma_start3A_841 = tpu.memref_slice %arg10[%dma_start3A_839, %dma_start3A_840] : memref<10240x128xf32, #tpu.memory_space<vmem_shared>> -> memref<10240x128xf32, #tpu.memory_space<vmem_shared>>
        tpu.enqueue_indirect_dma source(%dma_start3A_835 : memref<128x128xf32, #tpu.memory_space<vmem>>) target(%dma_start3A_841 : memref<10240x128xf32, #tpu.memory_space<vmem_shared>>) offsets(%dma_start3A_838 : memref<128xi32, #tpu.memory_space<vmem>>) semaphore(%run_scoped3A_831 : memref<!tpu.dma_semaphore, #tpu.memory_space<semaphore_mem>>) {add = true}
        %dma_wait3A_842 = arith.constant 0 : i32
        %dma_wait3A_843 = arith.constant 0 : i32
        %dma_wait3A_844 = tpu.memref_slice %arg9[%run_scoped3A, %dma_wait3A_842, %dma_wait3A_843] : memref<2x128x128xf32, #tpu.memory_space<vmem>> -> memref<1x128x128xf32, #tpu.memory_space<vmem>>
        %dma_wait3A_845 = tpu.memref_squeeze %dma_wait3A_844 : memref<1x128x128xf32, #tpu.memory_space<vmem>> -> memref<128x128xf32, #tpu.memory_space<vmem>>
        %dma_wait3A_846 = arith.constant 0 : i32
        %dma_wait3A_847 = tpu.memref_slice %arg8[%run_scoped3A_232, %run_scoped3A_233, %dma_wait3A_846] : memref<2x8x128xi32, #tpu.memory_space<vmem>> -> memref<1x1x128xi32, #tpu.memory_space<vmem>>
        %dma_wait3A_848 = tpu.memref_squeeze %dma_wait3A_847 : memref<1x1x128xi32, #tpu.memory_space<vmem>> -> memref<128xi32, #tpu.memory_space<vmem>>
        %dma_wait3A_849 = arith.constant 0 : i32
        %dma_wait3A_850 = arith.constant 0 : i32
        %dma_wait3A_851 = tpu.memref_slice %arg10[%dma_wait3A_849, %dma_wait3A_850] : memref<10240x128xf32, #tpu.memory_space<vmem_shared>> -> memref<10240x128xf32, #tpu.memory_space<vmem_shared>>
        tpu.wait_indirect_dma semaphore(%run_scoped3A_831 : memref<!tpu.dma_semaphore, #tpu.memory_space<semaphore_mem>>) src(%dma_wait3A_845 : memref<128x128xf32, #tpu.memory_space<vmem>>) dst(%dma_wait3A_851 : memref<10240x128xf32, #tpu.memory_space<vmem_shared>>)
        tpu.yield
      }) : () -> ()
      %dma_start3A_234 = arith.constant 0 : i32
      %dma_start3A_235 = arith.constant 2 : i32
      %dma_start3A_236 = arith.constant 0 : i32
      %dma_start3A_237 = arith.constant 0 : i32
      %dma_start3A_238 = arith.constant 0 : i32
      %dma_start3A_239 = arith.constant 0 : i32
      %dma_start3A_240 = tpu.memref_slice %arg9[%dma_start3A_236, %dma_start3A_238, %dma_start3A_239] : memref<2x128x128xf32, #tpu.memory_space<vmem>> -> memref<1x128x128xf32, #tpu.memory_space<vmem>>
      %dma_start3A_241 = tpu.memref_squeeze %dma_start3A_240 : memref<1x128x128xf32, #tpu.memory_space<vmem>> -> memref<128x128xf32, #tpu.memory_space<vmem>>
      %dma_start3A_242 = arith.constant 0 : i32
      %dma_start3A_243 = tpu.memref_slice %arg7[%dma_start3A_234, %dma_start3A_235, %dma_start3A_242] : memref<2x8x128xi32, #tpu.memory_space<vmem>> -> memref<1x1x128xi32, #tpu.memory_space<vmem>>
      %dma_start3A_244 = tpu.memref_squeeze %dma_start3A_243 : memref<1x1x128xi32, #tpu.memory_space<vmem>> -> memref<128xi32, #tpu.memory_space<vmem>>
      %dma_start3A_245 = arith.constant 0 : i32
      %dma_start3A_246 = arith.constant 0 : i32
      %dma_start3A_247 = tpu.memref_slice %arg2[%dma_start3A_245, %dma_start3A_246] : memref<10000x128xf32, #tpu.memory_space<hbm>> -> memref<10000x128xf32, #tpu.memory_space<hbm>>
      %dma_start3A_248 = tpu.memref_slice %arg12[%dma_start3A_237] : memref<2x!tpu.dma_semaphore, #tpu.memory_space<semaphore_mem>> -> memref<1x!tpu.dma_semaphore, #tpu.memory_space<semaphore_mem>>
      %dma_start3A_249 = tpu.memref_squeeze %dma_start3A_248 : memref<1x!tpu.dma_semaphore, #tpu.memory_space<semaphore_mem>> -> memref<!tpu.dma_semaphore, #tpu.memory_space<semaphore_mem>>
      tpu.enqueue_indirect_dma source(%dma_start3A_247 : memref<10000x128xf32, #tpu.memory_space<hbm>>) target(%dma_start3A_241 : memref<128x128xf32, #tpu.memory_space<vmem>>) offsets(%dma_start3A_244 : memref<128xi32, #tpu.memory_space<vmem>>) semaphore(%dma_start3A_249 : memref<!tpu.dma_semaphore, #tpu.memory_space<semaphore_mem>>)
      %mul3A_250 = arith.constant 8 : i32
      %mul3A_251 = arith.muli %add3A_211, %mul3A_250 : i32
      %add3A_252 = arith.constant 1 : i32
      %add3A_253 = arith.addi %mul3A_251, %add3A_252 : i32
      %dma_wait3A_254 = arith.constant 0 : i32
      %dma_wait3A_255 = arith.constant 0 : i32
      %dma_wait3A_256 = arith.constant 1 : i32
      %dma_wait3A_257 = arith.constant 1 : i32
      %dma_wait3A_258 = arith.constant 0 : i32
      %dma_wait3A_259 = arith.constant 0 : i32
      %dma_wait3A_260 = tpu.memref_slice %arg9[%dma_wait3A_256, %dma_wait3A_258, %dma_wait3A_259] : memref<2x128x128xf32, #tpu.memory_space<vmem>> -> memref<1x128x128xf32, #tpu.memory_space<vmem>>
      %dma_wait3A_261 = tpu.memref_squeeze %dma_wait3A_260 : memref<1x128x128xf32, #tpu.memory_space<vmem>> -> memref<128x128xf32, #tpu.memory_space<vmem>>
      %dma_wait3A_262 = arith.constant 0 : i32
      %dma_wait3A_263 = tpu.memref_slice %arg7[%dma_wait3A_254, %dma_wait3A_255, %dma_wait3A_262] : memref<2x8x128xi32, #tpu.memory_space<vmem>> -> memref<1x1x128xi32, #tpu.memory_space<vmem>>
      %dma_wait3A_264 = tpu.memref_squeeze %dma_wait3A_263 : memref<1x1x128xi32, #tpu.memory_space<vmem>> -> memref<128xi32, #tpu.memory_space<vmem>>
      %dma_wait3A_265 = arith.constant 0 : i32
      %dma_wait3A_266 = arith.constant 0 : i32
      %dma_wait3A_267 = tpu.memref_slice %arg2[%dma_wait3A_265, %dma_wait3A_266] : memref<10000x128xf32, #tpu.memory_space<hbm>> -> memref<10000x128xf32, #tpu.memory_space<hbm>>
      %dma_wait3A_268 = tpu.memref_slice %arg12[%dma_wait3A_257] : memref<2x!tpu.dma_semaphore, #tpu.memory_space<semaphore_mem>> -> memref<1x!tpu.dma_semaphore, #tpu.memory_space<semaphore_mem>>
      %dma_wait3A_269 = tpu.memref_squeeze %dma_wait3A_268 : memref<1x!tpu.dma_semaphore, #tpu.memory_space<semaphore_mem>> -> memref<!tpu.dma_semaphore, #tpu.memory_space<semaphore_mem>>
      tpu.wait_indirect_dma semaphore(%dma_wait3A_269 : memref<!tpu.dma_semaphore, #tpu.memory_space<semaphore_mem>>) src(%dma_wait3A_267 : memref<10000x128xf32, #tpu.memory_space<hbm>>) dst(%dma_wait3A_261 : memref<128x128xf32, #tpu.memory_space<vmem>>)
      %run_scoped3A_270 = arith.constant 1 : i32
      %run_scoped3A_271 = arith.constant 0 : i32
      %run_scoped3A_272 = arith.constant 1 : i32
      "tpu.region"() ({
        %run_scoped3A_831 = tpu.sem_alloc : memref<!tpu.dma_semaphore, #tpu.memory_space<semaphore_mem>>
        %dma_start3A_832 = arith.constant 0 : i32
        %dma_start3A_833 = arith.constant 0 : i32
        %dma_start3A_834 = tpu.memref_slice %arg9[%run_scoped3A_270, %dma_start3A_832, %dma_start3A_833] : memref<2x128x128xf32, #tpu.memory_space<vmem>> -> memref<1x128x128xf32, #tpu.memory_space<vmem>>
        %dma_start3A_835 = tpu.memref_squeeze %dma_start3A_834 : memref<1x128x128xf32, #tpu.memory_space<vmem>> -> memref<128x128xf32, #tpu.memory_space<vmem>>
        %dma_start3A_836 = arith.constant 0 : i32
        %dma_start3A_837 = tpu.memref_slice %arg8[%run_scoped3A_271, %run_scoped3A_272, %dma_start3A_836] : memref<2x8x128xi32, #tpu.memory_space<vmem>> -> memref<1x1x128xi32, #tpu.memory_space<vmem>>
        %dma_start3A_838 = tpu.memref_squeeze %dma_start3A_837 : memref<1x1x128xi32, #tpu.memory_space<vmem>> -> memref<128xi32, #tpu.memory_space<vmem>>
        %dma_start3A_839 = arith.constant 0 : i32
        %dma_start3A_840 = arith.constant 0 : i32
        %dma_start3A_841 = tpu.memref_slice %arg10[%dma_start3A_839, %dma_start3A_840] : memref<10240x128xf32, #tpu.memory_space<vmem_shared>> -> memref<10240x128xf32, #tpu.memory_space<vmem_shared>>
        tpu.enqueue_indirect_dma source(%dma_start3A_835 : memref<128x128xf32, #tpu.memory_space<vmem>>) target(%dma_start3A_841 : memref<10240x128xf32, #tpu.memory_space<vmem_shared>>) offsets(%dma_start3A_838 : memref<128xi32, #tpu.memory_space<vmem>>) semaphore(%run_scoped3A_831 : memref<!tpu.dma_semaphore, #tpu.memory_space<semaphore_mem>>) {add = true}
        %dma_wait3A_842 = arith.constant 0 : i32
        %dma_wait3A_843 = arith.constant 0 : i32
        %dma_wait3A_844 = tpu.memref_slice %arg9[%run_scoped3A_270, %dma_wait3A_842, %dma_wait3A_843] : memref<2x128x128xf32, #tpu.memory_space<vmem>> -> memref<1x128x128xf32, #tpu.memory_space<vmem>>
        %dma_wait3A_845 = tpu.memref_squeeze %dma_wait3A_844 : memref<1x128x128xf32, #tpu.memory_space<vmem>> -> memref<128x128xf32, #tpu.memory_space<vmem>>
        %dma_wait3A_846 = arith.constant 0 : i32
        %dma_wait3A_847 = tpu.memref_slice %arg8[%run_scoped3A_271, %run_scoped3A_272, %dma_wait3A_846] : memref<2x8x128xi32, #tpu.memory_space<vmem>> -> memref<1x1x128xi32, #tpu.memory_space<vmem>>
        %dma_wait3A_848 = tpu.memref_squeeze %dma_wait3A_847 : memref<1x1x128xi32, #tpu.memory_space<vmem>> -> memref<128xi32, #tpu.memory_space<vmem>>
        %dma_wait3A_849 = arith.constant 0 : i32
        %dma_wait3A_850 = arith.constant 0 : i32
        %dma_wait3A_851 = tpu.memref_slice %arg10[%dma_wait3A_849, %dma_wait3A_850] : memref<10240x128xf32, #tpu.memory_space<vmem_shared>> -> memref<10240x128xf32, #tpu.memory_space<vmem_shared>>
        tpu.wait_indirect_dma semaphore(%run_scoped3A_831 : memref<!tpu.dma_semaphore, #tpu.memory_space<semaphore_mem>>) src(%dma_wait3A_845 : memref<128x128xf32, #tpu.memory_space<vmem>>) dst(%dma_wait3A_851 : memref<10240x128xf32, #tpu.memory_space<vmem_shared>>)
        tpu.yield
      }) : () -> ()
      %dma_start3A_273 = arith.constant 0 : i32
      %dma_start3A_274 = arith.constant 3 : i32
      %dma_start3A_275 = arith.constant 1 : i32
      %dma_start3A_276 = arith.constant 1 : i32
      %dma_start3A_277 = arith.constant 0 : i32
      %dma_start3A_278 = arith.constant 0 : i32
      %dma_start3A_279 = tpu.memref_slice %arg9[%dma_start3A_275, %dma_start3A_277, %dma_start3A_278] : memref<2x128x128xf32, #tpu.memory_space<vmem>> -> memref<1x128x128xf32, #tpu.memory_space<vmem>>
      %dma_start3A_280 = tpu.memref_squeeze %dma_start3A_279 : memref<1x128x128xf32, #tpu.memory_space<vmem>> -> memref<128x128xf32, #tpu.memory_space<vmem>>
      %dma_start3A_281 = arith.constant 0 : i32
      %dma_start3A_282 = tpu.memref_slice %arg7[%dma_start3A_273, %dma_start3A_274, %dma_start3A_281] : memref<2x8x128xi32, #tpu.memory_space<vmem>> -> memref<1x1x128xi32, #tpu.memory_space<vmem>>
      %dma_start3A_283 = tpu.memref_squeeze %dma_start3A_282 : memref<1x1x128xi32, #tpu.memory_space<vmem>> -> memref<128xi32, #tpu.memory_space<vmem>>
      %dma_start3A_284 = arith.constant 0 : i32
      %dma_start3A_285 = arith.constant 0 : i32
      %dma_start3A_286 = tpu.memref_slice %arg2[%dma_start3A_284, %dma_start3A_285] : memref<10000x128xf32, #tpu.memory_space<hbm>> -> memref<10000x128xf32, #tpu.memory_space<hbm>>
      %dma_start3A_287 = tpu.memref_slice %arg12[%dma_start3A_276] : memref<2x!tpu.dma_semaphore, #tpu.memory_space<semaphore_mem>> -> memref<1x!tpu.dma_semaphore, #tpu.memory_space<semaphore_mem>>
      %dma_start3A_288 = tpu.memref_squeeze %dma_start3A_287 : memref<1x!tpu.dma_semaphore, #tpu.memory_space<semaphore_mem>> -> memref<!tpu.dma_semaphore, #tpu.memory_space<semaphore_mem>>
      tpu.enqueue_indirect_dma source(%dma_start3A_286 : memref<10000x128xf32, #tpu.memory_space<hbm>>) target(%dma_start3A_280 : memref<128x128xf32, #tpu.memory_space<vmem>>) offsets(%dma_start3A_283 : memref<128xi32, #tpu.memory_space<vmem>>) semaphore(%dma_start3A_288 : memref<!tpu.dma_semaphore, #tpu.memory_space<semaphore_mem>>)
      %mul3A_289 = arith.constant 8 : i32
      %mul3A_290 = arith.muli %add3A_211, %mul3A_289 : i32
      %add3A_291 = arith.constant 2 : i32
      %add3A_292 = arith.addi %mul3A_290, %add3A_291 : i32
      %dma_wait3A_293 = arith.constant 0 : i32
      %dma_wait3A_294 = arith.constant 0 : i32
      %dma_wait3A_295 = arith.constant 0 : i32
      %dma_wait3A_296 = arith.constant 0 : i32
      %dma_wait3A_297 = arith.constant 0 : i32
      %dma_wait3A_298 = arith.constant 0 : i32
      %dma_wait3A_299 = tpu.memref_slice %arg9[%dma_wait3A_295, %dma_wait3A_297, %dma_wait3A_298] : memref<2x128x128xf32, #tpu.memory_space<vmem>> -> memref<1x128x128xf32, #tpu.memory_space<vmem>>
      %dma_wait3A_300 = tpu.memref_squeeze %dma_wait3A_299 : memref<1x128x128xf32, #tpu.memory_space<vmem>> -> memref<128x128xf32, #tpu.memory_space<vmem>>
      %dma_wait3A_301 = arith.constant 0 : i32
      %dma_wait3A_302 = tpu.memref_slice %arg7[%dma_wait3A_293, %dma_wait3A_294, %dma_wait3A_301] : memref<2x8x128xi32, #tpu.memory_space<vmem>> -> memref<1x1x128xi32, #tpu.memory_space<vmem>>
      %dma_wait3A_303 = tpu.memref_squeeze %dma_wait3A_302 : memref<1x1x128xi32, #tpu.memory_space<vmem>> -> memref<128xi32, #tpu.memory_space<vmem>>
      %dma_wait3A_304 = arith.constant 0 : i32
      %dma_wait3A_305 = arith.constant 0 : i32
      %dma_wait3A_306 = tpu.memref_slice %arg2[%dma_wait3A_304, %dma_wait3A_305] : memref<10000x128xf32, #tpu.memory_space<hbm>> -> memref<10000x128xf32, #tpu.memory_space<hbm>>
      %dma_wait3A_307 = tpu.memref_slice %arg12[%dma_wait3A_296] : memref<2x!tpu.dma_semaphore, #tpu.memory_space<semaphore_mem>> -> memref<1x!tpu.dma_semaphore, #tpu.memory_space<semaphore_mem>>
      %dma_wait3A_308 = tpu.memref_squeeze %dma_wait3A_307 : memref<1x!tpu.dma_semaphore, #tpu.memory_space<semaphore_mem>> -> memref<!tpu.dma_semaphore, #tpu.memory_space<semaphore_mem>>
      tpu.wait_indirect_dma semaphore(%dma_wait3A_308 : memref<!tpu.dma_semaphore, #tpu.memory_space<semaphore_mem>>) src(%dma_wait3A_306 : memref<10000x128xf32, #tpu.memory_space<hbm>>) dst(%dma_wait3A_300 : memref<128x128xf32, #tpu.memory_space<vmem>>)
      %run_scoped3A_309 = arith.constant 0 : i32
      %run_scoped3A_310 = arith.constant 0 : i32
      %run_scoped3A_311 = arith.constant 2 : i32
      "tpu.region"() ({
        %run_scoped3A_831 = tpu.sem_alloc : memref<!tpu.dma_semaphore, #tpu.memory_space<semaphore_mem>>
        %dma_start3A_832 = arith.constant 0 : i32
        %dma_start3A_833 = arith.constant 0 : i32
        %dma_start3A_834 = tpu.memref_slice %arg9[%run_scoped3A_309, %dma_start3A_832, %dma_start3A_833] : memref<2x128x128xf32, #tpu.memory_space<vmem>> -> memref<1x128x128xf32, #tpu.memory_space<vmem>>
        %dma_start3A_835 = tpu.memref_squeeze %dma_start3A_834 : memref<1x128x128xf32, #tpu.memory_space<vmem>> -> memref<128x128xf32, #tpu.memory_space<vmem>>
        %dma_start3A_836 = arith.constant 0 : i32
        %dma_start3A_837 = tpu.memref_slice %arg8[%run_scoped3A_310, %run_scoped3A_311, %dma_start3A_836] : memref<2x8x128xi32, #tpu.memory_space<vmem>> -> memref<1x1x128xi32, #tpu.memory_space<vmem>>
        %dma_start3A_838 = tpu.memref_squeeze %dma_start3A_837 : memref<1x1x128xi32, #tpu.memory_space<vmem>> -> memref<128xi32, #tpu.memory_space<vmem>>
        %dma_start3A_839 = arith.constant 0 : i32
        %dma_start3A_840 = arith.constant 0 : i32
        %dma_start3A_841 = tpu.memref_slice %arg10[%dma_start3A_839, %dma_start3A_840] : memref<10240x128xf32, #tpu.memory_space<vmem_shared>> -> memref<10240x128xf32, #tpu.memory_space<vmem_shared>>
        tpu.enqueue_indirect_dma source(%dma_start3A_835 : memref<128x128xf32, #tpu.memory_space<vmem>>) target(%dma_start3A_841 : memref<10240x128xf32, #tpu.memory_space<vmem_shared>>) offsets(%dma_start3A_838 : memref<128xi32, #tpu.memory_space<vmem>>) semaphore(%run_scoped3A_831 : memref<!tpu.dma_semaphore, #tpu.memory_space<semaphore_mem>>) {add = true}
        %dma_wait3A_842 = arith.constant 0 : i32
        %dma_wait3A_843 = arith.constant 0 : i32
        %dma_wait3A_844 = tpu.memref_slice %arg9[%run_scoped3A_309, %dma_wait3A_842, %dma_wait3A_843] : memref<2x128x128xf32, #tpu.memory_space<vmem>> -> memref<1x128x128xf32, #tpu.memory_space<vmem>>
        %dma_wait3A_845 = tpu.memref_squeeze %dma_wait3A_844 : memref<1x128x128xf32, #tpu.memory_space<vmem>> -> memref<128x128xf32, #tpu.memory_space<vmem>>
        %dma_wait3A_846 = arith.constant 0 : i32
        %dma_wait3A_847 = tpu.memref_slice %arg8[%run_scoped3A_310, %run_scoped3A_311, %dma_wait3A_846] : memref<2x8x128xi32, #tpu.memory_space<vmem>> -> memref<1x1x128xi32, #tpu.memory_space<vmem>>
        %dma_wait3A_848 = tpu.memref_squeeze %dma_wait3A_847 : memref<1x1x128xi32, #tpu.memory_space<vmem>> -> memref<128xi32, #tpu.memory_space<vmem>>
        %dma_wait3A_849 = arith.constant 0 : i32
        %dma_wait3A_850 = arith.constant 0 : i32
        %dma_wait3A_851 = tpu.memref_slice %arg10[%dma_wait3A_849, %dma_wait3A_850] : memref<10240x128xf32, #tpu.memory_space<vmem_shared>> -> memref<10240x128xf32, #tpu.memory_space<vmem_shared>>
        tpu.wait_indirect_dma semaphore(%run_scoped3A_831 : memref<!tpu.dma_semaphore, #tpu.memory_space<semaphore_mem>>) src(%dma_wait3A_845 : memref<128x128xf32, #tpu.memory_space<vmem>>) dst(%dma_wait3A_851 : memref<10240x128xf32, #tpu.memory_space<vmem_shared>>)
        tpu.yield
      }) : () -> ()
      %ge3A = arith.constant 1 : i32
      %ge3A_312 = arith.cmpi sge, %add3A_211, %ge3A : i32
      %add3A_313 = arith.constant 1 : i32
      %add3A_314 = arith.addi %add3A_211, %add3A_313 : i32
      %le3A = arith.constant 9 : i32
      %le3A_315 = arith.cmpi sle, %add3A_314, %le3A : i32
      %and3A = arith.andi %ge3A_312, %le3A_315 : i1
      %convert_element_type3A = arith.extui %and3A : i1 to i32
      %cond3A = arith.constant 0 : i32
      %cond3A_316 = arith.cmpi ne, %convert_element_type3A, %cond3A : i32
      scf.if %cond3A_316 {
        %add3A_831 = arith.constant 1 : i32
        %add3A_832 = arith.addi %add3A_211, %add3A_831 : i32
        %mul3A_833 = arith.constant 8 : i32
        %mul3A_834 = arith.muli %add3A_832, %mul3A_833 : i32
        %dma_start3A_835 = arith.constant 1 : i32
        %dma_start3A_836 = arith.constant 1 : i32
        %dma_start3A_837 = arith.constant 0 : i32
        %dma_start3A_838 = arith.constant 0 : i32
        %dma_start3A_839 = tpu.memref_slice %arg7[%dma_start3A_835, %dma_start3A_837, %dma_start3A_838] : memref<2x8x128xi32, #tpu.memory_space<vmem>> -> memref<1x8x128xi32, #tpu.memory_space<vmem>>
        %dma_start3A_840 = tpu.memref_squeeze %dma_start3A_839 : memref<1x8x128xi32, #tpu.memory_space<vmem>> -> memref<8x128xi32, #tpu.memory_space<vmem>>
        %dma_start3A_841 = arith.constant 0 : i32
        %dma_start3A_842 = arith.constant 0 : i32
        %dma_start3A_843 = tpu.memref_slice %arg3[%add3A, %dma_start3A_841, %dma_start3A_842] : memref<32x80x128xi32, #tpu.memory_space<hbm>> -> memref<1x80x128xi32, #tpu.memory_space<hbm>>
        %dma_start3A_844 = tpu.memref_squeeze %dma_start3A_843 : memref<1x80x128xi32, #tpu.memory_space<hbm>> -> memref<80x128xi32, #tpu.memory_space<hbm>>
        %dma_start3A_845 = arith.constant 0 : i32
        %dma_start3A_846 = tpu.memref_slice %dma_start3A_844[%mul3A_834, %dma_start3A_845] : memref<80x128xi32, #tpu.memory_space<hbm>> -> memref<8x128xi32, #tpu.memory_space<hbm>>
        %dma_start3A_847 = tpu.memref_slice %arg11[%dma_start3A_836] : memref<2x!tpu.dma_semaphore, #tpu.memory_space<semaphore_mem>> -> memref<1x!tpu.dma_semaphore, #tpu.memory_space<semaphore_mem>>
        %dma_start3A_848 = tpu.memref_squeeze %dma_start3A_847 : memref<1x!tpu.dma_semaphore, #tpu.memory_space<semaphore_mem>> -> memref<!tpu.dma_semaphore, #tpu.memory_space<semaphore_mem>>
        %dma_start3A_849 = arith.constant 0 : i32
        %dma_start3A_850 = arith.constant 0 : i32
        %dma_start3A_851 = tpu.memref_slice %arg7[%dma_start3A_835, %dma_start3A_849, %dma_start3A_850] : memref<2x8x128xi32, #tpu.memory_space<vmem>> -> memref<1x8x128xi32, #tpu.memory_space<vmem>>
        %dma_start3A_852 = tpu.memref_squeeze %dma_start3A_851 : memref<1x8x128xi32, #tpu.memory_space<vmem>> -> memref<8x128xi32, #tpu.memory_space<vmem>>
        %dma_start3A_853 = arith.constant 0 : i32
        %dma_start3A_854 = arith.constant 0 : i32
        %dma_start3A_855 = tpu.memref_slice %arg3[%add3A, %dma_start3A_853, %dma_start3A_854] : memref<32x80x128xi32, #tpu.memory_space<hbm>> -> memref<1x80x128xi32, #tpu.memory_space<hbm>>
        %dma_start3A_856 = tpu.memref_squeeze %dma_start3A_855 : memref<1x80x128xi32, #tpu.memory_space<hbm>> -> memref<80x128xi32, #tpu.memory_space<hbm>>
        %dma_start3A_857 = arith.constant 0 : i32
        %dma_start3A_858 = tpu.memref_slice %dma_start3A_856[%mul3A_834, %dma_start3A_857] : memref<80x128xi32, #tpu.memory_space<hbm>> -> memref<8x128xi32, #tpu.memory_space<hbm>>
        tpu.enqueue_dma source(%dma_start3A_858 : memref<8x128xi32, #tpu.memory_space<hbm>>) target(%dma_start3A_852 : memref<8x128xi32, #tpu.memory_space<vmem>>) target_semaphore(%dma_start3A_848 : memref<!tpu.dma_semaphore, #tpu.memory_space<semaphore_mem>>)
        %mul3A_859 = arith.constant 8 : i32
        %mul3A_860 = arith.muli %add3A_832, %mul3A_859 : i32
        %dma_start3A_861 = arith.constant 1 : i32
        %dma_start3A_862 = arith.constant 1 : i32
        %dma_start3A_863 = arith.constant 0 : i32
        %dma_start3A_864 = arith.constant 0 : i32
        %dma_start3A_865 = tpu.memref_slice %arg8[%dma_start3A_861, %dma_start3A_863, %dma_start3A_864] : memref<2x8x128xi32, #tpu.memory_space<vmem>> -> memref<1x8x128xi32, #tpu.memory_space<vmem>>
        %dma_start3A_866 = tpu.memref_squeeze %dma_start3A_865 : memref<1x8x128xi32, #tpu.memory_space<vmem>> -> memref<8x128xi32, #tpu.memory_space<vmem>>
        %dma_start3A_867 = arith.constant 0 : i32
        %dma_start3A_868 = arith.constant 0 : i32
        %dma_start3A_869 = tpu.memref_slice %arg4[%add3A, %dma_start3A_867, %dma_start3A_868] : memref<32x80x128xi32, #tpu.memory_space<hbm>> -> memref<1x80x128xi32, #tpu.memory_space<hbm>>
        %dma_start3A_870 = tpu.memref_squeeze %dma_start3A_869 : memref<1x80x128xi32, #tpu.memory_space<hbm>> -> memref<80x128xi32, #tpu.memory_space<hbm>>
        %dma_start3A_871 = arith.constant 0 : i32
        %dma_start3A_872 = tpu.memref_slice %dma_start3A_870[%mul3A_860, %dma_start3A_871] : memref<80x128xi32, #tpu.memory_space<hbm>> -> memref<8x128xi32, #tpu.memory_space<hbm>>
        %dma_start3A_873 = tpu.memref_slice %arg11[%dma_start3A_862] : memref<2x!tpu.dma_semaphore, #tpu.memory_space<semaphore_mem>> -> memref<1x!tpu.dma_semaphore, #tpu.memory_space<semaphore_mem>>
        %dma_start3A_874 = tpu.memref_squeeze %dma_start3A_873 : memref<1x!tpu.dma_semaphore, #tpu.memory_space<semaphore_mem>> -> memref<!tpu.dma_semaphore, #tpu.memory_space<semaphore_mem>>
        %dma_start3A_875 = arith.constant 0 : i32
        %dma_start3A_876 = arith.constant 0 : i32
        %dma_start3A_877 = tpu.memref_slice %arg8[%dma_start3A_861, %dma_start3A_875, %dma_start3A_876] : memref<2x8x128xi32, #tpu.memory_space<vmem>> -> memref<1x8x128xi32, #tpu.memory_space<vmem>>
        %dma_start3A_878 = tpu.memref_squeeze %dma_start3A_877 : memref<1x8x128xi32, #tpu.memory_space<vmem>> -> memref<8x128xi32, #tpu.memory_space<vmem>>
        %dma_start3A_879 = arith.constant 0 : i32
        %dma_start3A_880 = arith.constant 0 : i32
        %dma_start3A_881 = tpu.memref_slice %arg4[%add3A, %dma_start3A_879, %dma_start3A_880] : memref<32x80x128xi32, #tpu.memory_space<hbm>> -> memref<1x80x128xi32, #tpu.memory_space<hbm>>
        %dma_start3A_882 = tpu.memref_squeeze %dma_start3A_881 : memref<1x80x128xi32, #tpu.memory_space<hbm>> -> memref<80x128xi32, #tpu.memory_space<hbm>>
        %dma_start3A_883 = arith.constant 0 : i32
        %dma_start3A_884 = tpu.memref_slice %dma_start3A_882[%mul3A_860, %dma_start3A_883] : memref<80x128xi32, #tpu.memory_space<hbm>> -> memref<8x128xi32, #tpu.memory_space<hbm>>
        tpu.enqueue_dma source(%dma_start3A_884 : memref<8x128xi32, #tpu.memory_space<hbm>>) target(%dma_start3A_878 : memref<8x128xi32, #tpu.memory_space<vmem>>) target_semaphore(%dma_start3A_874 : memref<!tpu.dma_semaphore, #tpu.memory_space<semaphore_mem>>)
      } else {
      }
      %dma_start3A_317 = arith.constant 0 : i32
      %dma_start3A_318 = arith.constant 4 : i32
      %dma_start3A_319 = arith.constant 0 : i32
      %dma_start3A_320 = arith.constant 0 : i32
      %dma_start3A_321 = arith.constant 0 : i32
      %dma_start3A_322 = arith.constant 0 : i32
      %dma_start3A_323 = tpu.memref_slice %arg9[%dma_start3A_319, %dma_start3A_321, %dma_start3A_322] : memref<2x128x128xf32, #tpu.memory_space<vmem>> -> memref<1x128x128xf32, #tpu.memory_space<vmem>>
      %dma_start3A_324 = tpu.memref_squeeze %dma_start3A_323 : memref<1x128x128xf32, #tpu.memory_space<vmem>> -> memref<128x128xf32, #tpu.memory_space<vmem>>
      %dma_start3A_325 = arith.constant 0 : i32
      %dma_start3A_326 = tpu.memref_slice %arg7[%dma_start3A_317, %dma_start3A_318, %dma_start3A_325] : memref<2x8x128xi32, #tpu.memory_space<vmem>> -> memref<1x1x128xi32, #tpu.memory_space<vmem>>
      %dma_start3A_327 = tpu.memref_squeeze %dma_start3A_326 : memref<1x1x128xi32, #tpu.memory_space<vmem>> -> memref<128xi32, #tpu.memory_space<vmem>>
      %dma_start3A_328 = arith.constant 0 : i32
      %dma_start3A_329 = arith.constant 0 : i32
      %dma_start3A_330 = tpu.memref_slice %arg2[%dma_start3A_328, %dma_start3A_329] : memref<10000x128xf32, #tpu.memory_space<hbm>> -> memref<10000x128xf32, #tpu.memory_space<hbm>>
      %dma_start3A_331 = tpu.memref_slice %arg12[%dma_start3A_320] : memref<2x!tpu.dma_semaphore, #tpu.memory_space<semaphore_mem>> -> memref<1x!tpu.dma_semaphore, #tpu.memory_space<semaphore_mem>>
      %dma_start3A_332 = tpu.memref_squeeze %dma_start3A_331 : memref<1x!tpu.dma_semaphore, #tpu.memory_space<semaphore_mem>> -> memref<!tpu.dma_semaphore, #tpu.memory_space<semaphore_mem>>
      tpu.enqueue_indirect_dma source(%dma_start3A_330 : memref<10000x128xf32, #tpu.memory_space<hbm>>) target(%dma_start3A_324 : memref<128x128xf32, #tpu.memory_space<vmem>>) offsets(%dma_start3A_327 : memref<128xi32, #tpu.memory_space<vmem>>) semaphore(%dma_start3A_332 : memref<!tpu.dma_semaphore, #tpu.memory_space<semaphore_mem>>)
      %mul3A_333 = arith.constant 8 : i32
      %mul3A_334 = arith.muli %add3A_211, %mul3A_333 : i32
      %add3A_335 = arith.constant 3 : i32
      %add3A_336 = arith.addi %mul3A_334, %add3A_335 : i32
      %dma_wait3A_337 = arith.constant 0 : i32
      %dma_wait3A_338 = arith.constant 0 : i32
      %dma_wait3A_339 = arith.constant 1 : i32
      %dma_wait3A_340 = arith.constant 1 : i32
      %dma_wait3A_341 = arith.constant 0 : i32
      %dma_wait3A_342 = arith.constant 0 : i32
      %dma_wait3A_343 = tpu.memref_slice %arg9[%dma_wait3A_339, %dma_wait3A_341, %dma_wait3A_342] : memref<2x128x128xf32, #tpu.memory_space<vmem>> -> memref<1x128x128xf32, #tpu.memory_space<vmem>>
      %dma_wait3A_344 = tpu.memref_squeeze %dma_wait3A_343 : memref<1x128x128xf32, #tpu.memory_space<vmem>> -> memref<128x128xf32, #tpu.memory_space<vmem>>
      %dma_wait3A_345 = arith.constant 0 : i32
      %dma_wait3A_346 = tpu.memref_slice %arg7[%dma_wait3A_337, %dma_wait3A_338, %dma_wait3A_345] : memref<2x8x128xi32, #tpu.memory_space<vmem>> -> memref<1x1x128xi32, #tpu.memory_space<vmem>>
      %dma_wait3A_347 = tpu.memref_squeeze %dma_wait3A_346 : memref<1x1x128xi32, #tpu.memory_space<vmem>> -> memref<128xi32, #tpu.memory_space<vmem>>
      %dma_wait3A_348 = arith.constant 0 : i32
      %dma_wait3A_349 = arith.constant 0 : i32
      %dma_wait3A_350 = tpu.memref_slice %arg2[%dma_wait3A_348, %dma_wait3A_349] : memref<10000x128xf32, #tpu.memory_space<hbm>> -> memref<10000x128xf32, #tpu.memory_space<hbm>>
      %dma_wait3A_351 = tpu.memref_slice %arg12[%dma_wait3A_340] : memref<2x!tpu.dma_semaphore, #tpu.memory_space<semaphore_mem>> -> memref<1x!tpu.dma_semaphore, #tpu.memory_space<semaphore_mem>>
      %dma_wait3A_352 = tpu.memref_squeeze %dma_wait3A_351 : memref<1x!tpu.dma_semaphore, #tpu.memory_space<semaphore_mem>> -> memref<!tpu.dma_semaphore, #tpu.memory_space<semaphore_mem>>
      tpu.wait_indirect_dma semaphore(%dma_wait3A_352 : memref<!tpu.dma_semaphore, #tpu.memory_space<semaphore_mem>>) src(%dma_wait3A_350 : memref<10000x128xf32, #tpu.memory_space<hbm>>) dst(%dma_wait3A_344 : memref<128x128xf32, #tpu.memory_space<vmem>>)
      %run_scoped3A_353 = arith.constant 1 : i32
      %run_scoped3A_354 = arith.constant 0 : i32
      %run_scoped3A_355 = arith.constant 3 : i32
      "tpu.region"() ({
        %run_scoped3A_831 = tpu.sem_alloc : memref<!tpu.dma_semaphore, #tpu.memory_space<semaphore_mem>>
        %dma_start3A_832 = arith.constant 0 : i32
        %dma_start3A_833 = arith.constant 0 : i32
        %dma_start3A_834 = tpu.memref_slice %arg9[%run_scoped3A_353, %dma_start3A_832, %dma_start3A_833] : memref<2x128x128xf32, #tpu.memory_space<vmem>> -> memref<1x128x128xf32, #tpu.memory_space<vmem>>
        %dma_start3A_835 = tpu.memref_squeeze %dma_start3A_834 : memref<1x128x128xf32, #tpu.memory_space<vmem>> -> memref<128x128xf32, #tpu.memory_space<vmem>>
        %dma_start3A_836 = arith.constant 0 : i32
        %dma_start3A_837 = tpu.memref_slice %arg8[%run_scoped3A_354, %run_scoped3A_355, %dma_start3A_836] : memref<2x8x128xi32, #tpu.memory_space<vmem>> -> memref<1x1x128xi32, #tpu.memory_space<vmem>>
        %dma_start3A_838 = tpu.memref_squeeze %dma_start3A_837 : memref<1x1x128xi32, #tpu.memory_space<vmem>> -> memref<128xi32, #tpu.memory_space<vmem>>
        %dma_start3A_839 = arith.constant 0 : i32
        %dma_start3A_840 = arith.constant 0 : i32
        %dma_start3A_841 = tpu.memref_slice %arg10[%dma_start3A_839, %dma_start3A_840] : memref<10240x128xf32, #tpu.memory_space<vmem_shared>> -> memref<10240x128xf32, #tpu.memory_space<vmem_shared>>
        tpu.enqueue_indirect_dma source(%dma_start3A_835 : memref<128x128xf32, #tpu.memory_space<vmem>>) target(%dma_start3A_841 : memref<10240x128xf32, #tpu.memory_space<vmem_shared>>) offsets(%dma_start3A_838 : memref<128xi32, #tpu.memory_space<vmem>>) semaphore(%run_scoped3A_831 : memref<!tpu.dma_semaphore, #tpu.memory_space<semaphore_mem>>) {add = true}
        %dma_wait3A_842 = arith.constant 0 : i32
        %dma_wait3A_843 = arith.constant 0 : i32
        %dma_wait3A_844 = tpu.memref_slice %arg9[%run_scoped3A_353, %dma_wait3A_842, %dma_wait3A_843] : memref<2x128x128xf32, #tpu.memory_space<vmem>> -> memref<1x128x128xf32, #tpu.memory_space<vmem>>
        %dma_wait3A_845 = tpu.memref_squeeze %dma_wait3A_844 : memref<1x128x128xf32, #tpu.memory_space<vmem>> -> memref<128x128xf32, #tpu.memory_space<vmem>>
        %dma_wait3A_846 = arith.constant 0 : i32
        %dma_wait3A_847 = tpu.memref_slice %arg8[%run_scoped3A_354, %run_scoped3A_355, %dma_wait3A_846] : memref<2x8x128xi32, #tpu.memory_space<vmem>> -> memref<1x1x128xi32, #tpu.memory_space<vmem>>
        %dma_wait3A_848 = tpu.memref_squeeze %dma_wait3A_847 : memref<1x1x128xi32, #tpu.memory_space<vmem>> -> memref<128xi32, #tpu.memory_space<vmem>>
        %dma_wait3A_849 = arith.constant 0 : i32
        %dma_wait3A_850 = arith.constant 0 : i32
        %dma_wait3A_851 = tpu.memref_slice %arg10[%dma_wait3A_849, %dma_wait3A_850] : memref<10240x128xf32, #tpu.memory_space<vmem_shared>> -> memref<10240x128xf32, #tpu.memory_space<vmem_shared>>
        tpu.wait_indirect_dma semaphore(%run_scoped3A_831 : memref<!tpu.dma_semaphore, #tpu.memory_space<semaphore_mem>>) src(%dma_wait3A_845 : memref<128x128xf32, #tpu.memory_space<vmem>>) dst(%dma_wait3A_851 : memref<10240x128xf32, #tpu.memory_space<vmem_shared>>)
        tpu.yield
      }) : () -> ()
      %dma_start3A_356 = arith.constant 0 : i32
      %dma_start3A_357 = arith.constant 5 : i32
      %dma_start3A_358 = arith.constant 1 : i32
      %dma_start3A_359 = arith.constant 1 : i32
      %dma_start3A_360 = arith.constant 0 : i32
      %dma_start3A_361 = arith.constant 0 : i32
      %dma_start3A_362 = tpu.memref_slice %arg9[%dma_start3A_358, %dma_start3A_360, %dma_start3A_361] : memref<2x128x128xf32, #tpu.memory_space<vmem>> -> memref<1x128x128xf32, #tpu.memory_space<vmem>>
      %dma_start3A_363 = tpu.memref_squeeze %dma_start3A_362 : memref<1x128x128xf32, #tpu.memory_space<vmem>> -> memref<128x128xf32, #tpu.memory_space<vmem>>
      %dma_start3A_364 = arith.constant 0 : i32
      %dma_start3A_365 = tpu.memref_slice %arg7[%dma_start3A_356, %dma_start3A_357, %dma_start3A_364] : memref<2x8x128xi32, #tpu.memory_space<vmem>> -> memref<1x1x128xi32, #tpu.memory_space<vmem>>
      %dma_start3A_366 = tpu.memref_squeeze %dma_start3A_365 : memref<1x1x128xi32, #tpu.memory_space<vmem>> -> memref<128xi32, #tpu.memory_space<vmem>>
      %dma_start3A_367 = arith.constant 0 : i32
      %dma_start3A_368 = arith.constant 0 : i32
      %dma_start3A_369 = tpu.memref_slice %arg2[%dma_start3A_367, %dma_start3A_368] : memref<10000x128xf32, #tpu.memory_space<hbm>> -> memref<10000x128xf32, #tpu.memory_space<hbm>>
      %dma_start3A_370 = tpu.memref_slice %arg12[%dma_start3A_359] : memref<2x!tpu.dma_semaphore, #tpu.memory_space<semaphore_mem>> -> memref<1x!tpu.dma_semaphore, #tpu.memory_space<semaphore_mem>>
      %dma_start3A_371 = tpu.memref_squeeze %dma_start3A_370 : memref<1x!tpu.dma_semaphore, #tpu.memory_space<semaphore_mem>> -> memref<!tpu.dma_semaphore, #tpu.memory_space<semaphore_mem>>
      tpu.enqueue_indirect_dma source(%dma_start3A_369 : memref<10000x128xf32, #tpu.memory_space<hbm>>) target(%dma_start3A_363 : memref<128x128xf32, #tpu.memory_space<vmem>>) offsets(%dma_start3A_366 : memref<128xi32, #tpu.memory_space<vmem>>) semaphore(%dma_start3A_371 : memref<!tpu.dma_semaphore, #tpu.memory_space<semaphore_mem>>)
      %mul3A_372 = arith.constant 8 : i32
      %mul3A_373 = arith.muli %add3A_211, %mul3A_372 : i32
      %add3A_374 = arith.constant 4 : i32
      %add3A_375 = arith.addi %mul3A_373, %add3A_374 : i32
      %dma_wait3A_376 = arith.constant 0 : i32
      %dma_wait3A_377 = arith.constant 0 : i32
      %dma_wait3A_378 = arith.constant 0 : i32
      %dma_wait3A_379 = arith.constant 0 : i32
      %dma_wait3A_380 = arith.constant 0 : i32
      %dma_wait3A_381 = arith.constant 0 : i32
      %dma_wait3A_382 = tpu.memref_slice %arg9[%dma_wait3A_378, %dma_wait3A_380, %dma_wait3A_381] : memref<2x128x128xf32, #tpu.memory_space<vmem>> -> memref<1x128x128xf32, #tpu.memory_space<vmem>>
      %dma_wait3A_383 = tpu.memref_squeeze %dma_wait3A_382 : memref<1x128x128xf32, #tpu.memory_space<vmem>> -> memref<128x128xf32, #tpu.memory_space<vmem>>
      %dma_wait3A_384 = arith.constant 0 : i32
      %dma_wait3A_385 = tpu.memref_slice %arg7[%dma_wait3A_376, %dma_wait3A_377, %dma_wait3A_384] : memref<2x8x128xi32, #tpu.memory_space<vmem>> -> memref<1x1x128xi32, #tpu.memory_space<vmem>>
      %dma_wait3A_386 = tpu.memref_squeeze %dma_wait3A_385 : memref<1x1x128xi32, #tpu.memory_space<vmem>> -> memref<128xi32, #tpu.memory_space<vmem>>
      %dma_wait3A_387 = arith.constant 0 : i32
      %dma_wait3A_388 = arith.constant 0 : i32
      %dma_wait3A_389 = tpu.memref_slice %arg2[%dma_wait3A_387, %dma_wait3A_388] : memref<10000x128xf32, #tpu.memory_space<hbm>> -> memref<10000x128xf32, #tpu.memory_space<hbm>>
      %dma_wait3A_390 = tpu.memref_slice %arg12[%dma_wait3A_379] : memref<2x!tpu.dma_semaphore, #tpu.memory_space<semaphore_mem>> -> memref<1x!tpu.dma_semaphore, #tpu.memory_space<semaphore_mem>>
      %dma_wait3A_391 = tpu.memref_squeeze %dma_wait3A_390 : memref<1x!tpu.dma_semaphore, #tpu.memory_space<semaphore_mem>> -> memref<!tpu.dma_semaphore, #tpu.memory_space<semaphore_mem>>
      tpu.wait_indirect_dma semaphore(%dma_wait3A_391 : memref<!tpu.dma_semaphore, #tpu.memory_space<semaphore_mem>>) src(%dma_wait3A_389 : memref<10000x128xf32, #tpu.memory_space<hbm>>) dst(%dma_wait3A_383 : memref<128x128xf32, #tpu.memory_space<vmem>>)
      %run_scoped3A_392 = arith.constant 0 : i32
      %run_scoped3A_393 = arith.constant 0 : i32
      %run_scoped3A_394 = arith.constant 4 : i32
      "tpu.region"() ({
        %run_scoped3A_831 = tpu.sem_alloc : memref<!tpu.dma_semaphore, #tpu.memory_space<semaphore_mem>>
        %dma_start3A_832 = arith.constant 0 : i32
        %dma_start3A_833 = arith.constant 0 : i32
        %dma_start3A_834 = tpu.memref_slice %arg9[%run_scoped3A_392, %dma_start3A_832, %dma_start3A_833] : memref<2x128x128xf32, #tpu.memory_space<vmem>> -> memref<1x128x128xf32, #tpu.memory_space<vmem>>
        %dma_start3A_835 = tpu.memref_squeeze %dma_start3A_834 : memref<1x128x128xf32, #tpu.memory_space<vmem>> -> memref<128x128xf32, #tpu.memory_space<vmem>>
        %dma_start3A_836 = arith.constant 0 : i32
        %dma_start3A_837 = tpu.memref_slice %arg8[%run_scoped3A_393, %run_scoped3A_394, %dma_start3A_836] : memref<2x8x128xi32, #tpu.memory_space<vmem>> -> memref<1x1x128xi32, #tpu.memory_space<vmem>>
        %dma_start3A_838 = tpu.memref_squeeze %dma_start3A_837 : memref<1x1x128xi32, #tpu.memory_space<vmem>> -> memref<128xi32, #tpu.memory_space<vmem>>
        %dma_start3A_839 = arith.constant 0 : i32
        %dma_start3A_840 = arith.constant 0 : i32
        %dma_start3A_841 = tpu.memref_slice %arg10[%dma_start3A_839, %dma_start3A_840] : memref<10240x128xf32, #tpu.memory_space<vmem_shared>> -> memref<10240x128xf32, #tpu.memory_space<vmem_shared>>
        tpu.enqueue_indirect_dma source(%dma_start3A_835 : memref<128x128xf32, #tpu.memory_space<vmem>>) target(%dma_start3A_841 : memref<10240x128xf32, #tpu.memory_space<vmem_shared>>) offsets(%dma_start3A_838 : memref<128xi32, #tpu.memory_space<vmem>>) semaphore(%run_scoped3A_831 : memref<!tpu.dma_semaphore, #tpu.memory_space<semaphore_mem>>) {add = true}
        %dma_wait3A_842 = arith.constant 0 : i32
        %dma_wait3A_843 = arith.constant 0 : i32
        %dma_wait3A_844 = tpu.memref_slice %arg9[%run_scoped3A_392, %dma_wait3A_842, %dma_wait3A_843] : memref<2x128x128xf32, #tpu.memory_space<vmem>> -> memref<1x128x128xf32, #tpu.memory_space<vmem>>
        %dma_wait3A_845 = tpu.memref_squeeze %dma_wait3A_844 : memref<1x128x128xf32, #tpu.memory_space<vmem>> -> memref<128x128xf32, #tpu.memory_space<vmem>>
        %dma_wait3A_846 = arith.constant 0 : i32
        %dma_wait3A_847 = tpu.memref_slice %arg8[%run_scoped3A_393, %run_scoped3A_394, %dma_wait3A_846] : memref<2x8x128xi32, #tpu.memory_space<vmem>> -> memref<1x1x128xi32, #tpu.memory_space<vmem>>
        %dma_wait3A_848 = tpu.memref_squeeze %dma_wait3A_847 : memref<1x1x128xi32, #tpu.memory_space<vmem>> -> memref<128xi32, #tpu.memory_space<vmem>>
        %dma_wait3A_849 = arith.constant 0 : i32
        %dma_wait3A_850 = arith.constant 0 : i32
        %dma_wait3A_851 = tpu.memref_slice %arg10[%dma_wait3A_849, %dma_wait3A_850] : memref<10240x128xf32, #tpu.memory_space<vmem_shared>> -> memref<10240x128xf32, #tpu.memory_space<vmem_shared>>
        tpu.wait_indirect_dma semaphore(%run_scoped3A_831 : memref<!tpu.dma_semaphore, #tpu.memory_space<semaphore_mem>>) src(%dma_wait3A_845 : memref<128x128xf32, #tpu.memory_space<vmem>>) dst(%dma_wait3A_851 : memref<10240x128xf32, #tpu.memory_space<vmem_shared>>)
        tpu.yield
      }) : () -> ()
      %dma_start3A_395 = arith.constant 0 : i32
      %dma_start3A_396 = arith.constant 6 : i32
      %dma_start3A_397 = arith.constant 0 : i32
      %dma_start3A_398 = arith.constant 0 : i32
      %dma_start3A_399 = arith.constant 0 : i32
      %dma_start3A_400 = arith.constant 0 : i32
      %dma_start3A_401 = tpu.memref_slice %arg9[%dma_start3A_397, %dma_start3A_399, %dma_start3A_400] : memref<2x128x128xf32, #tpu.memory_space<vmem>> -> memref<1x128x128xf32, #tpu.memory_space<vmem>>
      %dma_start3A_402 = tpu.memref_squeeze %dma_start3A_401 : memref<1x128x128xf32, #tpu.memory_space<vmem>> -> memref<128x128xf32, #tpu.memory_space<vmem>>
      %dma_start3A_403 = arith.constant 0 : i32
      %dma_start3A_404 = tpu.memref_slice %arg7[%dma_start3A_395, %dma_start3A_396, %dma_start3A_403] : memref<2x8x128xi32, #tpu.memory_space<vmem>> -> memref<1x1x128xi32, #tpu.memory_space<vmem>>
      %dma_start3A_405 = tpu.memref_squeeze %dma_start3A_404 : memref<1x1x128xi32, #tpu.memory_space<vmem>> -> memref<128xi32, #tpu.memory_space<vmem>>
      %dma_start3A_406 = arith.constant 0 : i32
      %dma_start3A_407 = arith.constant 0 : i32
      %dma_start3A_408 = tpu.memref_slice %arg2[%dma_start3A_406, %dma_start3A_407] : memref<10000x128xf32, #tpu.memory_space<hbm>> -> memref<10000x128xf32, #tpu.memory_space<hbm>>
      %dma_start3A_409 = tpu.memref_slice %arg12[%dma_start3A_398] : memref<2x!tpu.dma_semaphore, #tpu.memory_space<semaphore_mem>> -> memref<1x!tpu.dma_semaphore, #tpu.memory_space<semaphore_mem>>
      %dma_start3A_410 = tpu.memref_squeeze %dma_start3A_409 : memref<1x!tpu.dma_semaphore, #tpu.memory_space<semaphore_mem>> -> memref<!tpu.dma_semaphore, #tpu.memory_space<semaphore_mem>>
      tpu.enqueue_indirect_dma source(%dma_start3A_408 : memref<10000x128xf32, #tpu.memory_space<hbm>>) target(%dma_start3A_402 : memref<128x128xf32, #tpu.memory_space<vmem>>) offsets(%dma_start3A_405 : memref<128xi32, #tpu.memory_space<vmem>>) semaphore(%dma_start3A_410 : memref<!tpu.dma_semaphore, #tpu.memory_space<semaphore_mem>>)
      %mul3A_411 = arith.constant 8 : i32
      %mul3A_412 = arith.muli %add3A_211, %mul3A_411 : i32
      %add3A_413 = arith.constant 5 : i32
      %add3A_414 = arith.addi %mul3A_412, %add3A_413 : i32
      %dma_wait3A_415 = arith.constant 0 : i32
      %dma_wait3A_416 = arith.constant 0 : i32
      %dma_wait3A_417 = arith.constant 1 : i32
      %dma_wait3A_418 = arith.constant 1 : i32
      %dma_wait3A_419 = arith.constant 0 : i32
      %dma_wait3A_420 = arith.constant 0 : i32
      %dma_wait3A_421 = tpu.memref_slice %arg9[%dma_wait3A_417, %dma_wait3A_419, %dma_wait3A_420] : memref<2x128x128xf32, #tpu.memory_space<vmem>> -> memref<1x128x128xf32, #tpu.memory_space<vmem>>
      %dma_wait3A_422 = tpu.memref_squeeze %dma_wait3A_421 : memref<1x128x128xf32, #tpu.memory_space<vmem>> -> memref<128x128xf32, #tpu.memory_space<vmem>>
      %dma_wait3A_423 = arith.constant 0 : i32
      %dma_wait3A_424 = tpu.memref_slice %arg7[%dma_wait3A_415, %dma_wait3A_416, %dma_wait3A_423] : memref<2x8x128xi32, #tpu.memory_space<vmem>> -> memref<1x1x128xi32, #tpu.memory_space<vmem>>
      %dma_wait3A_425 = tpu.memref_squeeze %dma_wait3A_424 : memref<1x1x128xi32, #tpu.memory_space<vmem>> -> memref<128xi32, #tpu.memory_space<vmem>>
      %dma_wait3A_426 = arith.constant 0 : i32
      %dma_wait3A_427 = arith.constant 0 : i32
      %dma_wait3A_428 = tpu.memref_slice %arg2[%dma_wait3A_426, %dma_wait3A_427] : memref<10000x128xf32, #tpu.memory_space<hbm>> -> memref<10000x128xf32, #tpu.memory_space<hbm>>
      %dma_wait3A_429 = tpu.memref_slice %arg12[%dma_wait3A_418] : memref<2x!tpu.dma_semaphore, #tpu.memory_space<semaphore_mem>> -> memref<1x!tpu.dma_semaphore, #tpu.memory_space<semaphore_mem>>
      %dma_wait3A_430 = tpu.memref_squeeze %dma_wait3A_429 : memref<1x!tpu.dma_semaphore, #tpu.memory_space<semaphore_mem>> -> memref<!tpu.dma_semaphore, #tpu.memory_space<semaphore_mem>>
      tpu.wait_indirect_dma semaphore(%dma_wait3A_430 : memref<!tpu.dma_semaphore, #tpu.memory_space<semaphore_mem>>) src(%dma_wait3A_428 : memref<10000x128xf32, #tpu.memory_space<hbm>>) dst(%dma_wait3A_422 : memref<128x128xf32, #tpu.memory_space<vmem>>)
      %run_scoped3A_431 = arith.constant 1 : i32
      %run_scoped3A_432 = arith.constant 0 : i32
      %run_scoped3A_433 = arith.constant 5 : i32
      "tpu.region"() ({
        %run_scoped3A_831 = tpu.sem_alloc : memref<!tpu.dma_semaphore, #tpu.memory_space<semaphore_mem>>
        %dma_start3A_832 = arith.constant 0 : i32
        %dma_start3A_833 = arith.constant 0 : i32
        %dma_start3A_834 = tpu.memref_slice %arg9[%run_scoped3A_431, %dma_start3A_832, %dma_start3A_833] : memref<2x128x128xf32, #tpu.memory_space<vmem>> -> memref<1x128x128xf32, #tpu.memory_space<vmem>>
        %dma_start3A_835 = tpu.memref_squeeze %dma_start3A_834 : memref<1x128x128xf32, #tpu.memory_space<vmem>> -> memref<128x128xf32, #tpu.memory_space<vmem>>
        %dma_start3A_836 = arith.constant 0 : i32
        %dma_start3A_837 = tpu.memref_slice %arg8[%run_scoped3A_432, %run_scoped3A_433, %dma_start3A_836] : memref<2x8x128xi32, #tpu.memory_space<vmem>> -> memref<1x1x128xi32, #tpu.memory_space<vmem>>
        %dma_start3A_838 = tpu.memref_squeeze %dma_start3A_837 : memref<1x1x128xi32, #tpu.memory_space<vmem>> -> memref<128xi32, #tpu.memory_space<vmem>>
        %dma_start3A_839 = arith.constant 0 : i32
        %dma_start3A_840 = arith.constant 0 : i32
        %dma_start3A_841 = tpu.memref_slice %arg10[%dma_start3A_839, %dma_start3A_840] : memref<10240x128xf32, #tpu.memory_space<vmem_shared>> -> memref<10240x128xf32, #tpu.memory_space<vmem_shared>>
        tpu.enqueue_indirect_dma source(%dma_start3A_835 : memref<128x128xf32, #tpu.memory_space<vmem>>) target(%dma_start3A_841 : memref<10240x128xf32, #tpu.memory_space<vmem_shared>>) offsets(%dma_start3A_838 : memref<128xi32, #tpu.memory_space<vmem>>) semaphore(%run_scoped3A_831 : memref<!tpu.dma_semaphore, #tpu.memory_space<semaphore_mem>>) {add = true}
        %dma_wait3A_842 = arith.constant 0 : i32
        %dma_wait3A_843 = arith.constant 0 : i32
        %dma_wait3A_844 = tpu.memref_slice %arg9[%run_scoped3A_431, %dma_wait3A_842, %dma_wait3A_843] : memref<2x128x128xf32, #tpu.memory_space<vmem>> -> memref<1x128x128xf32, #tpu.memory_space<vmem>>
        %dma_wait3A_845 = tpu.memref_squeeze %dma_wait3A_844 : memref<1x128x128xf32, #tpu.memory_space<vmem>> -> memref<128x128xf32, #tpu.memory_space<vmem>>
        %dma_wait3A_846 = arith.constant 0 : i32
        %dma_wait3A_847 = tpu.memref_slice %arg8[%run_scoped3A_432, %run_scoped3A_433, %dma_wait3A_846] : memref<2x8x128xi32, #tpu.memory_space<vmem>> -> memref<1x1x128xi32, #tpu.memory_space<vmem>>
        %dma_wait3A_848 = tpu.memref_squeeze %dma_wait3A_847 : memref<1x1x128xi32, #tpu.memory_space<vmem>> -> memref<128xi32, #tpu.memory_space<vmem>>
        %dma_wait3A_849 = arith.constant 0 : i32
        %dma_wait3A_850 = arith.constant 0 : i32
        %dma_wait3A_851 = tpu.memref_slice %arg10[%dma_wait3A_849, %dma_wait3A_850] : memref<10240x128xf32, #tpu.memory_space<vmem_shared>> -> memref<10240x128xf32, #tpu.memory_space<vmem_shared>>
        tpu.wait_indirect_dma semaphore(%run_scoped3A_831 : memref<!tpu.dma_semaphore, #tpu.memory_space<semaphore_mem>>) src(%dma_wait3A_845 : memref<128x128xf32, #tpu.memory_space<vmem>>) dst(%dma_wait3A_851 : memref<10240x128xf32, #tpu.memory_space<vmem_shared>>)
        tpu.yield
      }) : () -> ()
      %dma_start3A_434 = arith.constant 0 : i32
      %dma_start3A_435 = arith.constant 7 : i32
      %dma_start3A_436 = arith.constant 1 : i32
      %dma_start3A_437 = arith.constant 1 : i32
      %dma_start3A_438 = arith.constant 0 : i32
      %dma_start3A_439 = arith.constant 0 : i32
      %dma_start3A_440 = tpu.memref_slice %arg9[%dma_start3A_436, %dma_start3A_438, %dma_start3A_439] : memref<2x128x128xf32, #tpu.memory_space<vmem>> -> memref<1x128x128xf32, #tpu.memory_space<vmem>>
      %dma_start3A_441 = tpu.memref_squeeze %dma_start3A_440 : memref<1x128x128xf32, #tpu.memory_space<vmem>> -> memref<128x128xf32, #tpu.memory_space<vmem>>
      %dma_start3A_442 = arith.constant 0 : i32
      %dma_start3A_443 = tpu.memref_slice %arg7[%dma_start3A_434, %dma_start3A_435, %dma_start3A_442] : memref<2x8x128xi32, #tpu.memory_space<vmem>> -> memref<1x1x128xi32, #tpu.memory_space<vmem>>
      %dma_start3A_444 = tpu.memref_squeeze %dma_start3A_443 : memref<1x1x128xi32, #tpu.memory_space<vmem>> -> memref<128xi32, #tpu.memory_space<vmem>>
      %dma_start3A_445 = arith.constant 0 : i32
      %dma_start3A_446 = arith.constant 0 : i32
      %dma_start3A_447 = tpu.memref_slice %arg2[%dma_start3A_445, %dma_start3A_446] : memref<10000x128xf32, #tpu.memory_space<hbm>> -> memref<10000x128xf32, #tpu.memory_space<hbm>>
      %dma_start3A_448 = tpu.memref_slice %arg12[%dma_start3A_437] : memref<2x!tpu.dma_semaphore, #tpu.memory_space<semaphore_mem>> -> memref<1x!tpu.dma_semaphore, #tpu.memory_space<semaphore_mem>>
      %dma_start3A_449 = tpu.memref_squeeze %dma_start3A_448 : memref<1x!tpu.dma_semaphore, #tpu.memory_space<semaphore_mem>> -> memref<!tpu.dma_semaphore, #tpu.memory_space<semaphore_mem>>
      tpu.enqueue_indirect_dma source(%dma_start3A_447 : memref<10000x128xf32, #tpu.memory_space<hbm>>) target(%dma_start3A_441 : memref<128x128xf32, #tpu.memory_space<vmem>>) offsets(%dma_start3A_444 : memref<128xi32, #tpu.memory_space<vmem>>) semaphore(%dma_start3A_449 : memref<!tpu.dma_semaphore, #tpu.memory_space<semaphore_mem>>)
      %mul3A_450 = arith.constant 8 : i32
      %mul3A_451 = arith.muli %add3A_211, %mul3A_450 : i32
      %add3A_452 = arith.constant 6 : i32
      %add3A_453 = arith.addi %mul3A_451, %add3A_452 : i32
      %dma_wait3A_454 = arith.constant 0 : i32
      %dma_wait3A_455 = arith.constant 0 : i32
      %dma_wait3A_456 = arith.constant 0 : i32
      %dma_wait3A_457 = arith.constant 0 : i32
      %dma_wait3A_458 = arith.constant 0 : i32
      %dma_wait3A_459 = arith.constant 0 : i32
      %dma_wait3A_460 = tpu.memref_slice %arg9[%dma_wait3A_456, %dma_wait3A_458, %dma_wait3A_459] : memref<2x128x128xf32, #tpu.memory_space<vmem>> -> memref<1x128x128xf32, #tpu.memory_space<vmem>>
      %dma_wait3A_461 = tpu.memref_squeeze %dma_wait3A_460 : memref<1x128x128xf32, #tpu.memory_space<vmem>> -> memref<128x128xf32, #tpu.memory_space<vmem>>
      %dma_wait3A_462 = arith.constant 0 : i32
      %dma_wait3A_463 = tpu.memref_slice %arg7[%dma_wait3A_454, %dma_wait3A_455, %dma_wait3A_462] : memref<2x8x128xi32, #tpu.memory_space<vmem>> -> memref<1x1x128xi32, #tpu.memory_space<vmem>>
      %dma_wait3A_464 = tpu.memref_squeeze %dma_wait3A_463 : memref<1x1x128xi32, #tpu.memory_space<vmem>> -> memref<128xi32, #tpu.memory_space<vmem>>
      %dma_wait3A_465 = arith.constant 0 : i32
      %dma_wait3A_466 = arith.constant 0 : i32
      %dma_wait3A_467 = tpu.memref_slice %arg2[%dma_wait3A_465, %dma_wait3A_466] : memref<10000x128xf32, #tpu.memory_space<hbm>> -> memref<10000x128xf32, #tpu.memory_space<hbm>>
      %dma_wait3A_468 = tpu.memref_slice %arg12[%dma_wait3A_457] : memref<2x!tpu.dma_semaphore, #tpu.memory_space<semaphore_mem>> -> memref<1x!tpu.dma_semaphore, #tpu.memory_space<semaphore_mem>>
      %dma_wait3A_469 = tpu.memref_squeeze %dma_wait3A_468 : memref<1x!tpu.dma_semaphore, #tpu.memory_space<semaphore_mem>> -> memref<!tpu.dma_semaphore, #tpu.memory_space<semaphore_mem>>
      tpu.wait_indirect_dma semaphore(%dma_wait3A_469 : memref<!tpu.dma_semaphore, #tpu.memory_space<semaphore_mem>>) src(%dma_wait3A_467 : memref<10000x128xf32, #tpu.memory_space<hbm>>) dst(%dma_wait3A_461 : memref<128x128xf32, #tpu.memory_space<vmem>>)
      %run_scoped3A_470 = arith.constant 0 : i32
      %run_scoped3A_471 = arith.constant 0 : i32
      %run_scoped3A_472 = arith.constant 6 : i32
      "tpu.region"() ({
        %run_scoped3A_831 = tpu.sem_alloc : memref<!tpu.dma_semaphore, #tpu.memory_space<semaphore_mem>>
        %dma_start3A_832 = arith.constant 0 : i32
        %dma_start3A_833 = arith.constant 0 : i32
        %dma_start3A_834 = tpu.memref_slice %arg9[%run_scoped3A_470, %dma_start3A_832, %dma_start3A_833] : memref<2x128x128xf32, #tpu.memory_space<vmem>> -> memref<1x128x128xf32, #tpu.memory_space<vmem>>
        %dma_start3A_835 = tpu.memref_squeeze %dma_start3A_834 : memref<1x128x128xf32, #tpu.memory_space<vmem>> -> memref<128x128xf32, #tpu.memory_space<vmem>>
        %dma_start3A_836 = arith.constant 0 : i32
        %dma_start3A_837 = tpu.memref_slice %arg8[%run_scoped3A_471, %run_scoped3A_472, %dma_start3A_836] : memref<2x8x128xi32, #tpu.memory_space<vmem>> -> memref<1x1x128xi32, #tpu.memory_space<vmem>>
        %dma_start3A_838 = tpu.memref_squeeze %dma_start3A_837 : memref<1x1x128xi32, #tpu.memory_space<vmem>> -> memref<128xi32, #tpu.memory_space<vmem>>
        %dma_start3A_839 = arith.constant 0 : i32
        %dma_start3A_840 = arith.constant 0 : i32
        %dma_start3A_841 = tpu.memref_slice %arg10[%dma_start3A_839, %dma_start3A_840] : memref<10240x128xf32, #tpu.memory_space<vmem_shared>> -> memref<10240x128xf32, #tpu.memory_space<vmem_shared>>
        tpu.enqueue_indirect_dma source(%dma_start3A_835 : memref<128x128xf32, #tpu.memory_space<vmem>>) target(%dma_start3A_841 : memref<10240x128xf32, #tpu.memory_space<vmem_shared>>) offsets(%dma_start3A_838 : memref<128xi32, #tpu.memory_space<vmem>>) semaphore(%run_scoped3A_831 : memref<!tpu.dma_semaphore, #tpu.memory_space<semaphore_mem>>) {add = true}
        %dma_wait3A_842 = arith.constant 0 : i32
        %dma_wait3A_843 = arith.constant 0 : i32
        %dma_wait3A_844 = tpu.memref_slice %arg9[%run_scoped3A_470, %dma_wait3A_842, %dma_wait3A_843] : memref<2x128x128xf32, #tpu.memory_space<vmem>> -> memref<1x128x128xf32, #tpu.memory_space<vmem>>
        %dma_wait3A_845 = tpu.memref_squeeze %dma_wait3A_844 : memref<1x128x128xf32, #tpu.memory_space<vmem>> -> memref<128x128xf32, #tpu.memory_space<vmem>>
        %dma_wait3A_846 = arith.constant 0 : i32
        %dma_wait3A_847 = tpu.memref_slice %arg8[%run_scoped3A_471, %run_scoped3A_472, %dma_wait3A_846] : memref<2x8x128xi32, #tpu.memory_space<vmem>> -> memref<1x1x128xi32, #tpu.memory_space<vmem>>
        %dma_wait3A_848 = tpu.memref_squeeze %dma_wait3A_847 : memref<1x1x128xi32, #tpu.memory_space<vmem>> -> memref<128xi32, #tpu.memory_space<vmem>>
        %dma_wait3A_849 = arith.constant 0 : i32
        %dma_wait3A_850 = arith.constant 0 : i32
        %dma_wait3A_851 = tpu.memref_slice %arg10[%dma_wait3A_849, %dma_wait3A_850] : memref<10240x128xf32, #tpu.memory_space<vmem_shared>> -> memref<10240x128xf32, #tpu.memory_space<vmem_shared>>
        tpu.wait_indirect_dma semaphore(%run_scoped3A_831 : memref<!tpu.dma_semaphore, #tpu.memory_space<semaphore_mem>>) src(%dma_wait3A_845 : memref<128x128xf32, #tpu.memory_space<vmem>>) dst(%dma_wait3A_851 : memref<10240x128xf32, #tpu.memory_space<vmem_shared>>)
        tpu.yield
      }) : () -> ()
      %add3A_473 = arith.constant 1 : i32
      %add3A_474 = arith.addi %add3A_211, %add3A_473 : i32
      %le3A_475 = arith.constant 9 : i32
      %le3A_476 = arith.cmpi sle, %add3A_474, %le3A_475 : i32
      %convert_element_type3A_477 = arith.extui %le3A_476 : i1 to i32
      %cond3A_478 = arith.constant 0 : i32
      %cond3A_479 = arith.cmpi ne, %convert_element_type3A_477, %cond3A_478 : i32
      scf.if %cond3A_479 {
        %dma_wait3A_831 = arith.constant 1 : i32
        %dma_wait3A_832 = arith.constant 1 : i32
        %dma_wait3A_833 = arith.constant 0 : i32
        %dma_wait3A_834 = arith.constant 0 : i32
        %dma_wait3A_835 = tpu.memref_slice %arg7[%dma_wait3A_831, %dma_wait3A_833, %dma_wait3A_834] : memref<2x8x128xi32, #tpu.memory_space<vmem>> -> memref<1x8x128xi32, #tpu.memory_space<vmem>>
        %dma_wait3A_836 = tpu.memref_squeeze %dma_wait3A_835 : memref<1x8x128xi32, #tpu.memory_space<vmem>> -> memref<8x128xi32, #tpu.memory_space<vmem>>
        %dma_wait3A_837 = arith.constant 0 : i32
        %dma_wait3A_838 = arith.constant 0 : i32
        %dma_wait3A_839 = tpu.memref_slice %arg3[%add3A, %dma_wait3A_837, %dma_wait3A_838] : memref<32x80x128xi32, #tpu.memory_space<hbm>> -> memref<1x80x128xi32, #tpu.memory_space<hbm>>
        %dma_wait3A_840 = tpu.memref_squeeze %dma_wait3A_839 : memref<1x80x128xi32, #tpu.memory_space<hbm>> -> memref<80x128xi32, #tpu.memory_space<hbm>>
        %dma_wait3A_841 = arith.constant 0 : i32
        %dma_wait3A_842 = arith.constant 0 : i32
        %dma_wait3A_843 = tpu.memref_slice %dma_wait3A_840[%dma_wait3A_841, %dma_wait3A_842] : memref<80x128xi32, #tpu.memory_space<hbm>> -> memref<8x128xi32, #tpu.memory_space<hbm>>
        %dma_wait3A_844 = tpu.memref_slice %arg11[%dma_wait3A_832] : memref<2x!tpu.dma_semaphore, #tpu.memory_space<semaphore_mem>> -> memref<1x!tpu.dma_semaphore, #tpu.memory_space<semaphore_mem>>
        %dma_wait3A_845 = tpu.memref_squeeze %dma_wait3A_844 : memref<1x!tpu.dma_semaphore, #tpu.memory_space<semaphore_mem>> -> memref<!tpu.dma_semaphore, #tpu.memory_space<semaphore_mem>>
        %dma_wait3A_846 = arith.constant 0 : i32
        %dma_wait3A_847 = arith.constant 0 : i32
        %dma_wait3A_848 = tpu.memref_slice %arg7[%dma_wait3A_831, %dma_wait3A_846, %dma_wait3A_847] : memref<2x8x128xi32, #tpu.memory_space<vmem>> -> memref<1x8x128xi32, #tpu.memory_space<vmem>>
        %dma_wait3A_849 = tpu.memref_squeeze %dma_wait3A_848 : memref<1x8x128xi32, #tpu.memory_space<vmem>> -> memref<8x128xi32, #tpu.memory_space<vmem>>
        %dma_wait3A_850 = arith.constant 0 : i32
        %dma_wait3A_851 = arith.constant 0 : i32
        %dma_wait3A_852 = tpu.memref_slice %arg3[%add3A, %dma_wait3A_850, %dma_wait3A_851] : memref<32x80x128xi32, #tpu.memory_space<hbm>> -> memref<1x80x128xi32, #tpu.memory_space<hbm>>
        %dma_wait3A_853 = tpu.memref_squeeze %dma_wait3A_852 : memref<1x80x128xi32, #tpu.memory_space<hbm>> -> memref<80x128xi32, #tpu.memory_space<hbm>>
        %dma_wait3A_854 = arith.constant 0 : i32
        %dma_wait3A_855 = arith.constant 0 : i32
        %dma_wait3A_856 = tpu.memref_slice %dma_wait3A_853[%dma_wait3A_854, %dma_wait3A_855] : memref<80x128xi32, #tpu.memory_space<hbm>> -> memref<8x128xi32, #tpu.memory_space<hbm>>
        tpu.wait_dma2 semaphore(%dma_wait3A_845 : memref<!tpu.dma_semaphore, #tpu.memory_space<semaphore_mem>>) src(%dma_wait3A_856 : memref<8x128xi32, #tpu.memory_space<hbm>>) dst(%dma_wait3A_849 : memref<8x128xi32, #tpu.memory_space<vmem>>)
        %dma_wait3A_857 = arith.constant 1 : i32
        %dma_wait3A_858 = arith.constant 1 : i32
        %dma_wait3A_859 = arith.constant 0 : i32
        %dma_wait3A_860 = arith.constant 0 : i32
        %dma_wait3A_861 = tpu.memref_slice %arg8[%dma_wait3A_857, %dma_wait3A_859, %dma_wait3A_860] : memref<2x8x128xi32, #tpu.memory_space<vmem>> -> memref<1x8x128xi32, #tpu.memory_space<vmem>>
        %dma_wait3A_862 = tpu.memref_squeeze %dma_wait3A_861 : memref<1x8x128xi32, #tpu.memory_space<vmem>> -> memref<8x128xi32, #tpu.memory_space<vmem>>
        %dma_wait3A_863 = arith.constant 0 : i32
        %dma_wait3A_864 = arith.constant 0 : i32
        %dma_wait3A_865 = tpu.memref_slice %arg4[%add3A, %dma_wait3A_863, %dma_wait3A_864] : memref<32x80x128xi32, #tpu.memory_space<hbm>> -> memref<1x80x128xi32, #tpu.memory_space<hbm>>
        %dma_wait3A_866 = tpu.memref_squeeze %dma_wait3A_865 : memref<1x80x128xi32, #tpu.memory_space<hbm>> -> memref<80x128xi32, #tpu.memory_space<hbm>>
        %dma_wait3A_867 = arith.constant 0 : i32
        %dma_wait3A_868 = arith.constant 0 : i32
        %dma_wait3A_869 = tpu.memref_slice %dma_wait3A_866[%dma_wait3A_867, %dma_wait3A_868] : memref<80x128xi32, #tpu.memory_space<hbm>> -> memref<8x128xi32, #tpu.memory_space<hbm>>
        %dma_wait3A_870 = tpu.memref_slice %arg11[%dma_wait3A_858] : memref<2x!tpu.dma_semaphore, #tpu.memory_space<semaphore_mem>> -> memref<1x!tpu.dma_semaphore, #tpu.memory_space<semaphore_mem>>
        %dma_wait3A_871 = tpu.memref_squeeze %dma_wait3A_870 : memref<1x!tpu.dma_semaphore, #tpu.memory_space<semaphore_mem>> -> memref<!tpu.dma_semaphore, #tpu.memory_space<semaphore_mem>>
        %dma_wait3A_872 = arith.constant 0 : i32
        %dma_wait3A_873 = arith.constant 0 : i32
        %dma_wait3A_874 = tpu.memref_slice %arg8[%dma_wait3A_857, %dma_wait3A_872, %dma_wait3A_873] : memref<2x8x128xi32, #tpu.memory_space<vmem>> -> memref<1x8x128xi32, #tpu.memory_space<vmem>>
        %dma_wait3A_875 = tpu.memref_squeeze %dma_wait3A_874 : memref<1x8x128xi32, #tpu.memory_space<vmem>> -> memref<8x128xi32, #tpu.memory_space<vmem>>
        %dma_wait3A_876 = arith.constant 0 : i32
        %dma_wait3A_877 = arith.constant 0 : i32
        %dma_wait3A_878 = tpu.memref_slice %arg4[%add3A, %dma_wait3A_876, %dma_wait3A_877] : memref<32x80x128xi32, #tpu.memory_space<hbm>> -> memref<1x80x128xi32, #tpu.memory_space<hbm>>
        %dma_wait3A_879 = tpu.memref_squeeze %dma_wait3A_878 : memref<1x80x128xi32, #tpu.memory_space<hbm>> -> memref<80x128xi32, #tpu.memory_space<hbm>>
        %dma_wait3A_880 = arith.constant 0 : i32
        %dma_wait3A_881 = arith.constant 0 : i32
        %dma_wait3A_882 = tpu.memref_slice %dma_wait3A_879[%dma_wait3A_880, %dma_wait3A_881] : memref<80x128xi32, #tpu.memory_space<hbm>> -> memref<8x128xi32, #tpu.memory_space<hbm>>
        tpu.wait_dma2 semaphore(%dma_wait3A_871 : memref<!tpu.dma_semaphore, #tpu.memory_space<semaphore_mem>>) src(%dma_wait3A_882 : memref<8x128xi32, #tpu.memory_space<hbm>>) dst(%dma_wait3A_875 : memref<8x128xi32, #tpu.memory_space<vmem>>)
      } else {
      }
      %add3A_480 = arith.constant 2 : i32
      %add3A_481 = arith.addi %add3A_453, %add3A_480 : i32
      %lt3A = arith.constant 80 : i32
      %lt3A_482 = arith.cmpi slt, %add3A_481, %lt3A : i32
      %convert_element_type3A_483 = arith.extui %lt3A_482 : i1 to i32
      %cond3A_484 = arith.constant 0 : i32
      %cond3A_485 = arith.cmpi ne, %convert_element_type3A_483, %cond3A_484 : i32
      scf.if %cond3A_485 {
        %dma_start3A_831 = arith.constant 1 : i32
        %dma_start3A_832 = arith.constant 0 : i32
        %dma_start3A_833 = arith.constant 0 : i32
        %dma_start3A_834 = arith.constant 0 : i32
        %dma_start3A_835 = arith.constant 0 : i32
        %dma_start3A_836 = arith.constant 0 : i32
        %dma_start3A_837 = tpu.memref_slice %arg9[%dma_start3A_833, %dma_start3A_835, %dma_start3A_836] : memref<2x128x128xf32, #tpu.memory_space<vmem>> -> memref<1x128x128xf32, #tpu.memory_space<vmem>>
        %dma_start3A_838 = tpu.memref_squeeze %dma_start3A_837 : memref<1x128x128xf32, #tpu.memory_space<vmem>> -> memref<128x128xf32, #tpu.memory_space<vmem>>
        %dma_start3A_839 = arith.constant 0 : i32
        %dma_start3A_840 = tpu.memref_slice %arg7[%dma_start3A_831, %dma_start3A_832, %dma_start3A_839] : memref<2x8x128xi32, #tpu.memory_space<vmem>> -> memref<1x1x128xi32, #tpu.memory_space<vmem>>
        %dma_start3A_841 = tpu.memref_squeeze %dma_start3A_840 : memref<1x1x128xi32, #tpu.memory_space<vmem>> -> memref<128xi32, #tpu.memory_space<vmem>>
        %dma_start3A_842 = arith.constant 0 : i32
        %dma_start3A_843 = arith.constant 0 : i32
        %dma_start3A_844 = tpu.memref_slice %arg2[%dma_start3A_842, %dma_start3A_843] : memref<10000x128xf32, #tpu.memory_space<hbm>> -> memref<10000x128xf32, #tpu.memory_space<hbm>>
        %dma_start3A_845 = tpu.memref_slice %arg12[%dma_start3A_834] : memref<2x!tpu.dma_semaphore, #tpu.memory_space<semaphore_mem>> -> memref<1x!tpu.dma_semaphore, #tpu.memory_space<semaphore_mem>>
        %dma_start3A_846 = tpu.memref_squeeze %dma_start3A_845 : memref<1x!tpu.dma_semaphore, #tpu.memory_space<semaphore_mem>> -> memref<!tpu.dma_semaphore, #tpu.memory_space<semaphore_mem>>
        tpu.enqueue_indirect_dma source(%dma_start3A_844 : memref<10000x128xf32, #tpu.memory_space<hbm>>) target(%dma_start3A_838 : memref<128x128xf32, #tpu.memory_space<vmem>>) offsets(%dma_start3A_841 : memref<128xi32, #tpu.memory_space<vmem>>) semaphore(%dma_start3A_846 : memref<!tpu.dma_semaphore, #tpu.memory_space<semaphore_mem>>)
      } else {
      }
      %mul3A_486 = arith.constant 8 : i32
      %mul3A_487 = arith.muli %add3A_211, %mul3A_486 : i32
      %add3A_488 = arith.constant 7 : i32
      %add3A_489 = arith.addi %mul3A_487, %add3A_488 : i32
      %dma_wait3A_490 = arith.constant 0 : i32
      %dma_wait3A_491 = arith.constant 0 : i32
      %dma_wait3A_492 = arith.constant 1 : i32
      %dma_wait3A_493 = arith.constant 1 : i32
      %dma_wait3A_494 = arith.constant 0 : i32
      %dma_wait3A_495 = arith.constant 0 : i32
      %dma_wait3A_496 = tpu.memref_slice %arg9[%dma_wait3A_492, %dma_wait3A_494, %dma_wait3A_495] : memref<2x128x128xf32, #tpu.memory_space<vmem>> -> memref<1x128x128xf32, #tpu.memory_space<vmem>>
      %dma_wait3A_497 = tpu.memref_squeeze %dma_wait3A_496 : memref<1x128x128xf32, #tpu.memory_space<vmem>> -> memref<128x128xf32, #tpu.memory_space<vmem>>
      %dma_wait3A_498 = arith.constant 0 : i32
      %dma_wait3A_499 = tpu.memref_slice %arg7[%dma_wait3A_490, %dma_wait3A_491, %dma_wait3A_498] : memref<2x8x128xi32, #tpu.memory_space<vmem>> -> memref<1x1x128xi32, #tpu.memory_space<vmem>>
      %dma_wait3A_500 = tpu.memref_squeeze %dma_wait3A_499 : memref<1x1x128xi32, #tpu.memory_space<vmem>> -> memref<128xi32, #tpu.memory_space<vmem>>
      %dma_wait3A_501 = arith.constant 0 : i32
      %dma_wait3A_502 = arith.constant 0 : i32
      %dma_wait3A_503 = tpu.memref_slice %arg2[%dma_wait3A_501, %dma_wait3A_502] : memref<10000x128xf32, #tpu.memory_space<hbm>> -> memref<10000x128xf32, #tpu.memory_space<hbm>>
      %dma_wait3A_504 = tpu.memref_slice %arg12[%dma_wait3A_493] : memref<2x!tpu.dma_semaphore, #tpu.memory_space<semaphore_mem>> -> memref<1x!tpu.dma_semaphore, #tpu.memory_space<semaphore_mem>>
      %dma_wait3A_505 = tpu.memref_squeeze %dma_wait3A_504 : memref<1x!tpu.dma_semaphore, #tpu.memory_space<semaphore_mem>> -> memref<!tpu.dma_semaphore, #tpu.memory_space<semaphore_mem>>
      tpu.wait_indirect_dma semaphore(%dma_wait3A_505 : memref<!tpu.dma_semaphore, #tpu.memory_space<semaphore_mem>>) src(%dma_wait3A_503 : memref<10000x128xf32, #tpu.memory_space<hbm>>) dst(%dma_wait3A_497 : memref<128x128xf32, #tpu.memory_space<vmem>>)
      %run_scoped3A_506 = arith.constant 1 : i32
      %run_scoped3A_507 = arith.constant 0 : i32
      %run_scoped3A_508 = arith.constant 7 : i32
      "tpu.region"() ({
        %run_scoped3A_831 = tpu.sem_alloc : memref<!tpu.dma_semaphore, #tpu.memory_space<semaphore_mem>>
        %dma_start3A_832 = arith.constant 0 : i32
        %dma_start3A_833 = arith.constant 0 : i32
        %dma_start3A_834 = tpu.memref_slice %arg9[%run_scoped3A_506, %dma_start3A_832, %dma_start3A_833] : memref<2x128x128xf32, #tpu.memory_space<vmem>> -> memref<1x128x128xf32, #tpu.memory_space<vmem>>
        %dma_start3A_835 = tpu.memref_squeeze %dma_start3A_834 : memref<1x128x128xf32, #tpu.memory_space<vmem>> -> memref<128x128xf32, #tpu.memory_space<vmem>>
        %dma_start3A_836 = arith.constant 0 : i32
        %dma_start3A_837 = tpu.memref_slice %arg8[%run_scoped3A_507, %run_scoped3A_508, %dma_start3A_836] : memref<2x8x128xi32, #tpu.memory_space<vmem>> -> memref<1x1x128xi32, #tpu.memory_space<vmem>>
        %dma_start3A_838 = tpu.memref_squeeze %dma_start3A_837 : memref<1x1x128xi32, #tpu.memory_space<vmem>> -> memref<128xi32, #tpu.memory_space<vmem>>
        %dma_start3A_839 = arith.constant 0 : i32
        %dma_start3A_840 = arith.constant 0 : i32
        %dma_start3A_841 = tpu.memref_slice %arg10[%dma_start3A_839, %dma_start3A_840] : memref<10240x128xf32, #tpu.memory_space<vmem_shared>> -> memref<10240x128xf32, #tpu.memory_space<vmem_shared>>
        tpu.enqueue_indirect_dma source(%dma_start3A_835 : memref<128x128xf32, #tpu.memory_space<vmem>>) target(%dma_start3A_841 : memref<10240x128xf32, #tpu.memory_space<vmem_shared>>) offsets(%dma_start3A_838 : memref<128xi32, #tpu.memory_space<vmem>>) semaphore(%run_scoped3A_831 : memref<!tpu.dma_semaphore, #tpu.memory_space<semaphore_mem>>) {add = true}
        %dma_wait3A_842 = arith.constant 0 : i32
        %dma_wait3A_843 = arith.constant 0 : i32
        %dma_wait3A_844 = tpu.memref_slice %arg9[%run_scoped3A_506, %dma_wait3A_842, %dma_wait3A_843] : memref<2x128x128xf32, #tpu.memory_space<vmem>> -> memref<1x128x128xf32, #tpu.memory_space<vmem>>
        %dma_wait3A_845 = tpu.memref_squeeze %dma_wait3A_844 : memref<1x128x128xf32, #tpu.memory_space<vmem>> -> memref<128x128xf32, #tpu.memory_space<vmem>>
        %dma_wait3A_846 = arith.constant 0 : i32
        %dma_wait3A_847 = tpu.memref_slice %arg8[%run_scoped3A_507, %run_scoped3A_508, %dma_wait3A_846] : memref<2x8x128xi32, #tpu.memory_space<vmem>> -> memref<1x1x128xi32, #tpu.memory_space<vmem>>
        %dma_wait3A_848 = tpu.memref_squeeze %dma_wait3A_847 : memref<1x1x128xi32, #tpu.memory_space<vmem>> -> memref<128xi32, #tpu.memory_space<vmem>>
        %dma_wait3A_849 = arith.constant 0 : i32
        %dma_wait3A_850 = arith.constant 0 : i32
        %dma_wait3A_851 = tpu.memref_slice %arg10[%dma_wait3A_849, %dma_wait3A_850] : memref<10240x128xf32, #tpu.memory_space<vmem_shared>> -> memref<10240x128xf32, #tpu.memory_space<vmem_shared>>
        tpu.wait_indirect_dma semaphore(%run_scoped3A_831 : memref<!tpu.dma_semaphore, #tpu.memory_space<semaphore_mem>>) src(%dma_wait3A_845 : memref<128x128xf32, #tpu.memory_space<vmem>>) dst(%dma_wait3A_851 : memref<10240x128xf32, #tpu.memory_space<vmem_shared>>)
        tpu.yield
      }) : () -> ()
      %add3A_509 = arith.constant 2 : i32
      %add3A_510 = arith.addi %add3A_489, %add3A_509 : i32
      %lt3A_511 = arith.constant 80 : i32
      %lt3A_512 = arith.cmpi slt, %add3A_510, %lt3A_511 : i32
      %convert_element_type3A_513 = arith.extui %lt3A_512 : i1 to i32
      %cond3A_514 = arith.constant 0 : i32
      %cond3A_515 = arith.cmpi ne, %convert_element_type3A_513, %cond3A_514 : i32
      scf.if %cond3A_515 {
        %dma_start3A_831 = arith.constant 1 : i32
        %dma_start3A_832 = arith.constant 1 : i32
        %dma_start3A_833 = arith.constant 1 : i32
        %dma_start3A_834 = arith.constant 1 : i32
        %dma_start3A_835 = arith.constant 0 : i32
        %dma_start3A_836 = arith.constant 0 : i32
        %dma_start3A_837 = tpu.memref_slice %arg9[%dma_start3A_833, %dma_start3A_835, %dma_start3A_836] : memref<2x128x128xf32, #tpu.memory_space<vmem>> -> memref<1x128x128xf32, #tpu.memory_space<vmem>>
        %dma_start3A_838 = tpu.memref_squeeze %dma_start3A_837 : memref<1x128x128xf32, #tpu.memory_space<vmem>> -> memref<128x128xf32, #tpu.memory_space<vmem>>
        %dma_start3A_839 = arith.constant 0 : i32
        %dma_start3A_840 = tpu.memref_slice %arg7[%dma_start3A_831, %dma_start3A_832, %dma_start3A_839] : memref<2x8x128xi32, #tpu.memory_space<vmem>> -> memref<1x1x128xi32, #tpu.memory_space<vmem>>
        %dma_start3A_841 = tpu.memref_squeeze %dma_start3A_840 : memref<1x1x128xi32, #tpu.memory_space<vmem>> -> memref<128xi32, #tpu.memory_space<vmem>>
        %dma_start3A_842 = arith.constant 0 : i32
        %dma_start3A_843 = arith.constant 0 : i32
        %dma_start3A_844 = tpu.memref_slice %arg2[%dma_start3A_842, %dma_start3A_843] : memref<10000x128xf32, #tpu.memory_space<hbm>> -> memref<10000x128xf32, #tpu.memory_space<hbm>>
        %dma_start3A_845 = tpu.memref_slice %arg12[%dma_start3A_834] : memref<2x!tpu.dma_semaphore, #tpu.memory_space<semaphore_mem>> -> memref<1x!tpu.dma_semaphore, #tpu.memory_space<semaphore_mem>>
        %dma_start3A_846 = tpu.memref_squeeze %dma_start3A_845 : memref<1x!tpu.dma_semaphore, #tpu.memory_space<semaphore_mem>> -> memref<!tpu.dma_semaphore, #tpu.memory_space<semaphore_mem>>
        tpu.enqueue_indirect_dma source(%dma_start3A_844 : memref<10000x128xf32, #tpu.memory_space<hbm>>) target(%dma_start3A_838 : memref<128x128xf32, #tpu.memory_space<vmem>>) offsets(%dma_start3A_841 : memref<128xi32, #tpu.memory_space<vmem>>) semaphore(%dma_start3A_846 : memref<!tpu.dma_semaphore, #tpu.memory_space<semaphore_mem>>)
      } else {
      }
      %mul3A_516 = arith.constant 2 : i32
      %mul3A_517 = arith.muli %mul3A_516, %add3A_207 : i32
      %add3A_518 = arith.constant 1 : i32
      %add3A_519 = arith.addi %mul3A_517, %add3A_518 : i32
      %mul3A_520 = arith.constant 8 : i32
      %mul3A_521 = arith.muli %add3A_519, %mul3A_520 : i32
      %add3A_522 = arith.constant 0 : i32
      %add3A_523 = arith.addi %mul3A_521, %add3A_522 : i32
      %dma_wait3A_524 = arith.constant 0 : i32
      %dma_wait3A_525 = arith.constant 0 : i32
      %dma_wait3A_526 = arith.constant 0 : i32
      %dma_wait3A_527 = arith.constant 0 : i32
      %dma_wait3A_528 = arith.constant 0 : i32
      %dma_wait3A_529 = arith.constant 0 : i32
      %dma_wait3A_530 = tpu.memref_slice %arg9[%dma_wait3A_526, %dma_wait3A_528, %dma_wait3A_529] : memref<2x128x128xf32, #tpu.memory_space<vmem>> -> memref<1x128x128xf32, #tpu.memory_space<vmem>>
      %dma_wait3A_531 = tpu.memref_squeeze %dma_wait3A_530 : memref<1x128x128xf32, #tpu.memory_space<vmem>> -> memref<128x128xf32, #tpu.memory_space<vmem>>
      %dma_wait3A_532 = arith.constant 0 : i32
      %dma_wait3A_533 = tpu.memref_slice %arg7[%dma_wait3A_524, %dma_wait3A_525, %dma_wait3A_532] : memref<2x8x128xi32, #tpu.memory_space<vmem>> -> memref<1x1x128xi32, #tpu.memory_space<vmem>>
      %dma_wait3A_534 = tpu.memref_squeeze %dma_wait3A_533 : memref<1x1x128xi32, #tpu.memory_space<vmem>> -> memref<128xi32, #tpu.memory_space<vmem>>
      %dma_wait3A_535 = arith.constant 0 : i32
      %dma_wait3A_536 = arith.constant 0 : i32
      %dma_wait3A_537 = tpu.memref_slice %arg2[%dma_wait3A_535, %dma_wait3A_536] : memref<10000x128xf32, #tpu.memory_space<hbm>> -> memref<10000x128xf32, #tpu.memory_space<hbm>>
      %dma_wait3A_538 = tpu.memref_slice %arg12[%dma_wait3A_527] : memref<2x!tpu.dma_semaphore, #tpu.memory_space<semaphore_mem>> -> memref<1x!tpu.dma_semaphore, #tpu.memory_space<semaphore_mem>>
      %dma_wait3A_539 = tpu.memref_squeeze %dma_wait3A_538 : memref<1x!tpu.dma_semaphore, #tpu.memory_space<semaphore_mem>> -> memref<!tpu.dma_semaphore, #tpu.memory_space<semaphore_mem>>
      tpu.wait_indirect_dma semaphore(%dma_wait3A_539 : memref<!tpu.dma_semaphore, #tpu.memory_space<semaphore_mem>>) src(%dma_wait3A_537 : memref<10000x128xf32, #tpu.memory_space<hbm>>) dst(%dma_wait3A_531 : memref<128x128xf32, #tpu.memory_space<vmem>>)
      %run_scoped3A_540 = arith.constant 0 : i32
      %run_scoped3A_541 = arith.constant 1 : i32
      %run_scoped3A_542 = arith.constant 0 : i32
      "tpu.region"() ({
        %run_scoped3A_831 = tpu.sem_alloc : memref<!tpu.dma_semaphore, #tpu.memory_space<semaphore_mem>>
        %dma_start3A_832 = arith.constant 0 : i32
        %dma_start3A_833 = arith.constant 0 : i32
        %dma_start3A_834 = tpu.memref_slice %arg9[%run_scoped3A_540, %dma_start3A_832, %dma_start3A_833] : memref<2x128x128xf32, #tpu.memory_space<vmem>> -> memref<1x128x128xf32, #tpu.memory_space<vmem>>
        %dma_start3A_835 = tpu.memref_squeeze %dma_start3A_834 : memref<1x128x128xf32, #tpu.memory_space<vmem>> -> memref<128x128xf32, #tpu.memory_space<vmem>>
        %dma_start3A_836 = arith.constant 0 : i32
        %dma_start3A_837 = tpu.memref_slice %arg8[%run_scoped3A_541, %run_scoped3A_542, %dma_start3A_836] : memref<2x8x128xi32, #tpu.memory_space<vmem>> -> memref<1x1x128xi32, #tpu.memory_space<vmem>>
        %dma_start3A_838 = tpu.memref_squeeze %dma_start3A_837 : memref<1x1x128xi32, #tpu.memory_space<vmem>> -> memref<128xi32, #tpu.memory_space<vmem>>
        %dma_start3A_839 = arith.constant 0 : i32
        %dma_start3A_840 = arith.constant 0 : i32
        %dma_start3A_841 = tpu.memref_slice %arg10[%dma_start3A_839, %dma_start3A_840] : memref<10240x128xf32, #tpu.memory_space<vmem_shared>> -> memref<10240x128xf32, #tpu.memory_space<vmem_shared>>
        tpu.enqueue_indirect_dma source(%dma_start3A_835 : memref<128x128xf32, #tpu.memory_space<vmem>>) target(%dma_start3A_841 : memref<10240x128xf32, #tpu.memory_space<vmem_shared>>) offsets(%dma_start3A_838 : memref<128xi32, #tpu.memory_space<vmem>>) semaphore(%run_scoped3A_831 : memref<!tpu.dma_semaphore, #tpu.memory_space<semaphore_mem>>) {add = true}
        %dma_wait3A_842 = arith.constant 0 : i32
        %dma_wait3A_843 = arith.constant 0 : i32
        %dma_wait3A_844 = tpu.memref_slice %arg9[%run_scoped3A_540, %dma_wait3A_842, %dma_wait3A_843] : memref<2x128x128xf32, #tpu.memory_space<vmem>> -> memref<1x128x128xf32, #tpu.memory_space<vmem>>
        %dma_wait3A_845 = tpu.memref_squeeze %dma_wait3A_844 : memref<1x128x128xf32, #tpu.memory_space<vmem>> -> memref<128x128xf32, #tpu.memory_space<vmem>>
        %dma_wait3A_846 = arith.constant 0 : i32
        %dma_wait3A_847 = tpu.memref_slice %arg8[%run_scoped3A_541, %run_scoped3A_542, %dma_wait3A_846] : memref<2x8x128xi32, #tpu.memory_space<vmem>> -> memref<1x1x128xi32, #tpu.memory_space<vmem>>
        %dma_wait3A_848 = tpu.memref_squeeze %dma_wait3A_847 : memref<1x1x128xi32, #tpu.memory_space<vmem>> -> memref<128xi32, #tpu.memory_space<vmem>>
        %dma_wait3A_849 = arith.constant 0 : i32
        %dma_wait3A_850 = arith.constant 0 : i32
        %dma_wait3A_851 = tpu.memref_slice %arg10[%dma_wait3A_849, %dma_wait3A_850] : memref<10240x128xf32, #tpu.memory_space<vmem_shared>> -> memref<10240x128xf32, #tpu.memory_space<vmem_shared>>
        tpu.wait_indirect_dma semaphore(%run_scoped3A_831 : memref<!tpu.dma_semaphore, #tpu.memory_space<semaphore_mem>>) src(%dma_wait3A_845 : memref<128x128xf32, #tpu.memory_space<vmem>>) dst(%dma_wait3A_851 : memref<10240x128xf32, #tpu.memory_space<vmem_shared>>)
        tpu.yield
      }) : () -> ()
      %dma_start3A_543 = arith.constant 1 : i32
      %dma_start3A_544 = arith.constant 2 : i32
      %dma_start3A_545 = arith.constant 0 : i32
      %dma_start3A_546 = arith.constant 0 : i32
      %dma_start3A_547 = arith.constant 0 : i32
      %dma_start3A_548 = arith.constant 0 : i32
      %dma_start3A_549 = tpu.memref_slice %arg9[%dma_start3A_545, %dma_start3A_547, %dma_start3A_548] : memref<2x128x128xf32, #tpu.memory_space<vmem>> -> memref<1x128x128xf32, #tpu.memory_space<vmem>>
      %dma_start3A_550 = tpu.memref_squeeze %dma_start3A_549 : memref<1x128x128xf32, #tpu.memory_space<vmem>> -> memref<128x128xf32, #tpu.memory_space<vmem>>
      %dma_start3A_551 = arith.constant 0 : i32
      %dma_start3A_552 = tpu.memref_slice %arg7[%dma_start3A_543, %dma_start3A_544, %dma_start3A_551] : memref<2x8x128xi32, #tpu.memory_space<vmem>> -> memref<1x1x128xi32, #tpu.memory_space<vmem>>
      %dma_start3A_553 = tpu.memref_squeeze %dma_start3A_552 : memref<1x1x128xi32, #tpu.memory_space<vmem>> -> memref<128xi32, #tpu.memory_space<vmem>>
      %dma_start3A_554 = arith.constant 0 : i32
      %dma_start3A_555 = arith.constant 0 : i32
      %dma_start3A_556 = tpu.memref_slice %arg2[%dma_start3A_554, %dma_start3A_555] : memref<10000x128xf32, #tpu.memory_space<hbm>> -> memref<10000x128xf32, #tpu.memory_space<hbm>>
      %dma_start3A_557 = tpu.memref_slice %arg12[%dma_start3A_546] : memref<2x!tpu.dma_semaphore, #tpu.memory_space<semaphore_mem>> -> memref<1x!tpu.dma_semaphore, #tpu.memory_space<semaphore_mem>>
      %dma_start3A_558 = tpu.memref_squeeze %dma_start3A_557 : memref<1x!tpu.dma_semaphore, #tpu.memory_space<semaphore_mem>> -> memref<!tpu.dma_semaphore, #tpu.memory_space<semaphore_mem>>
      tpu.enqueue_indirect_dma source(%dma_start3A_556 : memref<10000x128xf32, #tpu.memory_space<hbm>>) target(%dma_start3A_550 : memref<128x128xf32, #tpu.memory_space<vmem>>) offsets(%dma_start3A_553 : memref<128xi32, #tpu.memory_space<vmem>>) semaphore(%dma_start3A_558 : memref<!tpu.dma_semaphore, #tpu.memory_space<semaphore_mem>>)
      %mul3A_559 = arith.constant 8 : i32
      %mul3A_560 = arith.muli %add3A_519, %mul3A_559 : i32
      %add3A_561 = arith.constant 1 : i32
      %add3A_562 = arith.addi %mul3A_560, %add3A_561 : i32
      %dma_wait3A_563 = arith.constant 0 : i32
      %dma_wait3A_564 = arith.constant 0 : i32
      %dma_wait3A_565 = arith.constant 1 : i32
      %dma_wait3A_566 = arith.constant 1 : i32
      %dma_wait3A_567 = arith.constant 0 : i32
      %dma_wait3A_568 = arith.constant 0 : i32
      %dma_wait3A_569 = tpu.memref_slice %arg9[%dma_wait3A_565, %dma_wait3A_567, %dma_wait3A_568] : memref<2x128x128xf32, #tpu.memory_space<vmem>> -> memref<1x128x128xf32, #tpu.memory_space<vmem>>
      %dma_wait3A_570 = tpu.memref_squeeze %dma_wait3A_569 : memref<1x128x128xf32, #tpu.memory_space<vmem>> -> memref<128x128xf32, #tpu.memory_space<vmem>>
      %dma_wait3A_571 = arith.constant 0 : i32
      %dma_wait3A_572 = tpu.memref_slice %arg7[%dma_wait3A_563, %dma_wait3A_564, %dma_wait3A_571] : memref<2x8x128xi32, #tpu.memory_space<vmem>> -> memref<1x1x128xi32, #tpu.memory_space<vmem>>
      %dma_wait3A_573 = tpu.memref_squeeze %dma_wait3A_572 : memref<1x1x128xi32, #tpu.memory_space<vmem>> -> memref<128xi32, #tpu.memory_space<vmem>>
      %dma_wait3A_574 = arith.constant 0 : i32
      %dma_wait3A_575 = arith.constant 0 : i32
      %dma_wait3A_576 = tpu.memref_slice %arg2[%dma_wait3A_574, %dma_wait3A_575] : memref<10000x128xf32, #tpu.memory_space<hbm>> -> memref<10000x128xf32, #tpu.memory_space<hbm>>
      %dma_wait3A_577 = tpu.memref_slice %arg12[%dma_wait3A_566] : memref<2x!tpu.dma_semaphore, #tpu.memory_space<semaphore_mem>> -> memref<1x!tpu.dma_semaphore, #tpu.memory_space<semaphore_mem>>
      %dma_wait3A_578 = tpu.memref_squeeze %dma_wait3A_577 : memref<1x!tpu.dma_semaphore, #tpu.memory_space<semaphore_mem>> -> memref<!tpu.dma_semaphore, #tpu.memory_space<semaphore_mem>>
      tpu.wait_indirect_dma semaphore(%dma_wait3A_578 : memref<!tpu.dma_semaphore, #tpu.memory_space<semaphore_mem>>) src(%dma_wait3A_576 : memref<10000x128xf32, #tpu.memory_space<hbm>>) dst(%dma_wait3A_570 : memref<128x128xf32, #tpu.memory_space<vmem>>)
      %run_scoped3A_579 = arith.constant 1 : i32
      %run_scoped3A_580 = arith.constant 1 : i32
      %run_scoped3A_581 = arith.constant 1 : i32
      "tpu.region"() ({
        %run_scoped3A_831 = tpu.sem_alloc : memref<!tpu.dma_semaphore, #tpu.memory_space<semaphore_mem>>
        %dma_start3A_832 = arith.constant 0 : i32
        %dma_start3A_833 = arith.constant 0 : i32
        %dma_start3A_834 = tpu.memref_slice %arg9[%run_scoped3A_579, %dma_start3A_832, %dma_start3A_833] : memref<2x128x128xf32, #tpu.memory_space<vmem>> -> memref<1x128x128xf32, #tpu.memory_space<vmem>>
        %dma_start3A_835 = tpu.memref_squeeze %dma_start3A_834 : memref<1x128x128xf32, #tpu.memory_space<vmem>> -> memref<128x128xf32, #tpu.memory_space<vmem>>
        %dma_start3A_836 = arith.constant 0 : i32
        %dma_start3A_837 = tpu.memref_slice %arg8[%run_scoped3A_580, %run_scoped3A_581, %dma_start3A_836] : memref<2x8x128xi32, #tpu.memory_space<vmem>> -> memref<1x1x128xi32, #tpu.memory_space<vmem>>
        %dma_start3A_838 = tpu.memref_squeeze %dma_start3A_837 : memref<1x1x128xi32, #tpu.memory_space<vmem>> -> memref<128xi32, #tpu.memory_space<vmem>>
        %dma_start3A_839 = arith.constant 0 : i32
        %dma_start3A_840 = arith.constant 0 : i32
        %dma_start3A_841 = tpu.memref_slice %arg10[%dma_start3A_839, %dma_start3A_840] : memref<10240x128xf32, #tpu.memory_space<vmem_shared>> -> memref<10240x128xf32, #tpu.memory_space<vmem_shared>>
        tpu.enqueue_indirect_dma source(%dma_start3A_835 : memref<128x128xf32, #tpu.memory_space<vmem>>) target(%dma_start3A_841 : memref<10240x128xf32, #tpu.memory_space<vmem_shared>>) offsets(%dma_start3A_838 : memref<128xi32, #tpu.memory_space<vmem>>) semaphore(%run_scoped3A_831 : memref<!tpu.dma_semaphore, #tpu.memory_space<semaphore_mem>>) {add = true}
        %dma_wait3A_842 = arith.constant 0 : i32
        %dma_wait3A_843 = arith.constant 0 : i32
        %dma_wait3A_844 = tpu.memref_slice %arg9[%run_scoped3A_579, %dma_wait3A_842, %dma_wait3A_843] : memref<2x128x128xf32, #tpu.memory_space<vmem>> -> memref<1x128x128xf32, #tpu.memory_space<vmem>>
        %dma_wait3A_845 = tpu.memref_squeeze %dma_wait3A_844 : memref<1x128x128xf32, #tpu.memory_space<vmem>> -> memref<128x128xf32, #tpu.memory_space<vmem>>
        %dma_wait3A_846 = arith.constant 0 : i32
        %dma_wait3A_847 = tpu.memref_slice %arg8[%run_scoped3A_580, %run_scoped3A_581, %dma_wait3A_846] : memref<2x8x128xi32, #tpu.memory_space<vmem>> -> memref<1x1x128xi32, #tpu.memory_space<vmem>>
        %dma_wait3A_848 = tpu.memref_squeeze %dma_wait3A_847 : memref<1x1x128xi32, #tpu.memory_space<vmem>> -> memref<128xi32, #tpu.memory_space<vmem>>
        %dma_wait3A_849 = arith.constant 0 : i32
        %dma_wait3A_850 = arith.constant 0 : i32
        %dma_wait3A_851 = tpu.memref_slice %arg10[%dma_wait3A_849, %dma_wait3A_850] : memref<10240x128xf32, #tpu.memory_space<vmem_shared>> -> memref<10240x128xf32, #tpu.memory_space<vmem_shared>>
        tpu.wait_indirect_dma semaphore(%run_scoped3A_831 : memref<!tpu.dma_semaphore, #tpu.memory_space<semaphore_mem>>) src(%dma_wait3A_845 : memref<128x128xf32, #tpu.memory_space<vmem>>) dst(%dma_wait3A_851 : memref<10240x128xf32, #tpu.memory_space<vmem_shared>>)
        tpu.yield
      }) : () -> ()
      %dma_start3A_582 = arith.constant 1 : i32
      %dma_start3A_583 = arith.constant 3 : i32
      %dma_start3A_584 = arith.constant 1 : i32
      %dma_start3A_585 = arith.constant 1 : i32
      %dma_start3A_586 = arith.constant 0 : i32
      %dma_start3A_587 = arith.constant 0 : i32
      %dma_start3A_588 = tpu.memref_slice %arg9[%dma_start3A_584, %dma_start3A_586, %dma_start3A_587] : memref<2x128x128xf32, #tpu.memory_space<vmem>> -> memref<1x128x128xf32, #tpu.memory_space<vmem>>
      %dma_start3A_589 = tpu.memref_squeeze %dma_start3A_588 : memref<1x128x128xf32, #tpu.memory_space<vmem>> -> memref<128x128xf32, #tpu.memory_space<vmem>>
      %dma_start3A_590 = arith.constant 0 : i32
      %dma_start3A_591 = tpu.memref_slice %arg7[%dma_start3A_582, %dma_start3A_583, %dma_start3A_590] : memref<2x8x128xi32, #tpu.memory_space<vmem>> -> memref<1x1x128xi32, #tpu.memory_space<vmem>>
      %dma_start3A_592 = tpu.memref_squeeze %dma_start3A_591 : memref<1x1x128xi32, #tpu.memory_space<vmem>> -> memref<128xi32, #tpu.memory_space<vmem>>
      %dma_start3A_593 = arith.constant 0 : i32
      %dma_start3A_594 = arith.constant 0 : i32
      %dma_start3A_595 = tpu.memref_slice %arg2[%dma_start3A_593, %dma_start3A_594] : memref<10000x128xf32, #tpu.memory_space<hbm>> -> memref<10000x128xf32, #tpu.memory_space<hbm>>
      %dma_start3A_596 = tpu.memref_slice %arg12[%dma_start3A_585] : memref<2x!tpu.dma_semaphore, #tpu.memory_space<semaphore_mem>> -> memref<1x!tpu.dma_semaphore, #tpu.memory_space<semaphore_mem>>
      %dma_start3A_597 = tpu.memref_squeeze %dma_start3A_596 : memref<1x!tpu.dma_semaphore, #tpu.memory_space<semaphore_mem>> -> memref<!tpu.dma_semaphore, #tpu.memory_space<semaphore_mem>>
      tpu.enqueue_indirect_dma source(%dma_start3A_595 : memref<10000x128xf32, #tpu.memory_space<hbm>>) target(%dma_start3A_589 : memref<128x128xf32, #tpu.memory_space<vmem>>) offsets(%dma_start3A_592 : memref<128xi32, #tpu.memory_space<vmem>>) semaphore(%dma_start3A_597 : memref<!tpu.dma_semaphore, #tpu.memory_space<semaphore_mem>>)
      %mul3A_598 = arith.constant 8 : i32
      %mul3A_599 = arith.muli %add3A_519, %mul3A_598 : i32
      %add3A_600 = arith.constant 2 : i32
      %add3A_601 = arith.addi %mul3A_599, %add3A_600 : i32
      %dma_wait3A_602 = arith.constant 0 : i32
      %dma_wait3A_603 = arith.constant 0 : i32
      %dma_wait3A_604 = arith.constant 0 : i32
      %dma_wait3A_605 = arith.constant 0 : i32
      %dma_wait3A_606 = arith.constant 0 : i32
      %dma_wait3A_607 = arith.constant 0 : i32
      %dma_wait3A_608 = tpu.memref_slice %arg9[%dma_wait3A_604, %dma_wait3A_606, %dma_wait3A_607] : memref<2x128x128xf32, #tpu.memory_space<vmem>> -> memref<1x128x128xf32, #tpu.memory_space<vmem>>
      %dma_wait3A_609 = tpu.memref_squeeze %dma_wait3A_608 : memref<1x128x128xf32, #tpu.memory_space<vmem>> -> memref<128x128xf32, #tpu.memory_space<vmem>>
      %dma_wait3A_610 = arith.constant 0 : i32
      %dma_wait3A_611 = tpu.memref_slice %arg7[%dma_wait3A_602, %dma_wait3A_603, %dma_wait3A_610] : memref<2x8x128xi32, #tpu.memory_space<vmem>> -> memref<1x1x128xi32, #tpu.memory_space<vmem>>
      %dma_wait3A_612 = tpu.memref_squeeze %dma_wait3A_611 : memref<1x1x128xi32, #tpu.memory_space<vmem>> -> memref<128xi32, #tpu.memory_space<vmem>>
      %dma_wait3A_613 = arith.constant 0 : i32
      %dma_wait3A_614 = arith.constant 0 : i32
      %dma_wait3A_615 = tpu.memref_slice %arg2[%dma_wait3A_613, %dma_wait3A_614] : memref<10000x128xf32, #tpu.memory_space<hbm>> -> memref<10000x128xf32, #tpu.memory_space<hbm>>
      %dma_wait3A_616 = tpu.memref_slice %arg12[%dma_wait3A_605] : memref<2x!tpu.dma_semaphore, #tpu.memory_space<semaphore_mem>> -> memref<1x!tpu.dma_semaphore, #tpu.memory_space<semaphore_mem>>
      %dma_wait3A_617 = tpu.memref_squeeze %dma_wait3A_616 : memref<1x!tpu.dma_semaphore, #tpu.memory_space<semaphore_mem>> -> memref<!tpu.dma_semaphore, #tpu.memory_space<semaphore_mem>>
      tpu.wait_indirect_dma semaphore(%dma_wait3A_617 : memref<!tpu.dma_semaphore, #tpu.memory_space<semaphore_mem>>) src(%dma_wait3A_615 : memref<10000x128xf32, #tpu.memory_space<hbm>>) dst(%dma_wait3A_609 : memref<128x128xf32, #tpu.memory_space<vmem>>)
      %run_scoped3A_618 = arith.constant 0 : i32
      %run_scoped3A_619 = arith.constant 1 : i32
      %run_scoped3A_620 = arith.constant 2 : i32
      "tpu.region"() ({
        %run_scoped3A_831 = tpu.sem_alloc : memref<!tpu.dma_semaphore, #tpu.memory_space<semaphore_mem>>
        %dma_start3A_832 = arith.constant 0 : i32
        %dma_start3A_833 = arith.constant 0 : i32
        %dma_start3A_834 = tpu.memref_slice %arg9[%run_scoped3A_618, %dma_start3A_832, %dma_start3A_833] : memref<2x128x128xf32, #tpu.memory_space<vmem>> -> memref<1x128x128xf32, #tpu.memory_space<vmem>>
        %dma_start3A_835 = tpu.memref_squeeze %dma_start3A_834 : memref<1x128x128xf32, #tpu.memory_space<vmem>> -> memref<128x128xf32, #tpu.memory_space<vmem>>
        %dma_start3A_836 = arith.constant 0 : i32
        %dma_start3A_837 = tpu.memref_slice %arg8[%run_scoped3A_619, %run_scoped3A_620, %dma_start3A_836] : memref<2x8x128xi32, #tpu.memory_space<vmem>> -> memref<1x1x128xi32, #tpu.memory_space<vmem>>
        %dma_start3A_838 = tpu.memref_squeeze %dma_start3A_837 : memref<1x1x128xi32, #tpu.memory_space<vmem>> -> memref<128xi32, #tpu.memory_space<vmem>>
        %dma_start3A_839 = arith.constant 0 : i32
        %dma_start3A_840 = arith.constant 0 : i32
        %dma_start3A_841 = tpu.memref_slice %arg10[%dma_start3A_839, %dma_start3A_840] : memref<10240x128xf32, #tpu.memory_space<vmem_shared>> -> memref<10240x128xf32, #tpu.memory_space<vmem_shared>>
        tpu.enqueue_indirect_dma source(%dma_start3A_835 : memref<128x128xf32, #tpu.memory_space<vmem>>) target(%dma_start3A_841 : memref<10240x128xf32, #tpu.memory_space<vmem_shared>>) offsets(%dma_start3A_838 : memref<128xi32, #tpu.memory_space<vmem>>) semaphore(%run_scoped3A_831 : memref<!tpu.dma_semaphore, #tpu.memory_space<semaphore_mem>>) {add = true}
        %dma_wait3A_842 = arith.constant 0 : i32
        %dma_wait3A_843 = arith.constant 0 : i32
        %dma_wait3A_844 = tpu.memref_slice %arg9[%run_scoped3A_618, %dma_wait3A_842, %dma_wait3A_843] : memref<2x128x128xf32, #tpu.memory_space<vmem>> -> memref<1x128x128xf32, #tpu.memory_space<vmem>>
        %dma_wait3A_845 = tpu.memref_squeeze %dma_wait3A_844 : memref<1x128x128xf32, #tpu.memory_space<vmem>> -> memref<128x128xf32, #tpu.memory_space<vmem>>
        %dma_wait3A_846 = arith.constant 0 : i32
        %dma_wait3A_847 = tpu.memref_slice %arg8[%run_scoped3A_619, %run_scoped3A_620, %dma_wait3A_846] : memref<2x8x128xi32, #tpu.memory_space<vmem>> -> memref<1x1x128xi32, #tpu.memory_space<vmem>>
        %dma_wait3A_848 = tpu.memref_squeeze %dma_wait3A_847 : memref<1x1x128xi32, #tpu.memory_space<vmem>> -> memref<128xi32, #tpu.memory_space<vmem>>
        %dma_wait3A_849 = arith.constant 0 : i32
        %dma_wait3A_850 = arith.constant 0 : i32
        %dma_wait3A_851 = tpu.memref_slice %arg10[%dma_wait3A_849, %dma_wait3A_850] : memref<10240x128xf32, #tpu.memory_space<vmem_shared>> -> memref<10240x128xf32, #tpu.memory_space<vmem_shared>>
        tpu.wait_indirect_dma semaphore(%run_scoped3A_831 : memref<!tpu.dma_semaphore, #tpu.memory_space<semaphore_mem>>) src(%dma_wait3A_845 : memref<128x128xf32, #tpu.memory_space<vmem>>) dst(%dma_wait3A_851 : memref<10240x128xf32, #tpu.memory_space<vmem_shared>>)
        tpu.yield
      }) : () -> ()
      %ge3A_621 = arith.constant 1 : i32
      %ge3A_622 = arith.cmpi sge, %add3A_519, %ge3A_621 : i32
      %add3A_623 = arith.constant 1 : i32
      %add3A_624 = arith.addi %add3A_519, %add3A_623 : i32
      %le3A_625 = arith.constant 9 : i32
      %le3A_626 = arith.cmpi sle, %add3A_624, %le3A_625 : i32
      %and3A_627 = arith.andi %ge3A_622, %le3A_626 : i1
      %convert_element_type3A_628 = arith.extui %and3A_627 : i1 to i32
      %cond3A_629 = arith.constant 0 : i32
      %cond3A_630 = arith.cmpi ne, %convert_element_type3A_628, %cond3A_629 : i32
      scf.if %cond3A_630 {
        %add3A_831 = arith.constant 1 : i32
        %add3A_832 = arith.addi %add3A_519, %add3A_831 : i32
        %mul3A_833 = arith.constant 8 : i32
        %mul3A_834 = arith.muli %add3A_832, %mul3A_833 : i32
        %dma_start3A_835 = arith.constant 0 : i32
        %dma_start3A_836 = arith.constant 0 : i32
        %dma_start3A_837 = arith.constant 0 : i32
        %dma_start3A_838 = arith.constant 0 : i32
        %dma_start3A_839 = tpu.memref_slice %arg7[%dma_start3A_835, %dma_start3A_837, %dma_start3A_838] : memref<2x8x128xi32, #tpu.memory_space<vmem>> -> memref<1x8x128xi32, #tpu.memory_space<vmem>>
        %dma_start3A_840 = tpu.memref_squeeze %dma_start3A_839 : memref<1x8x128xi32, #tpu.memory_space<vmem>> -> memref<8x128xi32, #tpu.memory_space<vmem>>
        %dma_start3A_841 = arith.constant 0 : i32
        %dma_start3A_842 = arith.constant 0 : i32
        %dma_start3A_843 = tpu.memref_slice %arg3[%add3A, %dma_start3A_841, %dma_start3A_842] : memref<32x80x128xi32, #tpu.memory_space<hbm>> -> memref<1x80x128xi32, #tpu.memory_space<hbm>>
        %dma_start3A_844 = tpu.memref_squeeze %dma_start3A_843 : memref<1x80x128xi32, #tpu.memory_space<hbm>> -> memref<80x128xi32, #tpu.memory_space<hbm>>
        %dma_start3A_845 = arith.constant 0 : i32
        %dma_start3A_846 = tpu.memref_slice %dma_start3A_844[%mul3A_834, %dma_start3A_845] : memref<80x128xi32, #tpu.memory_space<hbm>> -> memref<8x128xi32, #tpu.memory_space<hbm>>
        %dma_start3A_847 = tpu.memref_slice %arg11[%dma_start3A_836] : memref<2x!tpu.dma_semaphore, #tpu.memory_space<semaphore_mem>> -> memref<1x!tpu.dma_semaphore, #tpu.memory_space<semaphore_mem>>
        %dma_start3A_848 = tpu.memref_squeeze %dma_start3A_847 : memref<1x!tpu.dma_semaphore, #tpu.memory_space<semaphore_mem>> -> memref<!tpu.dma_semaphore, #tpu.memory_space<semaphore_mem>>
        %dma_start3A_849 = arith.constant 0 : i32
        %dma_start3A_850 = arith.constant 0 : i32
        %dma_start3A_851 = tpu.memref_slice %arg7[%dma_start3A_835, %dma_start3A_849, %dma_start3A_850] : memref<2x8x128xi32, #tpu.memory_space<vmem>> -> memref<1x8x128xi32, #tpu.memory_space<vmem>>
        %dma_start3A_852 = tpu.memref_squeeze %dma_start3A_851 : memref<1x8x128xi32, #tpu.memory_space<vmem>> -> memref<8x128xi32, #tpu.memory_space<vmem>>
        %dma_start3A_853 = arith.constant 0 : i32
        %dma_start3A_854 = arith.constant 0 : i32
        %dma_start3A_855 = tpu.memref_slice %arg3[%add3A, %dma_start3A_853, %dma_start3A_854] : memref<32x80x128xi32, #tpu.memory_space<hbm>> -> memref<1x80x128xi32, #tpu.memory_space<hbm>>
        %dma_start3A_856 = tpu.memref_squeeze %dma_start3A_855 : memref<1x80x128xi32, #tpu.memory_space<hbm>> -> memref<80x128xi32, #tpu.memory_space<hbm>>
        %dma_start3A_857 = arith.constant 0 : i32
        %dma_start3A_858 = tpu.memref_slice %dma_start3A_856[%mul3A_834, %dma_start3A_857] : memref<80x128xi32, #tpu.memory_space<hbm>> -> memref<8x128xi32, #tpu.memory_space<hbm>>
        tpu.enqueue_dma source(%dma_start3A_858 : memref<8x128xi32, #tpu.memory_space<hbm>>) target(%dma_start3A_852 : memref<8x128xi32, #tpu.memory_space<vmem>>) target_semaphore(%dma_start3A_848 : memref<!tpu.dma_semaphore, #tpu.memory_space<semaphore_mem>>)
        %mul3A_859 = arith.constant 8 : i32
        %mul3A_860 = arith.muli %add3A_832, %mul3A_859 : i32
        %dma_start3A_861 = arith.constant 0 : i32
        %dma_start3A_862 = arith.constant 0 : i32
        %dma_start3A_863 = arith.constant 0 : i32
        %dma_start3A_864 = arith.constant 0 : i32
        %dma_start3A_865 = tpu.memref_slice %arg8[%dma_start3A_861, %dma_start3A_863, %dma_start3A_864] : memref<2x8x128xi32, #tpu.memory_space<vmem>> -> memref<1x8x128xi32, #tpu.memory_space<vmem>>
        %dma_start3A_866 = tpu.memref_squeeze %dma_start3A_865 : memref<1x8x128xi32, #tpu.memory_space<vmem>> -> memref<8x128xi32, #tpu.memory_space<vmem>>
        %dma_start3A_867 = arith.constant 0 : i32
        %dma_start3A_868 = arith.constant 0 : i32
        %dma_start3A_869 = tpu.memref_slice %arg4[%add3A, %dma_start3A_867, %dma_start3A_868] : memref<32x80x128xi32, #tpu.memory_space<hbm>> -> memref<1x80x128xi32, #tpu.memory_space<hbm>>
        %dma_start3A_870 = tpu.memref_squeeze %dma_start3A_869 : memref<1x80x128xi32, #tpu.memory_space<hbm>> -> memref<80x128xi32, #tpu.memory_space<hbm>>
        %dma_start3A_871 = arith.constant 0 : i32
        %dma_start3A_872 = tpu.memref_slice %dma_start3A_870[%mul3A_860, %dma_start3A_871] : memref<80x128xi32, #tpu.memory_space<hbm>> -> memref<8x128xi32, #tpu.memory_space<hbm>>
        %dma_start3A_873 = tpu.memref_slice %arg11[%dma_start3A_862] : memref<2x!tpu.dma_semaphore, #tpu.memory_space<semaphore_mem>> -> memref<1x!tpu.dma_semaphore, #tpu.memory_space<semaphore_mem>>
        %dma_start3A_874 = tpu.memref_squeeze %dma_start3A_873 : memref<1x!tpu.dma_semaphore, #tpu.memory_space<semaphore_mem>> -> memref<!tpu.dma_semaphore, #tpu.memory_space<semaphore_mem>>
        %dma_start3A_875 = arith.constant 0 : i32
        %dma_start3A_876 = arith.constant 0 : i32
        %dma_start3A_877 = tpu.memref_slice %arg8[%dma_start3A_861, %dma_start3A_875, %dma_start3A_876] : memref<2x8x128xi32, #tpu.memory_space<vmem>> -> memref<1x8x128xi32, #tpu.memory_space<vmem>>
        %dma_start3A_878 = tpu.memref_squeeze %dma_start3A_877 : memref<1x8x128xi32, #tpu.memory_space<vmem>> -> memref<8x128xi32, #tpu.memory_space<vmem>>
        %dma_start3A_879 = arith.constant 0 : i32
        %dma_start3A_880 = arith.constant 0 : i32
        %dma_start3A_881 = tpu.memref_slice %arg4[%add3A, %dma_start3A_879, %dma_start3A_880] : memref<32x80x128xi32, #tpu.memory_space<hbm>> -> memref<1x80x128xi32, #tpu.memory_space<hbm>>
        %dma_start3A_882 = tpu.memref_squeeze %dma_start3A_881 : memref<1x80x128xi32, #tpu.memory_space<hbm>> -> memref<80x128xi32, #tpu.memory_space<hbm>>
        %dma_start3A_883 = arith.constant 0 : i32
        %dma_start3A_884 = tpu.memref_slice %dma_start3A_882[%mul3A_860, %dma_start3A_883] : memref<80x128xi32, #tpu.memory_space<hbm>> -> memref<8x128xi32, #tpu.memory_space<hbm>>
        tpu.enqueue_dma source(%dma_start3A_884 : memref<8x128xi32, #tpu.memory_space<hbm>>) target(%dma_start3A_878 : memref<8x128xi32, #tpu.memory_space<vmem>>) target_semaphore(%dma_start3A_874 : memref<!tpu.dma_semaphore, #tpu.memory_space<semaphore_mem>>)
      } else {
      }
      %dma_start3A_631 = arith.constant 1 : i32
      %dma_start3A_632 = arith.constant 4 : i32
      %dma_start3A_633 = arith.constant 0 : i32
      %dma_start3A_634 = arith.constant 0 : i32
      %dma_start3A_635 = arith.constant 0 : i32
      %dma_start3A_636 = arith.constant 0 : i32
      %dma_start3A_637 = tpu.memref_slice %arg9[%dma_start3A_633, %dma_start3A_635, %dma_start3A_636] : memref<2x128x128xf32, #tpu.memory_space<vmem>> -> memref<1x128x128xf32, #tpu.memory_space<vmem>>
      %dma_start3A_638 = tpu.memref_squeeze %dma_start3A_637 : memref<1x128x128xf32, #tpu.memory_space<vmem>> -> memref<128x128xf32, #tpu.memory_space<vmem>>
      %dma_start3A_639 = arith.constant 0 : i32
      %dma_start3A_640 = tpu.memref_slice %arg7[%dma_start3A_631, %dma_start3A_632, %dma_start3A_639] : memref<2x8x128xi32, #tpu.memory_space<vmem>> -> memref<1x1x128xi32, #tpu.memory_space<vmem>>
      %dma_start3A_641 = tpu.memref_squeeze %dma_start3A_640 : memref<1x1x128xi32, #tpu.memory_space<vmem>> -> memref<128xi32, #tpu.memory_space<vmem>>
      %dma_start3A_642 = arith.constant 0 : i32
      %dma_start3A_643 = arith.constant 0 : i32
      %dma_start3A_644 = tpu.memref_slice %arg2[%dma_start3A_642, %dma_start3A_643] : memref<10000x128xf32, #tpu.memory_space<hbm>> -> memref<10000x128xf32, #tpu.memory_space<hbm>>
      %dma_start3A_645 = tpu.memref_slice %arg12[%dma_start3A_634] : memref<2x!tpu.dma_semaphore, #tpu.memory_space<semaphore_mem>> -> memref<1x!tpu.dma_semaphore, #tpu.memory_space<semaphore_mem>>
      %dma_start3A_646 = tpu.memref_squeeze %dma_start3A_645 : memref<1x!tpu.dma_semaphore, #tpu.memory_space<semaphore_mem>> -> memref<!tpu.dma_semaphore, #tpu.memory_space<semaphore_mem>>
      tpu.enqueue_indirect_dma source(%dma_start3A_644 : memref<10000x128xf32, #tpu.memory_space<hbm>>) target(%dma_start3A_638 : memref<128x128xf32, #tpu.memory_space<vmem>>) offsets(%dma_start3A_641 : memref<128xi32, #tpu.memory_space<vmem>>) semaphore(%dma_start3A_646 : memref<!tpu.dma_semaphore, #tpu.memory_space<semaphore_mem>>)
      %mul3A_647 = arith.constant 8 : i32
      %mul3A_648 = arith.muli %add3A_519, %mul3A_647 : i32
      %add3A_649 = arith.constant 3 : i32
      %add3A_650 = arith.addi %mul3A_648, %add3A_649 : i32
      %dma_wait3A_651 = arith.constant 0 : i32
      %dma_wait3A_652 = arith.constant 0 : i32
      %dma_wait3A_653 = arith.constant 1 : i32
      %dma_wait3A_654 = arith.constant 1 : i32
      %dma_wait3A_655 = arith.constant 0 : i32
      %dma_wait3A_656 = arith.constant 0 : i32
      %dma_wait3A_657 = tpu.memref_slice %arg9[%dma_wait3A_653, %dma_wait3A_655, %dma_wait3A_656] : memref<2x128x128xf32, #tpu.memory_space<vmem>> -> memref<1x128x128xf32, #tpu.memory_space<vmem>>
      %dma_wait3A_658 = tpu.memref_squeeze %dma_wait3A_657 : memref<1x128x128xf32, #tpu.memory_space<vmem>> -> memref<128x128xf32, #tpu.memory_space<vmem>>
      %dma_wait3A_659 = arith.constant 0 : i32
      %dma_wait3A_660 = tpu.memref_slice %arg7[%dma_wait3A_651, %dma_wait3A_652, %dma_wait3A_659] : memref<2x8x128xi32, #tpu.memory_space<vmem>> -> memref<1x1x128xi32, #tpu.memory_space<vmem>>
      %dma_wait3A_661 = tpu.memref_squeeze %dma_wait3A_660 : memref<1x1x128xi32, #tpu.memory_space<vmem>> -> memref<128xi32, #tpu.memory_space<vmem>>
      %dma_wait3A_662 = arith.constant 0 : i32
      %dma_wait3A_663 = arith.constant 0 : i32
      %dma_wait3A_664 = tpu.memref_slice %arg2[%dma_wait3A_662, %dma_wait3A_663] : memref<10000x128xf32, #tpu.memory_space<hbm>> -> memref<10000x128xf32, #tpu.memory_space<hbm>>
      %dma_wait3A_665 = tpu.memref_slice %arg12[%dma_wait3A_654] : memref<2x!tpu.dma_semaphore, #tpu.memory_space<semaphore_mem>> -> memref<1x!tpu.dma_semaphore, #tpu.memory_space<semaphore_mem>>
      %dma_wait3A_666 = tpu.memref_squeeze %dma_wait3A_665 : memref<1x!tpu.dma_semaphore, #tpu.memory_space<semaphore_mem>> -> memref<!tpu.dma_semaphore, #tpu.memory_space<semaphore_mem>>
      tpu.wait_indirect_dma semaphore(%dma_wait3A_666 : memref<!tpu.dma_semaphore, #tpu.memory_space<semaphore_mem>>) src(%dma_wait3A_664 : memref<10000x128xf32, #tpu.memory_space<hbm>>) dst(%dma_wait3A_658 : memref<128x128xf32, #tpu.memory_space<vmem>>)
      %run_scoped3A_667 = arith.constant 1 : i32
      %run_scoped3A_668 = arith.constant 1 : i32
      %run_scoped3A_669 = arith.constant 3 : i32
      "tpu.region"() ({
        %run_scoped3A_831 = tpu.sem_alloc : memref<!tpu.dma_semaphore, #tpu.memory_space<semaphore_mem>>
        %dma_start3A_832 = arith.constant 0 : i32
        %dma_start3A_833 = arith.constant 0 : i32
        %dma_start3A_834 = tpu.memref_slice %arg9[%run_scoped3A_667, %dma_start3A_832, %dma_start3A_833] : memref<2x128x128xf32, #tpu.memory_space<vmem>> -> memref<1x128x128xf32, #tpu.memory_space<vmem>>
        %dma_start3A_835 = tpu.memref_squeeze %dma_start3A_834 : memref<1x128x128xf32, #tpu.memory_space<vmem>> -> memref<128x128xf32, #tpu.memory_space<vmem>>
        %dma_start3A_836 = arith.constant 0 : i32
        %dma_start3A_837 = tpu.memref_slice %arg8[%run_scoped3A_668, %run_scoped3A_669, %dma_start3A_836] : memref<2x8x128xi32, #tpu.memory_space<vmem>> -> memref<1x1x128xi32, #tpu.memory_space<vmem>>
        %dma_start3A_838 = tpu.memref_squeeze %dma_start3A_837 : memref<1x1x128xi32, #tpu.memory_space<vmem>> -> memref<128xi32, #tpu.memory_space<vmem>>
        %dma_start3A_839 = arith.constant 0 : i32
        %dma_start3A_840 = arith.constant 0 : i32
        %dma_start3A_841 = tpu.memref_slice %arg10[%dma_start3A_839, %dma_start3A_840] : memref<10240x128xf32, #tpu.memory_space<vmem_shared>> -> memref<10240x128xf32, #tpu.memory_space<vmem_shared>>
        tpu.enqueue_indirect_dma source(%dma_start3A_835 : memref<128x128xf32, #tpu.memory_space<vmem>>) target(%dma_start3A_841 : memref<10240x128xf32, #tpu.memory_space<vmem_shared>>) offsets(%dma_start3A_838 : memref<128xi32, #tpu.memory_space<vmem>>) semaphore(%run_scoped3A_831 : memref<!tpu.dma_semaphore, #tpu.memory_space<semaphore_mem>>) {add = true}
        %dma_wait3A_842 = arith.constant 0 : i32
        %dma_wait3A_843 = arith.constant 0 : i32
        %dma_wait3A_844 = tpu.memref_slice %arg9[%run_scoped3A_667, %dma_wait3A_842, %dma_wait3A_843] : memref<2x128x128xf32, #tpu.memory_space<vmem>> -> memref<1x128x128xf32, #tpu.memory_space<vmem>>
        %dma_wait3A_845 = tpu.memref_squeeze %dma_wait3A_844 : memref<1x128x128xf32, #tpu.memory_space<vmem>> -> memref<128x128xf32, #tpu.memory_space<vmem>>
        %dma_wait3A_846 = arith.constant 0 : i32
        %dma_wait3A_847 = tpu.memref_slice %arg8[%run_scoped3A_668, %run_scoped3A_669, %dma_wait3A_846] : memref<2x8x128xi32, #tpu.memory_space<vmem>> -> memref<1x1x128xi32, #tpu.memory_space<vmem>>
        %dma_wait3A_848 = tpu.memref_squeeze %dma_wait3A_847 : memref<1x1x128xi32, #tpu.memory_space<vmem>> -> memref<128xi32, #tpu.memory_space<vmem>>
        %dma_wait3A_849 = arith.constant 0 : i32
        %dma_wait3A_850 = arith.constant 0 : i32
        %dma_wait3A_851 = tpu.memref_slice %arg10[%dma_wait3A_849, %dma_wait3A_850] : memref<10240x128xf32, #tpu.memory_space<vmem_shared>> -> memref<10240x128xf32, #tpu.memory_space<vmem_shared>>
        tpu.wait_indirect_dma semaphore(%run_scoped3A_831 : memref<!tpu.dma_semaphore, #tpu.memory_space<semaphore_mem>>) src(%dma_wait3A_845 : memref<128x128xf32, #tpu.memory_space<vmem>>) dst(%dma_wait3A_851 : memref<10240x128xf32, #tpu.memory_space<vmem_shared>>)
        tpu.yield
      }) : () -> ()
      %dma_start3A_670 = arith.constant 1 : i32
      %dma_start3A_671 = arith.constant 5 : i32
      %dma_start3A_672 = arith.constant 1 : i32
      %dma_start3A_673 = arith.constant 1 : i32
      %dma_start3A_674 = arith.constant 0 : i32
      %dma_start3A_675 = arith.constant 0 : i32
      %dma_start3A_676 = tpu.memref_slice %arg9[%dma_start3A_672, %dma_start3A_674, %dma_start3A_675] : memref<2x128x128xf32, #tpu.memory_space<vmem>> -> memref<1x128x128xf32, #tpu.memory_space<vmem>>
      %dma_start3A_677 = tpu.memref_squeeze %dma_start3A_676 : memref<1x128x128xf32, #tpu.memory_space<vmem>> -> memref<128x128xf32, #tpu.memory_space<vmem>>
      %dma_start3A_678 = arith.constant 0 : i32
      %dma_start3A_679 = tpu.memref_slice %arg7[%dma_start3A_670, %dma_start3A_671, %dma_start3A_678] : memref<2x8x128xi32, #tpu.memory_space<vmem>> -> memref<1x1x128xi32, #tpu.memory_space<vmem>>
      %dma_start3A_680 = tpu.memref_squeeze %dma_start3A_679 : memref<1x1x128xi32, #tpu.memory_space<vmem>> -> memref<128xi32, #tpu.memory_space<vmem>>
      %dma_start3A_681 = arith.constant 0 : i32
      %dma_start3A_682 = arith.constant 0 : i32
      %dma_start3A_683 = tpu.memref_slice %arg2[%dma_start3A_681, %dma_start3A_682] : memref<10000x128xf32, #tpu.memory_space<hbm>> -> memref<10000x128xf32, #tpu.memory_space<hbm>>
      %dma_start3A_684 = tpu.memref_slice %arg12[%dma_start3A_673] : memref<2x!tpu.dma_semaphore, #tpu.memory_space<semaphore_mem>> -> memref<1x!tpu.dma_semaphore, #tpu.memory_space<semaphore_mem>>
      %dma_start3A_685 = tpu.memref_squeeze %dma_start3A_684 : memref<1x!tpu.dma_semaphore, #tpu.memory_space<semaphore_mem>> -> memref<!tpu.dma_semaphore, #tpu.memory_space<semaphore_mem>>
      tpu.enqueue_indirect_dma source(%dma_start3A_683 : memref<10000x128xf32, #tpu.memory_space<hbm>>) target(%dma_start3A_677 : memref<128x128xf32, #tpu.memory_space<vmem>>) offsets(%dma_start3A_680 : memref<128xi32, #tpu.memory_space<vmem>>) semaphore(%dma_start3A_685 : memref<!tpu.dma_semaphore, #tpu.memory_space<semaphore_mem>>)
      %mul3A_686 = arith.constant 8 : i32
      %mul3A_687 = arith.muli %add3A_519, %mul3A_686 : i32
      %add3A_688 = arith.constant 4 : i32
      %add3A_689 = arith.addi %mul3A_687, %add3A_688 : i32
      %dma_wait3A_690 = arith.constant 0 : i32
      %dma_wait3A_691 = arith.constant 0 : i32
      %dma_wait3A_692 = arith.constant 0 : i32
      %dma_wait3A_693 = arith.constant 0 : i32
      %dma_wait3A_694 = arith.constant 0 : i32
      %dma_wait3A_695 = arith.constant 0 : i32
      %dma_wait3A_696 = tpu.memref_slice %arg9[%dma_wait3A_692, %dma_wait3A_694, %dma_wait3A_695] : memref<2x128x128xf32, #tpu.memory_space<vmem>> -> memref<1x128x128xf32, #tpu.memory_space<vmem>>
      %dma_wait3A_697 = tpu.memref_squeeze %dma_wait3A_696 : memref<1x128x128xf32, #tpu.memory_space<vmem>> -> memref<128x128xf32, #tpu.memory_space<vmem>>
      %dma_wait3A_698 = arith.constant 0 : i32
      %dma_wait3A_699 = tpu.memref_slice %arg7[%dma_wait3A_690, %dma_wait3A_691, %dma_wait3A_698] : memref<2x8x128xi32, #tpu.memory_space<vmem>> -> memref<1x1x128xi32, #tpu.memory_space<vmem>>
      %dma_wait3A_700 = tpu.memref_squeeze %dma_wait3A_699 : memref<1x1x128xi32, #tpu.memory_space<vmem>> -> memref<128xi32, #tpu.memory_space<vmem>>
      %dma_wait3A_701 = arith.constant 0 : i32
      %dma_wait3A_702 = arith.constant 0 : i32
      %dma_wait3A_703 = tpu.memref_slice %arg2[%dma_wait3A_701, %dma_wait3A_702] : memref<10000x128xf32, #tpu.memory_space<hbm>> -> memref<10000x128xf32, #tpu.memory_space<hbm>>
      %dma_wait3A_704 = tpu.memref_slice %arg12[%dma_wait3A_693] : memref<2x!tpu.dma_semaphore, #tpu.memory_space<semaphore_mem>> -> memref<1x!tpu.dma_semaphore, #tpu.memory_space<semaphore_mem>>
      %dma_wait3A_705 = tpu.memref_squeeze %dma_wait3A_704 : memref<1x!tpu.dma_semaphore, #tpu.memory_space<semaphore_mem>> -> memref<!tpu.dma_semaphore, #tpu.memory_space<semaphore_mem>>
      tpu.wait_indirect_dma semaphore(%dma_wait3A_705 : memref<!tpu.dma_semaphore, #tpu.memory_space<semaphore_mem>>) src(%dma_wait3A_703 : memref<10000x128xf32, #tpu.memory_space<hbm>>) dst(%dma_wait3A_697 : memref<128x128xf32, #tpu.memory_space<vmem>>)
      %run_scoped3A_706 = arith.constant 0 : i32
      %run_scoped3A_707 = arith.constant 1 : i32
      %run_scoped3A_708 = arith.constant 4 : i32
      "tpu.region"() ({
        %run_scoped3A_831 = tpu.sem_alloc : memref<!tpu.dma_semaphore, #tpu.memory_space<semaphore_mem>>
        %dma_start3A_832 = arith.constant 0 : i32
        %dma_start3A_833 = arith.constant 0 : i32
        %dma_start3A_834 = tpu.memref_slice %arg9[%run_scoped3A_706, %dma_start3A_832, %dma_start3A_833] : memref<2x128x128xf32, #tpu.memory_space<vmem>> -> memref<1x128x128xf32, #tpu.memory_space<vmem>>
        %dma_start3A_835 = tpu.memref_squeeze %dma_start3A_834 : memref<1x128x128xf32, #tpu.memory_space<vmem>> -> memref<128x128xf32, #tpu.memory_space<vmem>>
        %dma_start3A_836 = arith.constant 0 : i32
        %dma_start3A_837 = tpu.memref_slice %arg8[%run_scoped3A_707, %run_scoped3A_708, %dma_start3A_836] : memref<2x8x128xi32, #tpu.memory_space<vmem>> -> memref<1x1x128xi32, #tpu.memory_space<vmem>>
        %dma_start3A_838 = tpu.memref_squeeze %dma_start3A_837 : memref<1x1x128xi32, #tpu.memory_space<vmem>> -> memref<128xi32, #tpu.memory_space<vmem>>
        %dma_start3A_839 = arith.constant 0 : i32
        %dma_start3A_840 = arith.constant 0 : i32
        %dma_start3A_841 = tpu.memref_slice %arg10[%dma_start3A_839, %dma_start3A_840] : memref<10240x128xf32, #tpu.memory_space<vmem_shared>> -> memref<10240x128xf32, #tpu.memory_space<vmem_shared>>
        tpu.enqueue_indirect_dma source(%dma_start3A_835 : memref<128x128xf32, #tpu.memory_space<vmem>>) target(%dma_start3A_841 : memref<10240x128xf32, #tpu.memory_space<vmem_shared>>) offsets(%dma_start3A_838 : memref<128xi32, #tpu.memory_space<vmem>>) semaphore(%run_scoped3A_831 : memref<!tpu.dma_semaphore, #tpu.memory_space<semaphore_mem>>) {add = true}
        %dma_wait3A_842 = arith.constant 0 : i32
        %dma_wait3A_843 = arith.constant 0 : i32
        %dma_wait3A_844 = tpu.memref_slice %arg9[%run_scoped3A_706, %dma_wait3A_842, %dma_wait3A_843] : memref<2x128x128xf32, #tpu.memory_space<vmem>> -> memref<1x128x128xf32, #tpu.memory_space<vmem>>
        %dma_wait3A_845 = tpu.memref_squeeze %dma_wait3A_844 : memref<1x128x128xf32, #tpu.memory_space<vmem>> -> memref<128x128xf32, #tpu.memory_space<vmem>>
        %dma_wait3A_846 = arith.constant 0 : i32
        %dma_wait3A_847 = tpu.memref_slice %arg8[%run_scoped3A_707, %run_scoped3A_708, %dma_wait3A_846] : memref<2x8x128xi32, #tpu.memory_space<vmem>> -> memref<1x1x128xi32, #tpu.memory_space<vmem>>
        %dma_wait3A_848 = tpu.memref_squeeze %dma_wait3A_847 : memref<1x1x128xi32, #tpu.memory_space<vmem>> -> memref<128xi32, #tpu.memory_space<vmem>>
        %dma_wait3A_849 = arith.constant 0 : i32
        %dma_wait3A_850 = arith.constant 0 : i32
        %dma_wait3A_851 = tpu.memref_slice %arg10[%dma_wait3A_849, %dma_wait3A_850] : memref<10240x128xf32, #tpu.memory_space<vmem_shared>> -> memref<10240x128xf32, #tpu.memory_space<vmem_shared>>
        tpu.wait_indirect_dma semaphore(%run_scoped3A_831 : memref<!tpu.dma_semaphore, #tpu.memory_space<semaphore_mem>>) src(%dma_wait3A_845 : memref<128x128xf32, #tpu.memory_space<vmem>>) dst(%dma_wait3A_851 : memref<10240x128xf32, #tpu.memory_space<vmem_shared>>)
        tpu.yield
      }) : () -> ()
      %dma_start3A_709 = arith.constant 1 : i32
      %dma_start3A_710 = arith.constant 6 : i32
      %dma_start3A_711 = arith.constant 0 : i32
      %dma_start3A_712 = arith.constant 0 : i32
      %dma_start3A_713 = arith.constant 0 : i32
      %dma_start3A_714 = arith.constant 0 : i32
      %dma_start3A_715 = tpu.memref_slice %arg9[%dma_start3A_711, %dma_start3A_713, %dma_start3A_714] : memref<2x128x128xf32, #tpu.memory_space<vmem>> -> memref<1x128x128xf32, #tpu.memory_space<vmem>>
      %dma_start3A_716 = tpu.memref_squeeze %dma_start3A_715 : memref<1x128x128xf32, #tpu.memory_space<vmem>> -> memref<128x128xf32, #tpu.memory_space<vmem>>
      %dma_start3A_717 = arith.constant 0 : i32
      %dma_start3A_718 = tpu.memref_slice %arg7[%dma_start3A_709, %dma_start3A_710, %dma_start3A_717] : memref<2x8x128xi32, #tpu.memory_space<vmem>> -> memref<1x1x128xi32, #tpu.memory_space<vmem>>
      %dma_start3A_719 = tpu.memref_squeeze %dma_start3A_718 : memref<1x1x128xi32, #tpu.memory_space<vmem>> -> memref<128xi32, #tpu.memory_space<vmem>>
      %dma_start3A_720 = arith.constant 0 : i32
      %dma_start3A_721 = arith.constant 0 : i32
      %dma_start3A_722 = tpu.memref_slice %arg2[%dma_start3A_720, %dma_start3A_721] : memref<10000x128xf32, #tpu.memory_space<hbm>> -> memref<10000x128xf32, #tpu.memory_space<hbm>>
      %dma_start3A_723 = tpu.memref_slice %arg12[%dma_start3A_712] : memref<2x!tpu.dma_semaphore, #tpu.memory_space<semaphore_mem>> -> memref<1x!tpu.dma_semaphore, #tpu.memory_space<semaphore_mem>>
      %dma_start3A_724 = tpu.memref_squeeze %dma_start3A_723 : memref<1x!tpu.dma_semaphore, #tpu.memory_space<semaphore_mem>> -> memref<!tpu.dma_semaphore, #tpu.memory_space<semaphore_mem>>
      tpu.enqueue_indirect_dma source(%dma_start3A_722 : memref<10000x128xf32, #tpu.memory_space<hbm>>) target(%dma_start3A_716 : memref<128x128xf32, #tpu.memory_space<vmem>>) offsets(%dma_start3A_719 : memref<128xi32, #tpu.memory_space<vmem>>) semaphore(%dma_start3A_724 : memref<!tpu.dma_semaphore, #tpu.memory_space<semaphore_mem>>)
      %mul3A_725 = arith.constant 8 : i32
      %mul3A_726 = arith.muli %add3A_519, %mul3A_725 : i32
      %add3A_727 = arith.constant 5 : i32
      %add3A_728 = arith.addi %mul3A_726, %add3A_727 : i32
      %dma_wait3A_729 = arith.constant 0 : i32
      %dma_wait3A_730 = arith.constant 0 : i32
      %dma_wait3A_731 = arith.constant 1 : i32
      %dma_wait3A_732 = arith.constant 1 : i32
      %dma_wait3A_733 = arith.constant 0 : i32
      %dma_wait3A_734 = arith.constant 0 : i32
      %dma_wait3A_735 = tpu.memref_slice %arg9[%dma_wait3A_731, %dma_wait3A_733, %dma_wait3A_734] : memref<2x128x128xf32, #tpu.memory_space<vmem>> -> memref<1x128x128xf32, #tpu.memory_space<vmem>>
      %dma_wait3A_736 = tpu.memref_squeeze %dma_wait3A_735 : memref<1x128x128xf32, #tpu.memory_space<vmem>> -> memref<128x128xf32, #tpu.memory_space<vmem>>
      %dma_wait3A_737 = arith.constant 0 : i32
      %dma_wait3A_738 = tpu.memref_slice %arg7[%dma_wait3A_729, %dma_wait3A_730, %dma_wait3A_737] : memref<2x8x128xi32, #tpu.memory_space<vmem>> -> memref<1x1x128xi32, #tpu.memory_space<vmem>>
      %dma_wait3A_739 = tpu.memref_squeeze %dma_wait3A_738 : memref<1x1x128xi32, #tpu.memory_space<vmem>> -> memref<128xi32, #tpu.memory_space<vmem>>
      %dma_wait3A_740 = arith.constant 0 : i32
      %dma_wait3A_741 = arith.constant 0 : i32
      %dma_wait3A_742 = tpu.memref_slice %arg2[%dma_wait3A_740, %dma_wait3A_741] : memref<10000x128xf32, #tpu.memory_space<hbm>> -> memref<10000x128xf32, #tpu.memory_space<hbm>>
      %dma_wait3A_743 = tpu.memref_slice %arg12[%dma_wait3A_732] : memref<2x!tpu.dma_semaphore, #tpu.memory_space<semaphore_mem>> -> memref<1x!tpu.dma_semaphore, #tpu.memory_space<semaphore_mem>>
      %dma_wait3A_744 = tpu.memref_squeeze %dma_wait3A_743 : memref<1x!tpu.dma_semaphore, #tpu.memory_space<semaphore_mem>> -> memref<!tpu.dma_semaphore, #tpu.memory_space<semaphore_mem>>
      tpu.wait_indirect_dma semaphore(%dma_wait3A_744 : memref<!tpu.dma_semaphore, #tpu.memory_space<semaphore_mem>>) src(%dma_wait3A_742 : memref<10000x128xf32, #tpu.memory_space<hbm>>) dst(%dma_wait3A_736 : memref<128x128xf32, #tpu.memory_space<vmem>>)
      %run_scoped3A_745 = arith.constant 1 : i32
      %run_scoped3A_746 = arith.constant 1 : i32
      %run_scoped3A_747 = arith.constant 5 : i32
      "tpu.region"() ({
        %run_scoped3A_831 = tpu.sem_alloc : memref<!tpu.dma_semaphore, #tpu.memory_space<semaphore_mem>>
        %dma_start3A_832 = arith.constant 0 : i32
        %dma_start3A_833 = arith.constant 0 : i32
        %dma_start3A_834 = tpu.memref_slice %arg9[%run_scoped3A_745, %dma_start3A_832, %dma_start3A_833] : memref<2x128x128xf32, #tpu.memory_space<vmem>> -> memref<1x128x128xf32, #tpu.memory_space<vmem>>
        %dma_start3A_835 = tpu.memref_squeeze %dma_start3A_834 : memref<1x128x128xf32, #tpu.memory_space<vmem>> -> memref<128x128xf32, #tpu.memory_space<vmem>>
        %dma_start3A_836 = arith.constant 0 : i32
        %dma_start3A_837 = tpu.memref_slice %arg8[%run_scoped3A_746, %run_scoped3A_747, %dma_start3A_836] : memref<2x8x128xi32, #tpu.memory_space<vmem>> -> memref<1x1x128xi32, #tpu.memory_space<vmem>>
        %dma_start3A_838 = tpu.memref_squeeze %dma_start3A_837 : memref<1x1x128xi32, #tpu.memory_space<vmem>> -> memref<128xi32, #tpu.memory_space<vmem>>
        %dma_start3A_839 = arith.constant 0 : i32
        %dma_start3A_840 = arith.constant 0 : i32
        %dma_start3A_841 = tpu.memref_slice %arg10[%dma_start3A_839, %dma_start3A_840] : memref<10240x128xf32, #tpu.memory_space<vmem_shared>> -> memref<10240x128xf32, #tpu.memory_space<vmem_shared>>
        tpu.enqueue_indirect_dma source(%dma_start3A_835 : memref<128x128xf32, #tpu.memory_space<vmem>>) target(%dma_start3A_841 : memref<10240x128xf32, #tpu.memory_space<vmem_shared>>) offsets(%dma_start3A_838 : memref<128xi32, #tpu.memory_space<vmem>>) semaphore(%run_scoped3A_831 : memref<!tpu.dma_semaphore, #tpu.memory_space<semaphore_mem>>) {add = true}
        %dma_wait3A_842 = arith.constant 0 : i32
        %dma_wait3A_843 = arith.constant 0 : i32
        %dma_wait3A_844 = tpu.memref_slice %arg9[%run_scoped3A_745, %dma_wait3A_842, %dma_wait3A_843] : memref<2x128x128xf32, #tpu.memory_space<vmem>> -> memref<1x128x128xf32, #tpu.memory_space<vmem>>
        %dma_wait3A_845 = tpu.memref_squeeze %dma_wait3A_844 : memref<1x128x128xf32, #tpu.memory_space<vmem>> -> memref<128x128xf32, #tpu.memory_space<vmem>>
        %dma_wait3A_846 = arith.constant 0 : i32
        %dma_wait3A_847 = tpu.memref_slice %arg8[%run_scoped3A_746, %run_scoped3A_747, %dma_wait3A_846] : memref<2x8x128xi32, #tpu.memory_space<vmem>> -> memref<1x1x128xi32, #tpu.memory_space<vmem>>
        %dma_wait3A_848 = tpu.memref_squeeze %dma_wait3A_847 : memref<1x1x128xi32, #tpu.memory_space<vmem>> -> memref<128xi32, #tpu.memory_space<vmem>>
        %dma_wait3A_849 = arith.constant 0 : i32
        %dma_wait3A_850 = arith.constant 0 : i32
        %dma_wait3A_851 = tpu.memref_slice %arg10[%dma_wait3A_849, %dma_wait3A_850] : memref<10240x128xf32, #tpu.memory_space<vmem_shared>> -> memref<10240x128xf32, #tpu.memory_space<vmem_shared>>
        tpu.wait_indirect_dma semaphore(%run_scoped3A_831 : memref<!tpu.dma_semaphore, #tpu.memory_space<semaphore_mem>>) src(%dma_wait3A_845 : memref<128x128xf32, #tpu.memory_space<vmem>>) dst(%dma_wait3A_851 : memref<10240x128xf32, #tpu.memory_space<vmem_shared>>)
        tpu.yield
      }) : () -> ()
      %dma_start3A_748 = arith.constant 1 : i32
      %dma_start3A_749 = arith.constant 7 : i32
      %dma_start3A_750 = arith.constant 1 : i32
      %dma_start3A_751 = arith.constant 1 : i32
      %dma_start3A_752 = arith.constant 0 : i32
      %dma_start3A_753 = arith.constant 0 : i32
      %dma_start3A_754 = tpu.memref_slice %arg9[%dma_start3A_750, %dma_start3A_752, %dma_start3A_753] : memref<2x128x128xf32, #tpu.memory_space<vmem>> -> memref<1x128x128xf32, #tpu.memory_space<vmem>>
      %dma_start3A_755 = tpu.memref_squeeze %dma_start3A_754 : memref<1x128x128xf32, #tpu.memory_space<vmem>> -> memref<128x128xf32, #tpu.memory_space<vmem>>
      %dma_start3A_756 = arith.constant 0 : i32
      %dma_start3A_757 = tpu.memref_slice %arg7[%dma_start3A_748, %dma_start3A_749, %dma_start3A_756] : memref<2x8x128xi32, #tpu.memory_space<vmem>> -> memref<1x1x128xi32, #tpu.memory_space<vmem>>
      %dma_start3A_758 = tpu.memref_squeeze %dma_start3A_757 : memref<1x1x128xi32, #tpu.memory_space<vmem>> -> memref<128xi32, #tpu.memory_space<vmem>>
      %dma_start3A_759 = arith.constant 0 : i32
      %dma_start3A_760 = arith.constant 0 : i32
      %dma_start3A_761 = tpu.memref_slice %arg2[%dma_start3A_759, %dma_start3A_760] : memref<10000x128xf32, #tpu.memory_space<hbm>> -> memref<10000x128xf32, #tpu.memory_space<hbm>>
      %dma_start3A_762 = tpu.memref_slice %arg12[%dma_start3A_751] : memref<2x!tpu.dma_semaphore, #tpu.memory_space<semaphore_mem>> -> memref<1x!tpu.dma_semaphore, #tpu.memory_space<semaphore_mem>>
      %dma_start3A_763 = tpu.memref_squeeze %dma_start3A_762 : memref<1x!tpu.dma_semaphore, #tpu.memory_space<semaphore_mem>> -> memref<!tpu.dma_semaphore, #tpu.memory_space<semaphore_mem>>
      tpu.enqueue_indirect_dma source(%dma_start3A_761 : memref<10000x128xf32, #tpu.memory_space<hbm>>) target(%dma_start3A_755 : memref<128x128xf32, #tpu.memory_space<vmem>>) offsets(%dma_start3A_758 : memref<128xi32, #tpu.memory_space<vmem>>) semaphore(%dma_start3A_763 : memref<!tpu.dma_semaphore, #tpu.memory_space<semaphore_mem>>)
      %mul3A_764 = arith.constant 8 : i32
      %mul3A_765 = arith.muli %add3A_519, %mul3A_764 : i32
      %add3A_766 = arith.constant 6 : i32
      %add3A_767 = arith.addi %mul3A_765, %add3A_766 : i32
      %dma_wait3A_768 = arith.constant 0 : i32
      %dma_wait3A_769 = arith.constant 0 : i32
      %dma_wait3A_770 = arith.constant 0 : i32
      %dma_wait3A_771 = arith.constant 0 : i32
      %dma_wait3A_772 = arith.constant 0 : i32
      %dma_wait3A_773 = arith.constant 0 : i32
      %dma_wait3A_774 = tpu.memref_slice %arg9[%dma_wait3A_770, %dma_wait3A_772, %dma_wait3A_773] : memref<2x128x128xf32, #tpu.memory_space<vmem>> -> memref<1x128x128xf32, #tpu.memory_space<vmem>>
      %dma_wait3A_775 = tpu.memref_squeeze %dma_wait3A_774 : memref<1x128x128xf32, #tpu.memory_space<vmem>> -> memref<128x128xf32, #tpu.memory_space<vmem>>
      %dma_wait3A_776 = arith.constant 0 : i32
      %dma_wait3A_777 = tpu.memref_slice %arg7[%dma_wait3A_768, %dma_wait3A_769, %dma_wait3A_776] : memref<2x8x128xi32, #tpu.memory_space<vmem>> -> memref<1x1x128xi32, #tpu.memory_space<vmem>>
      %dma_wait3A_778 = tpu.memref_squeeze %dma_wait3A_777 : memref<1x1x128xi32, #tpu.memory_space<vmem>> -> memref<128xi32, #tpu.memory_space<vmem>>
      %dma_wait3A_779 = arith.constant 0 : i32
      %dma_wait3A_780 = arith.constant 0 : i32
      %dma_wait3A_781 = tpu.memref_slice %arg2[%dma_wait3A_779, %dma_wait3A_780] : memref<10000x128xf32, #tpu.memory_space<hbm>> -> memref<10000x128xf32, #tpu.memory_space<hbm>>
      %dma_wait3A_782 = tpu.memref_slice %arg12[%dma_wait3A_771] : memref<2x!tpu.dma_semaphore, #tpu.memory_space<semaphore_mem>> -> memref<1x!tpu.dma_semaphore, #tpu.memory_space<semaphore_mem>>
      %dma_wait3A_783 = tpu.memref_squeeze %dma_wait3A_782 : memref<1x!tpu.dma_semaphore, #tpu.memory_space<semaphore_mem>> -> memref<!tpu.dma_semaphore, #tpu.memory_space<semaphore_mem>>
      tpu.wait_indirect_dma semaphore(%dma_wait3A_783 : memref<!tpu.dma_semaphore, #tpu.memory_space<semaphore_mem>>) src(%dma_wait3A_781 : memref<10000x128xf32, #tpu.memory_space<hbm>>) dst(%dma_wait3A_775 : memref<128x128xf32, #tpu.memory_space<vmem>>)
      %run_scoped3A_784 = arith.constant 0 : i32
      %run_scoped3A_785 = arith.constant 1 : i32
      %run_scoped3A_786 = arith.constant 6 : i32
      "tpu.region"() ({
        %run_scoped3A_831 = tpu.sem_alloc : memref<!tpu.dma_semaphore, #tpu.memory_space<semaphore_mem>>
        %dma_start3A_832 = arith.constant 0 : i32
        %dma_start3A_833 = arith.constant 0 : i32
        %dma_start3A_834 = tpu.memref_slice %arg9[%run_scoped3A_784, %dma_start3A_832, %dma_start3A_833] : memref<2x128x128xf32, #tpu.memory_space<vmem>> -> memref<1x128x128xf32, #tpu.memory_space<vmem>>
        %dma_start3A_835 = tpu.memref_squeeze %dma_start3A_834 : memref<1x128x128xf32, #tpu.memory_space<vmem>> -> memref<128x128xf32, #tpu.memory_space<vmem>>
        %dma_start3A_836 = arith.constant 0 : i32
        %dma_start3A_837 = tpu.memref_slice %arg8[%run_scoped3A_785, %run_scoped3A_786, %dma_start3A_836] : memref<2x8x128xi32, #tpu.memory_space<vmem>> -> memref<1x1x128xi32, #tpu.memory_space<vmem>>
        %dma_start3A_838 = tpu.memref_squeeze %dma_start3A_837 : memref<1x1x128xi32, #tpu.memory_space<vmem>> -> memref<128xi32, #tpu.memory_space<vmem>>
        %dma_start3A_839 = arith.constant 0 : i32
        %dma_start3A_840 = arith.constant 0 : i32
        %dma_start3A_841 = tpu.memref_slice %arg10[%dma_start3A_839, %dma_start3A_840] : memref<10240x128xf32, #tpu.memory_space<vmem_shared>> -> memref<10240x128xf32, #tpu.memory_space<vmem_shared>>
        tpu.enqueue_indirect_dma source(%dma_start3A_835 : memref<128x128xf32, #tpu.memory_space<vmem>>) target(%dma_start3A_841 : memref<10240x128xf32, #tpu.memory_space<vmem_shared>>) offsets(%dma_start3A_838 : memref<128xi32, #tpu.memory_space<vmem>>) semaphore(%run_scoped3A_831 : memref<!tpu.dma_semaphore, #tpu.memory_space<semaphore_mem>>) {add = true}
        %dma_wait3A_842 = arith.constant 0 : i32
        %dma_wait3A_843 = arith.constant 0 : i32
        %dma_wait3A_844 = tpu.memref_slice %arg9[%run_scoped3A_784, %dma_wait3A_842, %dma_wait3A_843] : memref<2x128x128xf32, #tpu.memory_space<vmem>> -> memref<1x128x128xf32, #tpu.memory_space<vmem>>
        %dma_wait3A_845 = tpu.memref_squeeze %dma_wait3A_844 : memref<1x128x128xf32, #tpu.memory_space<vmem>> -> memref<128x128xf32, #tpu.memory_space<vmem>>
        %dma_wait3A_846 = arith.constant 0 : i32
        %dma_wait3A_847 = tpu.memref_slice %arg8[%run_scoped3A_785, %run_scoped3A_786, %dma_wait3A_846] : memref<2x8x128xi32, #tpu.memory_space<vmem>> -> memref<1x1x128xi32, #tpu.memory_space<vmem>>
        %dma_wait3A_848 = tpu.memref_squeeze %dma_wait3A_847 : memref<1x1x128xi32, #tpu.memory_space<vmem>> -> memref<128xi32, #tpu.memory_space<vmem>>
        %dma_wait3A_849 = arith.constant 0 : i32
        %dma_wait3A_850 = arith.constant 0 : i32
        %dma_wait3A_851 = tpu.memref_slice %arg10[%dma_wait3A_849, %dma_wait3A_850] : memref<10240x128xf32, #tpu.memory_space<vmem_shared>> -> memref<10240x128xf32, #tpu.memory_space<vmem_shared>>
        tpu.wait_indirect_dma semaphore(%run_scoped3A_831 : memref<!tpu.dma_semaphore, #tpu.memory_space<semaphore_mem>>) src(%dma_wait3A_845 : memref<128x128xf32, #tpu.memory_space<vmem>>) dst(%dma_wait3A_851 : memref<10240x128xf32, #tpu.memory_space<vmem_shared>>)
        tpu.yield
      }) : () -> ()
      %add3A_787 = arith.constant 1 : i32
      %add3A_788 = arith.addi %add3A_519, %add3A_787 : i32
      %le3A_789 = arith.constant 9 : i32
      %le3A_790 = arith.cmpi sle, %add3A_788, %le3A_789 : i32
      %convert_element_type3A_791 = arith.extui %le3A_790 : i1 to i32
      %cond3A_792 = arith.constant 0 : i32
      %cond3A_793 = arith.cmpi ne, %convert_element_type3A_791, %cond3A_792 : i32
      scf.if %cond3A_793 {
        %dma_wait3A_831 = arith.constant 0 : i32
        %dma_wait3A_832 = arith.constant 0 : i32
        %dma_wait3A_833 = arith.constant 0 : i32
        %dma_wait3A_834 = arith.constant 0 : i32
        %dma_wait3A_835 = tpu.memref_slice %arg7[%dma_wait3A_831, %dma_wait3A_833, %dma_wait3A_834] : memref<2x8x128xi32, #tpu.memory_space<vmem>> -> memref<1x8x128xi32, #tpu.memory_space<vmem>>
        %dma_wait3A_836 = tpu.memref_squeeze %dma_wait3A_835 : memref<1x8x128xi32, #tpu.memory_space<vmem>> -> memref<8x128xi32, #tpu.memory_space<vmem>>
        %dma_wait3A_837 = arith.constant 0 : i32
        %dma_wait3A_838 = arith.constant 0 : i32
        %dma_wait3A_839 = tpu.memref_slice %arg3[%add3A, %dma_wait3A_837, %dma_wait3A_838] : memref<32x80x128xi32, #tpu.memory_space<hbm>> -> memref<1x80x128xi32, #tpu.memory_space<hbm>>
        %dma_wait3A_840 = tpu.memref_squeeze %dma_wait3A_839 : memref<1x80x128xi32, #tpu.memory_space<hbm>> -> memref<80x128xi32, #tpu.memory_space<hbm>>
        %dma_wait3A_841 = arith.constant 0 : i32
        %dma_wait3A_842 = arith.constant 0 : i32
        %dma_wait3A_843 = tpu.memref_slice %dma_wait3A_840[%dma_wait3A_841, %dma_wait3A_842] : memref<80x128xi32, #tpu.memory_space<hbm>> -> memref<8x128xi32, #tpu.memory_space<hbm>>
        %dma_wait3A_844 = tpu.memref_slice %arg11[%dma_wait3A_832] : memref<2x!tpu.dma_semaphore, #tpu.memory_space<semaphore_mem>> -> memref<1x!tpu.dma_semaphore, #tpu.memory_space<semaphore_mem>>
        %dma_wait3A_845 = tpu.memref_squeeze %dma_wait3A_844 : memref<1x!tpu.dma_semaphore, #tpu.memory_space<semaphore_mem>> -> memref<!tpu.dma_semaphore, #tpu.memory_space<semaphore_mem>>
        %dma_wait3A_846 = arith.constant 0 : i32
        %dma_wait3A_847 = arith.constant 0 : i32
        %dma_wait3A_848 = tpu.memref_slice %arg7[%dma_wait3A_831, %dma_wait3A_846, %dma_wait3A_847] : memref<2x8x128xi32, #tpu.memory_space<vmem>> -> memref<1x8x128xi32, #tpu.memory_space<vmem>>
        %dma_wait3A_849 = tpu.memref_squeeze %dma_wait3A_848 : memref<1x8x128xi32, #tpu.memory_space<vmem>> -> memref<8x128xi32, #tpu.memory_space<vmem>>
        %dma_wait3A_850 = arith.constant 0 : i32
        %dma_wait3A_851 = arith.constant 0 : i32
        %dma_wait3A_852 = tpu.memref_slice %arg3[%add3A, %dma_wait3A_850, %dma_wait3A_851] : memref<32x80x128xi32, #tpu.memory_space<hbm>> -> memref<1x80x128xi32, #tpu.memory_space<hbm>>
        %dma_wait3A_853 = tpu.memref_squeeze %dma_wait3A_852 : memref<1x80x128xi32, #tpu.memory_space<hbm>> -> memref<80x128xi32, #tpu.memory_space<hbm>>
        %dma_wait3A_854 = arith.constant 0 : i32
        %dma_wait3A_855 = arith.constant 0 : i32
        %dma_wait3A_856 = tpu.memref_slice %dma_wait3A_853[%dma_wait3A_854, %dma_wait3A_855] : memref<80x128xi32, #tpu.memory_space<hbm>> -> memref<8x128xi32, #tpu.memory_space<hbm>>
        tpu.wait_dma2 semaphore(%dma_wait3A_845 : memref<!tpu.dma_semaphore, #tpu.memory_space<semaphore_mem>>) src(%dma_wait3A_856 : memref<8x128xi32, #tpu.memory_space<hbm>>) dst(%dma_wait3A_849 : memref<8x128xi32, #tpu.memory_space<vmem>>)
        %dma_wait3A_857 = arith.constant 0 : i32
        %dma_wait3A_858 = arith.constant 0 : i32
        %dma_wait3A_859 = arith.constant 0 : i32
        %dma_wait3A_860 = arith.constant 0 : i32
        %dma_wait3A_861 = tpu.memref_slice %arg8[%dma_wait3A_857, %dma_wait3A_859, %dma_wait3A_860] : memref<2x8x128xi32, #tpu.memory_space<vmem>> -> memref<1x8x128xi32, #tpu.memory_space<vmem>>
        %dma_wait3A_862 = tpu.memref_squeeze %dma_wait3A_861 : memref<1x8x128xi32, #tpu.memory_space<vmem>> -> memref<8x128xi32, #tpu.memory_space<vmem>>
        %dma_wait3A_863 = arith.constant 0 : i32
        %dma_wait3A_864 = arith.constant 0 : i32
        %dma_wait3A_865 = tpu.memref_slice %arg4[%add3A, %dma_wait3A_863, %dma_wait3A_864] : memref<32x80x128xi32, #tpu.memory_space<hbm>> -> memref<1x80x128xi32, #tpu.memory_space<hbm>>
        %dma_wait3A_866 = tpu.memref_squeeze %dma_wait3A_865 : memref<1x80x128xi32, #tpu.memory_space<hbm>> -> memref<80x128xi32, #tpu.memory_space<hbm>>
        %dma_wait3A_867 = arith.constant 0 : i32
        %dma_wait3A_868 = arith.constant 0 : i32
        %dma_wait3A_869 = tpu.memref_slice %dma_wait3A_866[%dma_wait3A_867, %dma_wait3A_868] : memref<80x128xi32, #tpu.memory_space<hbm>> -> memref<8x128xi32, #tpu.memory_space<hbm>>
        %dma_wait3A_870 = tpu.memref_slice %arg11[%dma_wait3A_858] : memref<2x!tpu.dma_semaphore, #tpu.memory_space<semaphore_mem>> -> memref<1x!tpu.dma_semaphore, #tpu.memory_space<semaphore_mem>>
        %dma_wait3A_871 = tpu.memref_squeeze %dma_wait3A_870 : memref<1x!tpu.dma_semaphore, #tpu.memory_space<semaphore_mem>> -> memref<!tpu.dma_semaphore, #tpu.memory_space<semaphore_mem>>
        %dma_wait3A_872 = arith.constant 0 : i32
        %dma_wait3A_873 = arith.constant 0 : i32
        %dma_wait3A_874 = tpu.memref_slice %arg8[%dma_wait3A_857, %dma_wait3A_872, %dma_wait3A_873] : memref<2x8x128xi32, #tpu.memory_space<vmem>> -> memref<1x8x128xi32, #tpu.memory_space<vmem>>
        %dma_wait3A_875 = tpu.memref_squeeze %dma_wait3A_874 : memref<1x8x128xi32, #tpu.memory_space<vmem>> -> memref<8x128xi32, #tpu.memory_space<vmem>>
        %dma_wait3A_876 = arith.constant 0 : i32
        %dma_wait3A_877 = arith.constant 0 : i32
        %dma_wait3A_878 = tpu.memref_slice %arg4[%add3A, %dma_wait3A_876, %dma_wait3A_877] : memref<32x80x128xi32, #tpu.memory_space<hbm>> -> memref<1x80x128xi32, #tpu.memory_space<hbm>>
        %dma_wait3A_879 = tpu.memref_squeeze %dma_wait3A_878 : memref<1x80x128xi32, #tpu.memory_space<hbm>> -> memref<80x128xi32, #tpu.memory_space<hbm>>
        %dma_wait3A_880 = arith.constant 0 : i32
        %dma_wait3A_881 = arith.constant 0 : i32
        %dma_wait3A_882 = tpu.memref_slice %dma_wait3A_879[%dma_wait3A_880, %dma_wait3A_881] : memref<80x128xi32, #tpu.memory_space<hbm>> -> memref<8x128xi32, #tpu.memory_space<hbm>>
        tpu.wait_dma2 semaphore(%dma_wait3A_871 : memref<!tpu.dma_semaphore, #tpu.memory_space<semaphore_mem>>) src(%dma_wait3A_882 : memref<8x128xi32, #tpu.memory_space<hbm>>) dst(%dma_wait3A_875 : memref<8x128xi32, #tpu.memory_space<vmem>>)
      } else {
      }
      %add3A_794 = arith.constant 2 : i32
      %add3A_795 = arith.addi %add3A_767, %add3A_794 : i32
      %lt3A_796 = arith.constant 80 : i32
      %lt3A_797 = arith.cmpi slt, %add3A_795, %lt3A_796 : i32
      %convert_element_type3A_798 = arith.extui %lt3A_797 : i1 to i32
      %cond3A_799 = arith.constant 0 : i32
      %cond3A_800 = arith.cmpi ne, %convert_element_type3A_798, %cond3A_799 : i32
      scf.if %cond3A_800 {
        %dma_start3A_831 = arith.constant 0 : i32
        %dma_start3A_832 = arith.constant 0 : i32
        %dma_start3A_833 = arith.constant 0 : i32
        %dma_start3A_834 = arith.constant 0 : i32
        %dma_start3A_835 = arith.constant 0 : i32
        %dma_start3A_836 = arith.constant 0 : i32
        %dma_start3A_837 = tpu.memref_slice %arg9[%dma_start3A_833, %dma_start3A_835, %dma_start3A_836] : memref<2x128x128xf32, #tpu.memory_space<vmem>> -> memref<1x128x128xf32, #tpu.memory_space<vmem>>
        %dma_start3A_838 = tpu.memref_squeeze %dma_start3A_837 : memref<1x128x128xf32, #tpu.memory_space<vmem>> -> memref<128x128xf32, #tpu.memory_space<vmem>>
        %dma_start3A_839 = arith.constant 0 : i32
        %dma_start3A_840 = tpu.memref_slice %arg7[%dma_start3A_831, %dma_start3A_832, %dma_start3A_839] : memref<2x8x128xi32, #tpu.memory_space<vmem>> -> memref<1x1x128xi32, #tpu.memory_space<vmem>>
        %dma_start3A_841 = tpu.memref_squeeze %dma_start3A_840 : memref<1x1x128xi32, #tpu.memory_space<vmem>> -> memref<128xi32, #tpu.memory_space<vmem>>
        %dma_start3A_842 = arith.constant 0 : i32
        %dma_start3A_843 = arith.constant 0 : i32
        %dma_start3A_844 = tpu.memref_slice %arg2[%dma_start3A_842, %dma_start3A_843] : memref<10000x128xf32, #tpu.memory_space<hbm>> -> memref<10000x128xf32, #tpu.memory_space<hbm>>
        %dma_start3A_845 = tpu.memref_slice %arg12[%dma_start3A_834] : memref<2x!tpu.dma_semaphore, #tpu.memory_space<semaphore_mem>> -> memref<1x!tpu.dma_semaphore, #tpu.memory_space<semaphore_mem>>
        %dma_start3A_846 = tpu.memref_squeeze %dma_start3A_845 : memref<1x!tpu.dma_semaphore, #tpu.memory_space<semaphore_mem>> -> memref<!tpu.dma_semaphore, #tpu.memory_space<semaphore_mem>>
        tpu.enqueue_indirect_dma source(%dma_start3A_844 : memref<10000x128xf32, #tpu.memory_space<hbm>>) target(%dma_start3A_838 : memref<128x128xf32, #tpu.memory_space<vmem>>) offsets(%dma_start3A_841 : memref<128xi32, #tpu.memory_space<vmem>>) semaphore(%dma_start3A_846 : memref<!tpu.dma_semaphore, #tpu.memory_space<semaphore_mem>>)
      } else {
      }
      %mul3A_801 = arith.constant 8 : i32
      %mul3A_802 = arith.muli %add3A_519, %mul3A_801 : i32
      %add3A_803 = arith.constant 7 : i32
      %add3A_804 = arith.addi %mul3A_802, %add3A_803 : i32
      %dma_wait3A_805 = arith.constant 0 : i32
      %dma_wait3A_806 = arith.constant 0 : i32
      %dma_wait3A_807 = arith.constant 1 : i32
      %dma_wait3A_808 = arith.constant 1 : i32
      %dma_wait3A_809 = arith.constant 0 : i32
      %dma_wait3A_810 = arith.constant 0 : i32
      %dma_wait3A_811 = tpu.memref_slice %arg9[%dma_wait3A_807, %dma_wait3A_809, %dma_wait3A_810] : memref<2x128x128xf32, #tpu.memory_space<vmem>> -> memref<1x128x128xf32, #tpu.memory_space<vmem>>
      %dma_wait3A_812 = tpu.memref_squeeze %dma_wait3A_811 : memref<1x128x128xf32, #tpu.memory_space<vmem>> -> memref<128x128xf32, #tpu.memory_space<vmem>>
      %dma_wait3A_813 = arith.constant 0 : i32
      %dma_wait3A_814 = tpu.memref_slice %arg7[%dma_wait3A_805, %dma_wait3A_806, %dma_wait3A_813] : memref<2x8x128xi32, #tpu.memory_space<vmem>> -> memref<1x1x128xi32, #tpu.memory_space<vmem>>
      %dma_wait3A_815 = tpu.memref_squeeze %dma_wait3A_814 : memref<1x1x128xi32, #tpu.memory_space<vmem>> -> memref<128xi32, #tpu.memory_space<vmem>>
      %dma_wait3A_816 = arith.constant 0 : i32
      %dma_wait3A_817 = arith.constant 0 : i32
      %dma_wait3A_818 = tpu.memref_slice %arg2[%dma_wait3A_816, %dma_wait3A_817] : memref<10000x128xf32, #tpu.memory_space<hbm>> -> memref<10000x128xf32, #tpu.memory_space<hbm>>
      %dma_wait3A_819 = tpu.memref_slice %arg12[%dma_wait3A_808] : memref<2x!tpu.dma_semaphore, #tpu.memory_space<semaphore_mem>> -> memref<1x!tpu.dma_semaphore, #tpu.memory_space<semaphore_mem>>
      %dma_wait3A_820 = tpu.memref_squeeze %dma_wait3A_819 : memref<1x!tpu.dma_semaphore, #tpu.memory_space<semaphore_mem>> -> memref<!tpu.dma_semaphore, #tpu.memory_space<semaphore_mem>>
      tpu.wait_indirect_dma semaphore(%dma_wait3A_820 : memref<!tpu.dma_semaphore, #tpu.memory_space<semaphore_mem>>) src(%dma_wait3A_818 : memref<10000x128xf32, #tpu.memory_space<hbm>>) dst(%dma_wait3A_812 : memref<128x128xf32, #tpu.memory_space<vmem>>)
      %run_scoped3A_821 = arith.constant 1 : i32
      %run_scoped3A_822 = arith.constant 1 : i32
      %run_scoped3A_823 = arith.constant 7 : i32
      "tpu.region"() ({
        %run_scoped3A_831 = tpu.sem_alloc : memref<!tpu.dma_semaphore, #tpu.memory_space<semaphore_mem>>
        %dma_start3A_832 = arith.constant 0 : i32
        %dma_start3A_833 = arith.constant 0 : i32
        %dma_start3A_834 = tpu.memref_slice %arg9[%run_scoped3A_821, %dma_start3A_832, %dma_start3A_833] : memref<2x128x128xf32, #tpu.memory_space<vmem>> -> memref<1x128x128xf32, #tpu.memory_space<vmem>>
        %dma_start3A_835 = tpu.memref_squeeze %dma_start3A_834 : memref<1x128x128xf32, #tpu.memory_space<vmem>> -> memref<128x128xf32, #tpu.memory_space<vmem>>
        %dma_start3A_836 = arith.constant 0 : i32
        %dma_start3A_837 = tpu.memref_slice %arg8[%run_scoped3A_822, %run_scoped3A_823, %dma_start3A_836] : memref<2x8x128xi32, #tpu.memory_space<vmem>> -> memref<1x1x128xi32, #tpu.memory_space<vmem>>
        %dma_start3A_838 = tpu.memref_squeeze %dma_start3A_837 : memref<1x1x128xi32, #tpu.memory_space<vmem>> -> memref<128xi32, #tpu.memory_space<vmem>>
        %dma_start3A_839 = arith.constant 0 : i32
        %dma_start3A_840 = arith.constant 0 : i32
        %dma_start3A_841 = tpu.memref_slice %arg10[%dma_start3A_839, %dma_start3A_840] : memref<10240x128xf32, #tpu.memory_space<vmem_shared>> -> memref<10240x128xf32, #tpu.memory_space<vmem_shared>>
        tpu.enqueue_indirect_dma source(%dma_start3A_835 : memref<128x128xf32, #tpu.memory_space<vmem>>) target(%dma_start3A_841 : memref<10240x128xf32, #tpu.memory_space<vmem_shared>>) offsets(%dma_start3A_838 : memref<128xi32, #tpu.memory_space<vmem>>) semaphore(%run_scoped3A_831 : memref<!tpu.dma_semaphore, #tpu.memory_space<semaphore_mem>>) {add = true}
        %dma_wait3A_842 = arith.constant 0 : i32
        %dma_wait3A_843 = arith.constant 0 : i32
        %dma_wait3A_844 = tpu.memref_slice %arg9[%run_scoped3A_821, %dma_wait3A_842, %dma_wait3A_843] : memref<2x128x128xf32, #tpu.memory_space<vmem>> -> memref<1x128x128xf32, #tpu.memory_space<vmem>>
        %dma_wait3A_845 = tpu.memref_squeeze %dma_wait3A_844 : memref<1x128x128xf32, #tpu.memory_space<vmem>> -> memref<128x128xf32, #tpu.memory_space<vmem>>
        %dma_wait3A_846 = arith.constant 0 : i32
        %dma_wait3A_847 = tpu.memref_slice %arg8[%run_scoped3A_822, %run_scoped3A_823, %dma_wait3A_846] : memref<2x8x128xi32, #tpu.memory_space<vmem>> -> memref<1x1x128xi32, #tpu.memory_space<vmem>>
        %dma_wait3A_848 = tpu.memref_squeeze %dma_wait3A_847 : memref<1x1x128xi32, #tpu.memory_space<vmem>> -> memref<128xi32, #tpu.memory_space<vmem>>
        %dma_wait3A_849 = arith.constant 0 : i32
        %dma_wait3A_850 = arith.constant 0 : i32
        %dma_wait3A_851 = tpu.memref_slice %arg10[%dma_wait3A_849, %dma_wait3A_850] : memref<10240x128xf32, #tpu.memory_space<vmem_shared>> -> memref<10240x128xf32, #tpu.memory_space<vmem_shared>>
        tpu.wait_indirect_dma semaphore(%run_scoped3A_831 : memref<!tpu.dma_semaphore, #tpu.memory_space<semaphore_mem>>) src(%dma_wait3A_845 : memref<128x128xf32, #tpu.memory_space<vmem>>) dst(%dma_wait3A_851 : memref<10240x128xf32, #tpu.memory_space<vmem_shared>>)
        tpu.yield
      }) : () -> ()
      %add3A_824 = arith.constant 2 : i32
      %add3A_825 = arith.addi %add3A_804, %add3A_824 : i32
      %lt3A_826 = arith.constant 80 : i32
      %lt3A_827 = arith.cmpi slt, %add3A_825, %lt3A_826 : i32
      %convert_element_type3A_828 = arith.extui %lt3A_827 : i1 to i32
      %cond3A_829 = arith.constant 0 : i32
      %cond3A_830 = arith.cmpi ne, %convert_element_type3A_828, %cond3A_829 : i32
      scf.if %cond3A_830 {
        %dma_start3A_831 = arith.constant 0 : i32
        %dma_start3A_832 = arith.constant 1 : i32
        %dma_start3A_833 = arith.constant 1 : i32
        %dma_start3A_834 = arith.constant 1 : i32
        %dma_start3A_835 = arith.constant 0 : i32
        %dma_start3A_836 = arith.constant 0 : i32
        %dma_start3A_837 = tpu.memref_slice %arg9[%dma_start3A_833, %dma_start3A_835, %dma_start3A_836] : memref<2x128x128xf32, #tpu.memory_space<vmem>> -> memref<1x128x128xf32, #tpu.memory_space<vmem>>
        %dma_start3A_838 = tpu.memref_squeeze %dma_start3A_837 : memref<1x128x128xf32, #tpu.memory_space<vmem>> -> memref<128x128xf32, #tpu.memory_space<vmem>>
        %dma_start3A_839 = arith.constant 0 : i32
        %dma_start3A_840 = tpu.memref_slice %arg7[%dma_start3A_831, %dma_start3A_832, %dma_start3A_839] : memref<2x8x128xi32, #tpu.memory_space<vmem>> -> memref<1x1x128xi32, #tpu.memory_space<vmem>>
        %dma_start3A_841 = tpu.memref_squeeze %dma_start3A_840 : memref<1x1x128xi32, #tpu.memory_space<vmem>> -> memref<128xi32, #tpu.memory_space<vmem>>
        %dma_start3A_842 = arith.constant 0 : i32
        %dma_start3A_843 = arith.constant 0 : i32
        %dma_start3A_844 = tpu.memref_slice %arg2[%dma_start3A_842, %dma_start3A_843] : memref<10000x128xf32, #tpu.memory_space<hbm>> -> memref<10000x128xf32, #tpu.memory_space<hbm>>
        %dma_start3A_845 = tpu.memref_slice %arg12[%dma_start3A_834] : memref<2x!tpu.dma_semaphore, #tpu.memory_space<semaphore_mem>> -> memref<1x!tpu.dma_semaphore, #tpu.memory_space<semaphore_mem>>
        %dma_start3A_846 = tpu.memref_squeeze %dma_start3A_845 : memref<1x!tpu.dma_semaphore, #tpu.memory_space<semaphore_mem>> -> memref<!tpu.dma_semaphore, #tpu.memory_space<semaphore_mem>>
        tpu.enqueue_indirect_dma source(%dma_start3A_844 : memref<10000x128xf32, #tpu.memory_space<hbm>>) target(%dma_start3A_838 : memref<128x128xf32, #tpu.memory_space<vmem>>) offsets(%dma_start3A_841 : memref<128xi32, #tpu.memory_space<vmem>>) semaphore(%dma_start3A_846 : memref<!tpu.dma_semaphore, #tpu.memory_space<semaphore_mem>>)
      } else {
      }
    }
    %scan3A_194 = arith.constant 5 : i32
    %barrier3A_195 = arith.constant 0 : index
    tpu.barrier barrier_id(%barrier3A_195)
    %mul3A_196 = arith.constant 640 : i32
    %mul3A_197 = arith.muli %arg1, %mul3A_196 : i32
    %mul3A_198 = arith.constant 10240 : i32
    %mul3A_199 = arith.muli %arg0, %mul3A_198 : i32
    %mul3A_200 = arith.constant 640 : i32
    %mul3A_201 = arith.muli %arg1, %mul3A_200 : i32
    %add3A_202 = arith.addi %mul3A_199, %mul3A_201 : i32
    "tpu.region"() ({
      %run_scoped3A = tpu.sem_alloc : memref<!tpu.dma_semaphore, #tpu.memory_space<semaphore_mem>>
      %dma_start3A_203 = arith.constant 0 : i32
      %dma_start3A_204 = tpu.memref_slice %arg6[%add3A_202, %dma_start3A_203] : memref<20480x128xf32, #tpu.memory_space<hbm>> -> memref<640x128xf32, #tpu.memory_space<hbm>>
      %dma_start3A_205 = arith.constant 0 : i32
      %dma_start3A_206 = tpu.memref_slice %arg10[%mul3A_197, %dma_start3A_205] : memref<10240x128xf32, #tpu.memory_space<vmem_shared>> -> memref<640x128xf32, #tpu.memory_space<vmem_shared>>
      tpu.enqueue_dma source(%dma_start3A_206 : memref<640x128xf32, #tpu.memory_space<vmem_shared>>) target(%dma_start3A_204 : memref<640x128xf32, #tpu.memory_space<hbm>>) target_semaphore(%run_scoped3A : memref<!tpu.dma_semaphore, #tpu.memory_space<semaphore_mem>>)
      %dma_wait3A_207 = arith.constant 0 : i32
      %dma_wait3A_208 = tpu.memref_slice %arg6[%add3A_202, %dma_wait3A_207] : memref<20480x128xf32, #tpu.memory_space<hbm>> -> memref<640x128xf32, #tpu.memory_space<hbm>>
      %dma_wait3A_209 = arith.constant 0 : i32
      %dma_wait3A_210 = tpu.memref_slice %arg10[%mul3A_197, %dma_wait3A_209] : memref<10240x128xf32, #tpu.memory_space<vmem_shared>> -> memref<640x128xf32, #tpu.memory_space<vmem_shared>>
      tpu.wait_dma2 semaphore(%run_scoped3A : memref<!tpu.dma_semaphore, #tpu.memory_space<semaphore_mem>>) src(%dma_wait3A_210 : memref<640x128xf32, #tpu.memory_space<vmem_shared>>) dst(%dma_wait3A_208 : memref<640x128xf32, #tpu.memory_space<hbm>>)
      tpu.yield
    }) : () -> ()
    return
  }
}

module attributes {stable_mosaic.version = 14 : i64} {
  func.func @_tc_finish_body(%arg0: memref<20480x128xf32, #tpu.memory_space<vmem>>, %arg1: memref<10000x128xf32, #tpu.memory_space<vmem>>, %arg2: memref<128x128xf32, #tpu.memory_space<vmem>>, %arg3: memref<1x128xf32, #tpu.memory_space<vmem>>, %arg4: memref<1x128xf32, #tpu.memory_space<vmem>>, %arg5: memref<1x128xf32, #tpu.memory_space<vmem>>, %arg6: memref<10000x128xf32, #tpu.memory_space<vmem>>) attributes {dimension_semantics = [], scalar_prefetch = 0 : i64, scratch_operands = 0 : i64, tpu.core_type = #tpu.core_type<tc>} {
    %get3A = arith.constant 0 : index
    %get3A_0 = arith.constant 0 : index
    %get3A_1 = vector.load %arg0[%get3A, %get3A_0] : memref<20480x128xf32, #tpu.memory_space<vmem>>, vector<10000x128xf32>
    %get3A_2 = arith.constant 10240 : index
    %get3A_3 = arith.constant 0 : index
    %get3A_4 = vector.load %arg0[%get3A_2, %get3A_3] : memref<20480x128xf32, #tpu.memory_space<vmem>>, vector<10000x128xf32>
    %add3A = arith.addf %get3A_1, %get3A_4 : vector<10000x128xf32>
    %get3A_5 = arith.constant 0 : index
    %get3A_6 = arith.constant 0 : index
    %get3A_7 = vector.load %arg2[%get3A_5, %get3A_6] : memref<128x128xf32, #tpu.memory_space<vmem>>, vector<128x128xf32>
    %dot_general3A = arith.constant dense<0.000000e+00> : vector<10000x128xf32>
    %dot_general3A_8 = tpu.matmul %add3A, %get3A_7, %dot_general3A {dimension_numbers = #tpu.dot_dimension_numbers<[1], [0], [0], [1], [0, 0, 1, 1], [], []>, transpose_lhs_hint = false} : vector<10000x128xf32>, vector<128x128xf32>, vector<10000x128xf32> -> vector<10000x128xf32>
    %get3A_9 = arith.constant 0 : index
    %get3A_10 = arith.constant 0 : index
    %get3A_11 = vector.load %arg3[%get3A_9, %get3A_10] : memref<1x128xf32, #tpu.memory_space<vmem>>, vector<1x128xf32>
    %add3A_12 = vector.broadcast %get3A_11 : vector<1x128xf32> to vector<10000x128xf32>
    %add3A_13 = arith.addf %dot_general3A_8, %add3A_12 : vector<10000x128xf32>
    %reduce_sum3A = arith.constant dense<0.000000e+00> : vector<128xf32>
    %reduce_sum3A_14 = vector.multi_reduction <add>, %add3A_13, %reduce_sum3A [0] : vector<10000x128xf32> to vector<128xf32>
    %broadcast_in_dim3A = vector.shape_cast %reduce_sum3A_14 : vector<128xf32> to vector<1x128xf32>
    %div3A = arith.constant 1.000000e+04 : f32
    %div3A_15 = vector.broadcast %div3A : f32 to vector<1x128xf32>
    %div3A_16 = arith.divf %broadcast_in_dim3A, %div3A_15 : vector<1x128xf32>
    %sub3A = vector.broadcast %div3A_16 : vector<1x128xf32> to vector<10000x128xf32>
    %sub3A_17 = arith.subf %add3A_13, %sub3A : vector<10000x128xf32>
    %mul3A = arith.mulf %sub3A_17, %sub3A_17 : vector<10000x128xf32>
    %reduce_sum3A_18 = arith.constant dense<0.000000e+00> : vector<128xf32>
    %reduce_sum3A_19 = vector.multi_reduction <add>, %mul3A, %reduce_sum3A_18 [0] : vector<10000x128xf32> to vector<128xf32>
    %broadcast_in_dim3A_20 = vector.shape_cast %reduce_sum3A_19 : vector<128xf32> to vector<1x128xf32>
    %div3A_21 = arith.constant 1.000000e+04 : f32
    %div3A_22 = vector.broadcast %div3A_21 : f32 to vector<1x128xf32>
    %div3A_23 = arith.divf %broadcast_in_dim3A_20, %div3A_22 : vector<1x128xf32>
    %get3A_24 = arith.constant 0 : index
    %get3A_25 = arith.constant 0 : index
    %get3A_26 = vector.load %arg1[%get3A_24, %get3A_25] : memref<10000x128xf32, #tpu.memory_space<vmem>>, vector<10000x128xf32>
    %add3A_27 = arith.constant 9.99999974E-6 : f32
    %add3A_28 = vector.broadcast %add3A_27 : f32 to vector<1x128xf32>
    %add3A_29 = arith.addf %div3A_23, %add3A_28 : vector<1x128xf32>
    %rsqrt3A = math.rsqrt %add3A_29 : vector<1x128xf32>
    %mul3A_30 = vector.broadcast %rsqrt3A : vector<1x128xf32> to vector<10000x128xf32>
    %mul3A_31 = arith.mulf %sub3A_17, %mul3A_30 : vector<10000x128xf32>
    %get3A_32 = arith.constant 0 : index
    %get3A_33 = arith.constant 0 : index
    %get3A_34 = vector.load %arg4[%get3A_32, %get3A_33] : memref<1x128xf32, #tpu.memory_space<vmem>>, vector<1x128xf32>
    %mul3A_35 = vector.broadcast %get3A_34 : vector<1x128xf32> to vector<10000x128xf32>
    %mul3A_36 = arith.mulf %mul3A_31, %mul3A_35 : vector<10000x128xf32>
    %add3A_37 = arith.addf %get3A_26, %mul3A_36 : vector<10000x128xf32>
    %get3A_38 = arith.constant 0 : index
    %get3A_39 = arith.constant 0 : index
    %get3A_40 = vector.load %arg5[%get3A_38, %get3A_39] : memref<1x128xf32, #tpu.memory_space<vmem>>, vector<1x128xf32>
    %add3A_41 = vector.broadcast %get3A_40 : vector<1x128xf32> to vector<10000x128xf32>
    %add3A_42 = arith.addf %add3A_37, %add3A_41 : vector<10000x128xf32>
    %swap3A = arith.constant 0 : index
    %swap3A_43 = arith.constant 0 : index
    %swap3A_44 = vector.load %arg6[%swap3A, %swap3A_43] : memref<10000x128xf32, #tpu.memory_space<vmem>>, vector<10000x128xf32>
    tpu.vector_store %arg6[%swap3A, %swap3A_43], %add3A_42 {strides = array<i32>} : memref<10000x128xf32, #tpu.memory_space<vmem>>, vector<10000x128xf32>,
    return
  }
}

</mosaic_0001>

<sc_bundles>
// kernel: kernel.4.cloned.1.call-start
scs
__scs_entry_jumppad:
0x0: {  	(pc) =	sbr.rel $0x88, $3  }
0x1: {  	(tag) =	ssettag $0x0;
	lr =	simm.s32 $0x1  }
0x2: {  	[smem:$0x3F9B] =	sst lr;
	_ =	strace $0xD0000000  }
0x3: {  	_ = 	snop  }
0x4: {  	_ = 	snop  }
0x5: {  	_ = 	snop  }
0x6: {  	_ = 	snop  }
0x7: {  	_ = 	snop  }
__scs_overlays_trampoline_lowered:
0x8: {  	[smem:$0x3FAA] =	sst s0  }
0x9: {  	[smem:$0x3FAB] =	sst s1  }
0xa: {  	[smem:$0x3FAC] =	sst s2  }
0xb: {  	[smem:$0x3FAD] =	sst s3  }
0xc: {  	[smem:$0x3FAE] =	sst s4  }
0xd: {  	[smem:$0x3FAF] =	sst s5  }
0xe: {  	[smem:$0x3FB0] =	sst s6  }
0xf: {  	[smem:$0x3FB1] =	sst s7  }
0x10: {  	[smem:$0x3FB2] =	sst s8  }
0x11: {  	[smem:$0x3FB3] =	sst s9;
	s0 =	simm.s32 @!p0 $0x0  }
0x12: {  	s1 =	sld [smem:$0x3F99];
	s0 =	simm.s32 @p0 $0x1  }
0x13: {  	[smem:$0x3FB4] =	sst s0;
	s0 =	simm.s32 @!p1 $0x0  }
0x14: {  	s2 =	sld [smem:$0x3F98];
	s0 =	simm.s32 @p1 $0x1  }
0x15: {  	[smem:$0x3FB5] =	sst s0;
	s0 =	simm.s32 @!p2 $0x0  }
0x16: {  	s3 =	sld [smem:$0x3FDB];
	s0 =	simm.s32 @p2 $0x1  }
0x17: {  	s4 =	simm.s32 $0x1BF5;
	[smem:$0x3FB7] =	sst s0  }
0x18: {  	s0 =	sld [smem:$0x3F9A];
	_ =	swait.ge [sflag:s4], $0x0  }
0x19: {  	s7 =	sld [smem:$0x3F9B]  }
0x1a: {  	s8 =	sadd.s32 $0xFFFFE003, lr  }
0x1b: {  	s9 =	sadd.s32 $0xFFFFFEF7, lr;
	s5 =	simm.s32 $0xFFFFFFFF;
	p2 =	slt.u32 s8, $0xFFFFF086  }
0x1c: {  	p1 =	slt.u32 s9, $0xF7A;
	s5 =	simm.s32 @!p2 $0x0  }
0x1d: {  	s5 =	simm.s32 @p1 $0x1;
	p0 =	seq.s32 s7, s2  }
0x1e: {  	s7 =	smul.u32 @!p0 $0xF7A, s2;
	p2 =	seq.s32 @!p0 s5, $0x0  }
0x1f: {  	s9 =	smul.u32 $0xF7A, s1;
	s8 =	simm.s32 @!p0 $0x1BF5;
	p2 =	por !p2, p0  }
0x20: {  	[sflag:s8] =	ssyncset.s32 @!p0 $0xFFFFF086;
	s6 =	sadd.s32 @!p0 s3, s7;
	s7 =	simm.s32 @!p0 $0x108  }
0x21: {  	s3 =	sadd.s32 s3, s9;
	s6 =	sadd.s32 @!p0 $0x88, s6;
	s7 =	simm.s32 @p2 $0x1082  }
0x22: {  	[simem:s7], [sflag:s8] =	dma.local @!p0 [hbm:s6], $0xF7A  }
0x23: {  	s9 =	sor.u32 $0xD0000000, s2;
	s6 =	simm.s32 $0x108;
	_ =	swait.ge @!p0 [sflag:s8], $0x0  }
0x24: {  	s3 =	sadd.s32 $0x88, s3;
	s6 =	simm.s32 @!p1 $0x1082;
	[sflag:s4] =	ssyncset.s32 $0xFFFFF086  }
0x25: {  	[simem:s6], [sflag:s4] =	dma.local [hbm:s3], $0xF7A  }
0x26: {  	[smem:$0x3F9B] =	sst s1;
	(tag) =	ssettag s2;
	_ =	strace s9  }
0x27: {  	s1 =	sld [smem:$0x3FAB]  }
0x28: {  	s2 =	sld [smem:$0x3FAC]  }
0x29: {  	s4 =	sld [smem:$0x3FAE]  }
0x2a: {  	p0 =	seq.s32 s5, $0x0;
	s5 =	sld [smem:$0x3FAF]  }
0x2b: {  	s6 =	sld [smem:$0x3FB0]  }
0x2c: {  	s7 =	sld [smem:$0x3FB1]  }
0x2d: {  	s3 =	simm.s32 $0x108;
	s8 =	sld [smem:$0x3FB2]  }
0x2e: {  	s3 =	simm.s32 @!p0 $0x1082;
	s9 =	sld [smem:$0x3FB3]  }
0x2f: {  	lr =	sadd.s32 s0, s3;
	s0 =	sld [smem:$0x3FAA]  }
0x30: {  	s3 =	sld [smem:$0x3FAD]  }
0x31: {  	[smem:$0x3FB6] =	sst s10  }
0x32: {  	s10 =	sld [smem:$0x3FB4];
	_ =	sdelay $0x3  }
0x33: {  	p0 =	seq.s32 s10, $0x1;
	s10 =	sld [smem:$0x3FB6];
	_ =	sdelay $0x3  }
0x34: {  	[smem:$0x3FB6] =	sst s10  }
0x35: {  	s10 =	sld [smem:$0x3FB5];
	_ =	sdelay $0x3  }
0x36: {  	p1 =	seq.s32 s10, $0x1;
	s10 =	sld [smem:$0x3FB6];
	_ =	sdelay $0x3  }
0x37: {  	[smem:$0x3FB6] =	sst s10  }
0x38: {  	s10 =	sld [smem:$0x3FB7]  }
0x39: {  	_ = 	snop;
	(pc) =	sbr.ind lr, $3  }
0x3a: {  	_ = 	snop  }
0x3b: {  	_ = 	snop  }
0x3c: {  	p2 =	seq.s32 s10, $0x1;
	s10 =	sld [smem:$0x3FB6]  }
0x3d: {  	_ =	shalt  }
0x3e: {  	_ =	shalt  }
0x3f: {  	_ =	shalt  }
0x40: {  	_ =	shalt  }
0x41: {  	_ =	shalt  }
0x42: {  	_ =	shalt  }
0x43: {  	_ =	shalt  }
0x44: {  	_ =	shalt  }
0x45: {  	_ =	shalt  }
0x46: {  	_ =	shalt  }
0x47: {  	_ =	shalt  }
0x48: {  	_ =	shalt  }
0x49: {  	_ =	shalt  }
0x4a: {  	_ =	shalt  }
0x4b: {  	_ =	shalt  }
0x4c: {  	_ =	shalt  }
0x4d: {  	_ =	shalt  }
0x4e: {  	_ =	shalt  }
0x4f: {  	_ =	shalt  }
0x50: {  	_ =	shalt  }
0x51: {  	_ =	shalt  }
0x52: {  	_ =	shalt  }
0x53: {  	_ =	shalt  }
0x54: {  	_ =	shalt  }
0x55: {  	_ =	shalt  }
0x56: {  	_ =	shalt  }
0x57: {  	_ =	shalt  }
0x58: {  	_ =	shalt  }
0x59: {  	_ =	shalt  }
0x5a: {  	_ =	shalt  }
0x5b: {  	_ =	shalt  }
0x5c: {  	_ =	shalt  }
0x5d: {  	_ =	shalt  }
0x5e: {  	_ =	shalt  }
0x5f: {  	_ =	shalt  }
0x60: {  	_ =	shalt  }
0x61: {  	_ =	shalt  }
0x62: {  	_ =	shalt  }
0x63: {  	_ =	shalt  }
0x64: {  	_ =	shalt  }
0x65: {  	_ =	shalt  }
0x66: {  	_ =	shalt  }
0x67: {  	_ =	shalt  }
0x68: {  	_ =	shalt  }
0x69: {  	_ =	shalt  }
0x6a: {  	_ =	shalt  }
0x6b: {  	_ =	shalt  }
0x6c: {  	_ =	shalt  }
0x6d: {  	_ =	shalt  }
0x6e: {  	_ =	shalt  }
0x6f: {  	_ =	shalt  }
0x70: {  	_ =	shalt  }
0x71: {  	_ =	shalt  }
0x72: {  	_ =	shalt  }
0x73: {  	_ =	shalt  }
0x74: {  	_ =	shalt  }
0x75: {  	_ =	shalt  }
0x76: {  	_ =	shalt  }
0x77: {  	_ =	shalt  }
0x78: {  	_ =	shalt  }
0x79: {  	_ =	shalt  }
0x7a: {  	_ =	shalt  }
0x7b: {  	_ =	shalt  }
0x7c: {  	_ =	shalt  }
0x7d: {  	_ =	shalt  }
0x7e: {  	_ =	shalt  }
0x7f: {  	_ =	shalt  }
0x80: {  	_ =	shalt  }
0x81: {  	_ =	shalt  }
0x82: {  	_ =	shalt  }
0x83: {  	_ =	shalt  }
0x84: {  	_ =	shalt  }
0x85: {  	_ =	shalt  }
0x86: {  	_ =	shalt  }
0x87: {  	_ =	shalt  }
.Lfunc_end0:
.L_simem_size_0:
called_computation_lowered:
.L_overlay_start_0:
0x88: {  	s2 =	sld [smem:$0x3FD9]  }
0x89: {  	s3 =	sld [smem:$0x3FFE];
	_ =	sdelay $0x1  }
0x8a: {  	s1 =	srdreg.scid  }
0x8b: {  	s0 =	sand.u32 $0x1, s1  }
0x8c: {  	s17 =	sshll.u32 s0, $0xA;
	s2 =	sadd.s32 s3, s2  }
0x8d: {  	s2 =	sadd.s32 s2, s17  }
0x8e: {  	[smem:$0x3FC2] =	sst s2  }
0x8f: {  	_ = 	snop  }
0x90: {  	s2 =	sld [smem:$0x3FC9]  }
0x91: {  	s18 =	sld [smem:$0x3FD0];
	(tm) =	ssettm $0x1  }
0x92: {  	s4 =	sld [smem:$0x3FFB];
	_ =	sdelay $0x3  }
0x93: {  	_ =	strace s4  }
0x94: {  	s4 =	sld [smem:$0x3FFC];
	_ =	sdelay $0x3  }
0x95: {  	_ =	strace s4  }
0x96: {  	s4 =	sld [smem:$0x3FFD];
	_ =	sdelay $0x3  }
0x97: {  	_ =	strace s4  }
0x98: {  	_ =	strace $0x8FFFFFFF  }
0x99: {  	s19 =	sld [smem:$0x3FDB];
	_ =	sdelay $0x1  }
0x9a: {  	s5 =	simm.s32 $_scs_section_size  }
0x9b: {  	s6 =	simm.s32 $_size__tile_overlayer_lowered;
	s7 =	simm.s32 $_tile_overlayer_lowered  }
0x9c: {  	s22 =	simm.s32 $0x1BFF;
	s21 =	sshll.u32 s7, $0x1;
	s4 =	sadd.s32 s5, s19  }
0x9d: {  	s8 =	simm.s32 $0x0;
	s20 =	sshll.u32 s6, $0x1;
	s6 =	sadd.s32 s21, s4  }
0x9e: {  	[timem:s8], [sflag:s22] =	dma.local [hbm:s6], s20  }
0x9f: {  	_ =	swait.ge [sflag:s22], s20  }
0xa0: {  	s5 =	ssub.s32 $0x0, s20;
	[sflag:s22] =	ssyncset.done $0x0  }
0xa1: {  	[sflag:s22] =	ssyncadd.s32 s5;
	_ =	sdelay $0x1  }
0xa2: {  	s23 =	simm.s32 $0x1B8B  }
0xa3: {  	_ =	swait.ge [sflag:s23], $0x1  }
0xa4: {  	[sflag:s23] =	ssyncset.done $0x0  }
0xa5: {  	s25 =	simm.s32 $0x1B8E;
	s24 =	sld [smem:$0x3FFE];
	[sflag:s23] =	ssyncadd.s32 $0xFFFFFFFF  }
0xa6: {  	s26 =	simm.s32 $execute0_lowered;
	[smem:$0x3FD2] =	sst s25  }
0xa7: {  	s6 =	sshll.u32 s26, $0x1;
	_ =	strace $0x80000046;
	[dreg:$0x1] =	wrdreg $0xFFFFFFFF  }
0xa8: {  	s28 =	simm.s32 $_size_execute0_lowered;
	s4 =	sadd.s32 s4, s6;
	[dreg:$0x0] =	wrdreg $0x0  }
0xa9: {  	s6 =	sshll.u32 s28, $0x1;
	[dreg:$0x2] =	wrdreg s4  }
0xaa: {  	[dreg:$0x3] =	wrdreg s6  }
0xab: {  	[dreg:$0x4] =	wrdreg $0xC0  }
0xac: {  	_ =	task [dreg:s8], $0x5FFFF  }
0xad: {  	[dreg:$0x1] =	wrdreg $0xFFFFFFFF  }
0xae: {  	[dreg:$0x0] =	wrdreg $0x60  }
0xaf: {  	[dreg:$0x2] =	wrdreg s2  }
0xb0: {  	[dreg:$0x3] =	wrdreg s18  }
0xb1: {  	[dreg:$0x4] =	wrdreg s24  }
0xb2: {  	[dreg:$0x5] =	wrdreg $0x90000  }
0xb3: {  	[dreg:$0x6] =	wrdreg $0x9  }
0xb4: {  	_ =	task.clear_ibuf [dreg:s8], $0x7FFFF;
	_ =	strace $0x90000046  }
0xb5: {  	s29 =	simm.s32 $0x9;
	_ =	strace $0x80000048  }
0xb6: {  	_ =	swait.ge [sflag:s29], $0x1  }
0xb7: {  	[sflag:s29] =	ssyncadd.s32 $0xFFFFFFFF  }
0xb8: {  	_ =	strace $0x90000048  }
0xb9: {  	_ =	sfence  }
0xba: {  	s30 =	sld [smem:$0x0];
	_ =	sdelay $0x2  }
0xbb: {  	s31 =	sshll.u32 s1, $0xD;
	s1 =	sshrl.u32 s1, $0x2  }
0xbc: {  	s3 =	sand.u32 $0x4000, s31;
	s1 =	sadd.s32 s1, s30  }
0xbd: {  	s0 =	sor.u32 s3, s0;
	s1 =	sshll.u32 s1, $0x11  }
0xbe: {  	s0 =	sor.u32 s1, s0  }
0xbf: {  	s0 =	sadd.s32 $0x8F2B, s0  }
0xc0: {  	[sflag:s0] =	ssyncadd.remote.s32 $0x1  }
0xc1: {  	_ =	sfence.sel $0xFFFF  }
0xc2: {  	[dreg:$0x0] =	wrdreg $0xFFFFFFFF;
	(pc) =	sbr.abs _section_cstart, $3  }
0xc3: {  	[dreg:$0x1] =	wrdreg $0xFFFFFFFF  }
0xc4: {  	_ =	task.clear_ibuf [dreg:s8], $0x2FFFF;
	_ =	strace $0x9FFFFFFF  }
0xc5: {  	(tm) =	ssettm $0x7FFFFFFF  }
tec
execute0_lowered:
.L_overlay_start_1:
0x0: {  	(tag) =	ssettag $0x1  }
0x1: {  	s1 =	rddreg [dreg:$0x0]  }
0x2: {  	s6 =	rddreg [dreg:$0x1]  }
0x3: {  	s7 =	rddreg [dreg:$0x2]  }
0x4: {  	s3 =	rddreg [dreg:$0x3];
	s4 =	simm.s32 $0x0  }
0x5: {  	s14 =	simm.s32 $0x100;
	[smem:$0x7FF] =	sst s4  }
0x6: {  	s15 =	simm.s32 $0x880;
	_ =	strace $0x80000047;
	[dreg:$0x5] =	wrdreg s14  }
0x7: {  	s16 =	simm.s32 $0x180;
	[dreg:$0x6] =	wrdreg s15  }
0x8: {  	s17 =	simm.s32 $0x900;
	[dreg:$0x7] =	wrdreg s16  }
0x9: {  	s18 =	simm.s32 $0x200;
	[dreg:$0x8] =	wrdreg s17  }
0xa: {  	s19 =	simm.s32 $0x980;
	[dreg:$0x9] =	wrdreg s18  }
0xb: {  	s20 =	simm.s32 $0x280;
	[dreg:$0xa] =	wrdreg s19  }
0xc: {  	s2 =	srdreg.scid;
	s21 =	simm.s32 $0x300;
	[dreg:$0xb] =	wrdreg s20  }
0xd: {  	s0 =	stileid.u32;
	s22 =	simm.s32 $0xA80;
	[dreg:$0xd] =	wrdreg s21  }
0xe: {  	s23 =	simm.s32 $0x380;
	s24 =	simm.s32 $0xB00;
	[dreg:$0xe] =	wrdreg s22  }
0xf: {  	s25 =	simm.s32 $0xB80;
	s26 =	simm.s32 $0x480;
	[dreg:$0xf] =	wrdreg s23  }
0x10: {  	s28 =	simm.s32 $0x500;
	s29 =	simm.s32 $0xD80;
	[dreg:$0x10] =	wrdreg s24  }
0x11: {  	s30 =	simm.s32 $0xE00;
	s31 =	simm.s32 $0x700;
	[dreg:$0x11] =	wrdreg s25  }
0x12: {  	s5 =	sand.u32 $0x1, s2;
	s13 =	sshll.u32 s0, $0x1;
	[dreg:$0x12] =	wrdreg s26  }
0x13: {  	s9 =	smul.u32 $0x2800, s0;
	s2 =	sor.u32 s5, s13;
	[dreg:$0x13] =	wrdreg s28  }
0x14: {  	s10 =	smul.u32 $0x28000, s5;
	s5 =	ssub.s32 $0x2, s5;
	[dreg:$0x18] =	wrdreg s29  }
0x15: {  	s13 =	smul.u32 $0x50000, s0;
	s14 =	simm.s32 $0xA00;
	[dreg:$0x1a] =	wrdreg s30  }
0x16: {  	s15 =	simm.s32 $0xC80;
	s16 =	simm.s32 $0x580;
	[dreg:$0x1b] =	wrdreg s31  }
0x17: {  	s17 =	simm.s32 $0xD00;
	s18 =	simm.s32 $0x600;
	[dreg:$0xc] =	wrdreg s14  }
0x18: {  	s20 =	sshll.u32 s0, $0x6;
	s21 =	simm.s32 $0x680;
	[dreg:$0x14] =	wrdreg s15  }
0x19: {  	s22 =	simm.s32 $0xE80;
	s23 =	simm.s32 $0x780;
	[dreg:$0x15] =	wrdreg s16  }
0x1a: {  	s24 =	simm.s32 $0xF00;
	s8 =	smul.u32 $0x500, s2;
	[dreg:$0x16] =	wrdreg s17  }
0x1b: {  	s12 =	sshrl.u32 s5, $0x1;
	s14 =	simm.s32 $0xC00;
	[dreg:$0x17] =	wrdreg s18  }
0x1c: {  	s15 =	simm.s32 $0x80;
	s16 =	simm.s32 $0x1000;
	[dreg:$0x19] =	wrdreg s21  }
0x1d: {  	s17 =	simm.s32 $0x5000;
	s18 =	sor.u32 $0x1C05, s20;
	[dreg:$0x1c] =	wrdreg s22  }
0x1e: {  	s20 =	simm.s32 $0x5;
	s21 =	simm.s32 $0x3;
	[dreg:$0x1d] =	wrdreg s23  }
0x1f: {  	s22 =	simm.s32 $0x4;
	s23 =	simm.s32 $0x2;
	[dreg:$0x1e] =	wrdreg s24  }
0x20: {  	s24 =	simm.s32 $0x0;
	s10 =	sadd.s32 s9, s10;
	s9 =	sadd.s32 s9, s7  }
0x21: {  	s12 =	ssub.s32 s5, s12;
	s13 =	sshrl.u32 s13, $0x2;
	s11 =	sadd.s32 s8, s7  }
0x22: {  	s10 =	sadd.s32 s10, s7;
	s5 =	sadd.s32 s6, s8;
	s19 =	sadd.s32 s13, s3  }
0x23: {  	s9 =	sadd.s32 $0xAE00, s9;
	s13 =	simm.s32 $0x400;
	s6 =	sadd.s32 $0xE00, s11  }
0x24: {  	s7 =	sadd.s32 $0x80, s5;
	s8 =	sadd.s32 $0xE80, s11;
	s10 =	sadd.s32 $0x32E00, s10  }
0x25: {  	s11 =	smax.u32 s12, $0x1;
	s12 =	simm.s32 $0x800;
	s19 =	sshrl.u32 s19, $0x3  }
.LBB2_1:
0x26: {  	[tilespmem:s4], [sflag:$0x1] =	stream.linear.gather [hbm4b:s5+s4], $0x400, $0x38;
	[tilespmem:$0x1D000] =	vst v63  }
0x27: {  	_ = 	snop  }
0x28: {  	[tilespmem:s12], [sflag:$0x1] =	stream.linear.gather [hbm4b:s6+s4], $0x400, $0x38;
	[tilespmem:$0x1D000] =	vst v63  }
0x29: {  	_ = 	snop  }
0x2a: {  	[tilespmem:s13], [sflag:$0x2] =	stream.linear.gather [hbm4b:s7+s4], $0x400, $0x38;
	[tilespmem:$0x1D000] =	vst v63  }
0x2b: {  	s25 =	simm.s32 $0x1  }
0x2c: {  	[tilespmem:s14], [sflag:$0x2] =	stream.linear.gather [hbm4b:s8+s4], $0x400, $0x38;
	[tilespmem:$0x1D000] =	vst v63  }
0x2d: {  	_ =	swait.ge [sflag:s25], $0x400  }
0x2e: {  	[sflag:s25] =	ssyncset.done $0x0  }
0x2f: {  	[sflag:s25] =	ssyncadd.s32 $0xFFFFFC00  }
0x30: {  	_ =	swait.ge [sflag:s25], $0x400  }
0x31: {  	[sflag:s25] =	ssyncset.done $0x0  }
0x32: {  	[sflag:s25] =	ssyncadd.s32 $0xFFFFFC00  }
0x33: {  	[tilespmem:s16], [sflag:$0x3] =	stream.indirect.gather [hbm4b:s1+s15], $0x80, s4, s15, $0xb8;
	[tilespmem:$0x1D000] =	vst v63  }
0x34: {  	_ = 	snop  }
0x35: {  	[tilespmem:s17], [sflag:$0x4] =	stream.indirect.gather [hbm4b:s1+s15], $0x80, s15, s15, $0xb8;
	[tilespmem:$0x1D000] =	vst v63  }
0x36: {  	[spmem:s19], [sflag:s18] =	dma.local [hbm:s9], $0x2800  }
0x37: {  	_ =	swait.ge [sflag:s20], $0x2800  }
0x38: {  	[sflag:s20] =	ssyncset.done $0x0  }
0x39: {  	[sflag:s20] =	ssyncadd.s32 $0xFFFFD800  }
0x3a: {  	[bflag:$0x0] =	sbarrier.arrive $0xFFFF  }
0x3b: {  	_ =	swait.ge [sflag:s21], $0x4000  }
0x3c: {  	[sflag:s21] =	ssyncset.done $0x0  }
0x3d: {  	[sflag:s21] =	ssyncadd.s32 $0xFFFFC000  }
0x3e: {  	[spmem:s3] =	stream.indirect.scatter.add.f32 [tilespmem:s16], [sflag:$0x5], $0x80, s12, s15, $0xb8;
	[tilespmem:$0x1D000] =	vst v63  }
0x3f: {  	_ =	swait.ge [sflag:s20], $0x4000  }
0x40: {  	[sflag:s20] =	ssyncset.done $0x0  }
0x41: {  	s26 =	rddreg [dreg:$0x5];
	[sflag:s20] =	ssyncadd.s32 $0xFFFFC000  }
0x42: {  	[tilespmem:s16], [sflag:$0x3] =	stream.indirect.gather [hbm4b:s1+s15], $0x80, s26, s15, $0xb8;
	[tilespmem:$0x1D000] =	vst v63  }
0x43: {  	_ =	swait.ge [sflag:s22], $0x4000  }
0x44: {  	[sflag:s22] =	ssyncset.done $0x0  }
0x45: {  	s2 =	rddreg [dreg:$0x6];
	[sflag:s22] =	ssyncadd.s32 $0xFFFFC000  }
0x46: {  	[spmem:s3] =	stream.indirect.scatter.add.f32 [tilespmem:s17], [sflag:$0x5], $0x80, s2, s15, $0xb8;
	[tilespmem:$0x1D000] =	vst v63  }
0x47: {  	_ =	swait.ge [sflag:s20], $0x4000  }
0x48: {  	[sflag:s20] =	ssyncset.done $0x0  }
0x49: {  	s31 =	rddreg [dreg:$0x7];
	[sflag:s20] =	ssyncadd.s32 $0xFFFFC000  }
0x4a: {  	[tilespmem:s17], [sflag:$0x4] =	stream.indirect.gather [hbm4b:s1+s15], $0x80, s31, s15, $0xb8;
	[tilespmem:$0x1D000] =	vst v63  }
0x4b: {  	_ =	swait.ge [sflag:s21], $0x4000  }
0x4c: {  	[sflag:s21] =	ssyncset.done $0x0  }
0x4d: {  	p0 =	por $0x1, $0x1;
	s0 =	rddreg [dreg:$0x8];
	[sflag:s21] =	ssyncadd.s32 $0xFFFFC000  }
0x4e: {  	[spmem:s3] =	stream.indirect.scatter.add.f32 [tilespmem:s16], [sflag:$0x5], $0x80, s0, s15, $0xb8;
	[tilespmem:$0x1D000] =	vst v63  }
0x4f: {  	s28 =	simm.s32 @!p0 $0x0;
	_ =	swait.ge [sflag:s20], $0x4000  }
0x50: {  	s29 =	simm.s32 @!p0 $0x400;
	s26 =	sadd.s32 @!p0 $0x0, s5;
	[sflag:s20] =	ssyncset.done $0x0  }
0x51: {  	s30 =	sadd.s32 @!p0 $0x0, s6;
	s26 =	sadd.s32 @!p0 $0x80, s26;
	[sflag:s20] =	ssyncadd.s32 $0xFFFFC000  }
0x52: {  	[tilespmem:s29], [sflag:$0x2] =	stream.linear.gather @!p0 [hbm4b:s26+s28], $0x400, $0x38;
	[tilespmem:$0x1D000] =	vst v63  }
0x53: {  	s26 =	simm.s32 @!p0 $0xC00;
	s29 =	sadd.s32 @!p0 $0x80, s30  }
0x54: {  	[tilespmem:s26], [sflag:$0x2] =	stream.linear.gather @!p0 [hbm4b:s29+s28], $0x400, $0x38;
	[tilespmem:$0x1D000] =	vst v63  }
0x55: {  	s30 =	rddreg [dreg:$0x9]  }
0x56: {  	[tilespmem:s16], [sflag:$0x3] =	stream.indirect.gather [hbm4b:s1+s15], $0x80, s30, s15, $0xb8;
	[tilespmem:$0x1D000] =	vst v63  }
0x57: {  	_ =	swait.ge [sflag:s22], $0x4000  }
0x58: {  	[sflag:s22] =	ssyncset.done $0x0  }
0x59: {  	s2 =	rddreg [dreg:$0xa];
	[sflag:s22] =	ssyncadd.s32 $0xFFFFC000  }
0x5a: {  	[spmem:s3] =	stream.indirect.scatter.add.f32 [tilespmem:s17], [sflag:$0x5], $0x80, s2, s15, $0xb8;
	[tilespmem:$0x1D000] =	vst v63  }
0x5b: {  	_ =	swait.ge [sflag:s20], $0x4000  }
0x5c: {  	[sflag:s20] =	ssyncset.done $0x0  }
0x5d: {  	s31 =	rddreg [dreg:$0xb];
	[sflag:s20] =	ssyncadd.s32 $0xFFFFC000  }
0x5e: {  	[tilespmem:s17], [sflag:$0x4] =	stream.indirect.gather [hbm4b:s1+s15], $0x80, s31, s15, $0xb8;
	[tilespmem:$0x1D000] =	vst v63  }
0x5f: {  	_ =	swait.ge [sflag:s21], $0x4000  }
0x60: {  	[sflag:s21] =	ssyncset.done $0x0  }
0x61: {  	s0 =	rddreg [dreg:$0xc];
	[sflag:s21] =	ssyncadd.s32 $0xFFFFC000  }
0x62: {  	[spmem:s3] =	stream.indirect.scatter.add.f32 [tilespmem:s16], [sflag:$0x5], $0x80, s0, s15, $0xb8;
	[tilespmem:$0x1D000] =	vst v63  }
0x63: {  	_ =	swait.ge [sflag:s20], $0x4000  }
0x64: {  	[sflag:s20] =	ssyncset.done $0x0  }
0x65: {  	s2 =	rddreg [dreg:$0xd];
	[sflag:s20] =	ssyncadd.s32 $0xFFFFC000  }
0x66: {  	[tilespmem:s16], [sflag:$0x3] =	stream.indirect.gather [hbm4b:s1+s15], $0x80, s2, s15, $0xb8;
	[tilespmem:$0x1D000] =	vst v63  }
0x67: {  	_ =	swait.ge [sflag:s22], $0x4000  }
0x68: {  	[sflag:s22] =	ssyncset.done $0x0  }
0x69: {  	s31 =	rddreg [dreg:$0xe];
	[sflag:s22] =	ssyncadd.s32 $0xFFFFC000  }
0x6a: {  	[spmem:s3] =	stream.indirect.scatter.add.f32 [tilespmem:s17], [sflag:$0x5], $0x80, s31, s15, $0xb8;
	[tilespmem:$0x1D000] =	vst v63  }
0x6b: {  	_ =	swait.ge [sflag:s20], $0x4000  }
0x6c: {  	[sflag:s20] =	ssyncset.done $0x0  }
0x6d: {  	s0 =	rddreg [dreg:$0xf];
	[sflag:s20] =	ssyncadd.s32 $0xFFFFC000  }
0x6e: {  	[tilespmem:s17], [sflag:$0x4] =	stream.indirect.gather [hbm4b:s1+s15], $0x80, s0, s15, $0xb8;
	[tilespmem:$0x1D000] =	vst v63  }
0x6f: {  	_ =	swait.ge [sflag:s21], $0x4000  }
0x70: {  	[sflag:s21] =	ssyncset.done $0x0  }
0x71: {  	s2 =	rddreg [dreg:$0x10];
	[sflag:s21] =	ssyncadd.s32 $0xFFFFC000  }
0x72: {  	[spmem:s3] =	stream.indirect.scatter.add.f32 [tilespmem:s16], [sflag:$0x5], $0x80, s2, s15, $0xb8;
	[tilespmem:$0x1D000] =	vst v63  }
0x73: {  	_ =	swait.ge [sflag:s20], $0x4000  }
0x74: {  	[sflag:s20] =	ssyncset.done $0x0  }
0x75: {  	[sflag:s20] =	ssyncadd.s32 $0xFFFFC000  }
0x76: {  	_ =	swait.ge [sflag:s23], $0x400  }
0x77: {  	[sflag:s23] =	ssyncset.done $0x0  }
0x78: {  	[sflag:s23] =	ssyncadd.s32 $0xFFFFFC00  }
0x79: {  	_ =	swait.ge [sflag:s23], $0x400  }
0x7a: {  	[sflag:s23] =	ssyncset.done $0x0  }
0x7b: {  	[sflag:s23] =	ssyncadd.s32 $0xFFFFFC00  }
0x7c: {  	[tilespmem:s16], [sflag:$0x3] =	stream.indirect.gather [hbm4b:s1+s15], $0x80, s13, s15, $0xb8;
	[tilespmem:$0x1D000] =	vst v63  }
0x7d: {  	_ =	swait.ge [sflag:s22], $0x4000  }
0x7e: {  	[sflag:s22] =	ssyncset.done $0x0  }
0x7f: {  	s31 =	rddreg [dreg:$0x11];
	[sflag:s22] =	ssyncadd.s32 $0xFFFFC000  }
0x80: {  	[spmem:s3] =	stream.indirect.scatter.add.f32 [tilespmem:s17], [sflag:$0x5], $0x80, s31, s15, $0xb8;
	[tilespmem:$0x1D000] =	vst v63  }
0x81: {  	_ =	swait.ge [sflag:s20], $0x4000  }
0x82: {  	[sflag:s20] =	ssyncset.done $0x0  }
0x83: {  	s0 =	rddreg [dreg:$0x12];
	[sflag:s20] =	ssyncadd.s32 $0xFFFFC000  }
0x84: {  	[tilespmem:s17], [sflag:$0x4] =	stream.indirect.gather [hbm4b:s1+s15], $0x80, s0, s15, $0xb8;
	[tilespmem:$0x1D000] =	vst v63  }
0x85: {  	_ =	swait.ge [sflag:s21], $0x4000  }
0x86: {  	[sflag:s21] =	ssyncset.done $0x0  }
0x87: {  	[sflag:s21] =	ssyncadd.s32 $0xFFFFC000  }
0x88: {  	[spmem:s3] =	stream.indirect.scatter.add.f32 [tilespmem:s16], [sflag:$0x5], $0x80, s14, s15, $0xb8;
	[tilespmem:$0x1D000] =	vst v63  }
0x89: {  	_ =	swait.ge [sflag:s20], $0x4000  }
0x8a: {  	[sflag:s20] =	ssyncset.done $0x0  }
0x8b: {  	s2 =	rddreg [dreg:$0x13];
	[sflag:s20] =	ssyncadd.s32 $0xFFFFC000  }
0x8c: {  	[tilespmem:s16], [sflag:$0x3] =	stream.indirect.gather [hbm4b:s1+s15], $0x80, s2, s15, $0xb8;
	[tilespmem:$0x1D000] =	vst v63  }
0x8d: {  	_ =	swait.ge [sflag:s22], $0x4000  }
0x8e: {  	[sflag:s22] =	ssyncset.done $0x0  }
0x8f: {  	s31 =	rddreg [dreg:$0x14];
	[sflag:s22] =	ssyncadd.s32 $0xFFFFC000  }
0x90: {  	[spmem:s3] =	stream.indirect.scatter.add.f32 [tilespmem:s17], [sflag:$0x5], $0x80, s31, s15, $0xb8;
	[tilespmem:$0x1D000] =	vst v63  }
0x91: {  	_ =	swait.ge [sflag:s20], $0x4000  }
0x92: {  	[sflag:s20] =	ssyncset.done $0x0  }
0x93: {  	s0 =	rddreg [dreg:$0x15];
	[sflag:s20] =	ssyncadd.s32 $0xFFFFC000  }
0x94: {  	[tilespmem:s17], [sflag:$0x4] =	stream.indirect.gather [hbm4b:s1+s15], $0x80, s0, s15, $0xb8;
	[tilespmem:$0x1D000] =	vst v63  }
0x95: {  	_ =	swait.ge [sflag:s21], $0x4000  }
0x96: {  	[sflag:s21] =	ssyncset.done $0x0  }
0x97: {  	s2 =	rddreg [dreg:$0x16];
	[sflag:s21] =	ssyncadd.s32 $0xFFFFC000  }
0x98: {  	[spmem:s3] =	stream.indirect.scatter.add.f32 [tilespmem:s16], [sflag:$0x5], $0x80, s2, s15, $0xb8;
	[tilespmem:$0x1D000] =	vst v63  }
0x99: {  	p0 =	por $0x0, $0x0;
	_ =	swait.ge [sflag:s20], $0x4000  }
0x9a: {  	s26 =	sadd.s32 @!p0 $0x0, s5;
	s28 =	sadd.s32 @!p0 $0x0, s6;
	[sflag:s20] =	ssyncset.done $0x0  }
0x9b: {  	s29 =	simm.s32 @!p0 $0x0;
	s26 =	sadd.s32 @!p0 $0x100, s26;
	[sflag:s20] =	ssyncadd.s32 $0xFFFFC000  }
0x9c: {  	[tilespmem:s29], [sflag:$0x1] =	stream.linear.gather @!p0 [hbm4b:s26+s29], $0x400, $0x38;
	[tilespmem:$0x1D000] =	vst v63  }
0x9d: {  	s30 =	simm.s32 @!p0 $0x800;
	s26 =	sadd.s32 @!p0 $0x100, s28  }
0x9e: {  	[tilespmem:s30], [sflag:$0x1] =	stream.linear.gather @!p0 [hbm4b:s26+s29], $0x400, $0x38;
	[tilespmem:$0x1D000] =	vst v63  }
0x9f: {  	s28 =	rddreg [dreg:$0x17]  }
0xa0: {  	[tilespmem:s16], [sflag:$0x3] =	stream.indirect.gather [hbm4b:s1+s15], $0x80, s28, s15, $0xb8;
	[tilespmem:$0x1D000] =	vst v63  }
0xa1: {  	_ =	swait.ge [sflag:s22], $0x4000  }
0xa2: {  	[sflag:s22] =	ssyncset.done $0x0  }
0xa3: {  	s31 =	rddreg [dreg:$0x18];
	[sflag:s22] =	ssyncadd.s32 $0xFFFFC000  }
0xa4: {  	[spmem:s3] =	stream.indirect.scatter.add.f32 [tilespmem:s17], [sflag:$0x5], $0x80, s31, s15, $0xb8;
	[tilespmem:$0x1D000] =	vst v63  }
0xa5: {  	_ =	swait.ge [sflag:s20], $0x4000  }
0xa6: {  	[sflag:s20] =	ssyncset.done $0x0  }
0xa7: {  	s0 =	rddreg [dreg:$0x19];
	[sflag:s20] =	ssyncadd.s32 $0xFFFFC000  }
0xa8: {  	[tilespmem:s17], [sflag:$0x4] =	stream.indirect.gather [hbm4b:s1+s15], $0x80, s0, s15, $0xb8;
	[tilespmem:$0x1D000] =	vst v63  }
0xa9: {  	_ =	swait.ge [sflag:s21], $0x4000  }
0xaa: {  	[sflag:s21] =	ssyncset.done $0x0  }
0xab: {  	s2 =	rddreg [dreg:$0x1a];
	[sflag:s21] =	ssyncadd.s32 $0xFFFFC000  }
0xac: {  	[spmem:s3] =	stream.indirect.scatter.add.f32 [tilespmem:s16], [sflag:$0x5], $0x80, s2, s15, $0xb8;
	[tilespmem:$0x1D000] =	vst v63  }
0xad: {  	_ =	swait.ge [sflag:s20], $0x4000  }
0xae: {  	[sflag:s20] =	ssyncset.done $0x0  }
0xaf: {  	s31 =	rddreg [dreg:$0x1b];
	[sflag:s20] =	ssyncadd.s32 $0xFFFFC000  }
0xb0: {  	[tilespmem:s16], [sflag:$0x3] =	stream.indirect.gather [hbm4b:s1+s15], $0x80, s31, s15, $0xb8;
	[tilespmem:$0x1D000] =	vst v63  }
0xb1: {  	_ =	swait.ge [sflag:s22], $0x4000  }
0xb2: {  	[sflag:s22] =	ssyncset.done $0x0  }
0xb3: {  	s0 =	rddreg [dreg:$0x1c];
	[sflag:s22] =	ssyncadd.s32 $0xFFFFC000  }
0xb4: {  	[spmem:s3] =	stream.indirect.scatter.add.f32 [tilespmem:s17], [sflag:$0x5], $0x80, s0, s15, $0xb8;
	[tilespmem:$0x1D000] =	vst v63  }
0xb5: {  	_ =	swait.ge [sflag:s20], $0x4000  }
0xb6: {  	[sflag:s20] =	ssyncset.done $0x0  }
0xb7: {  	s2 =	rddreg [dreg:$0x1d];
	[sflag:s20] =	ssyncadd.s32 $0xFFFFC000  }
0xb8: {  	[tilespmem:s17], [sflag:$0x4] =	stream.indirect.gather [hbm4b:s1+s15], $0x80, s2, s15, $0xb8;
	[tilespmem:$0x1D000] =	vst v63  }
0xb9: {  	_ =	swait.ge [sflag:s21], $0x4000  }
0xba: {  	[sflag:s21] =	ssyncset.done $0x0  }
0xbb: {  	s31 =	rddreg [dreg:$0x1e];
	[sflag:s21] =	ssyncadd.s32 $0xFFFFC000  }
0xbc: {  	[spmem:s3] =	stream.indirect.scatter.add.f32 [tilespmem:s16], [sflag:$0x5], $0x80, s31, s15, $0xb8;
	[tilespmem:$0x1D000] =	vst v63  }
0xbd: {  	_ =	swait.ge [sflag:s20], $0x4000  }
0xbe: {  	[sflag:s20] =	ssyncset.done $0x0  }
0xbf: {  	s26 =	simm.s32 @!p0 $0x1;
	[sflag:s20] =	ssyncadd.s32 $0xFFFFC000  }
0xc0: {  	_ =	swait.ge @!p0 [sflag:s26], $0x400  }
0xc1: {  	[sflag:s26] =	ssyncset.done @!p0 $0x0  }
0xc2: {  	[sflag:s26] =	ssyncadd.s32 @!p0 $0xFFFFFC00  }
0xc3: {  	_ =	swait.ge @!p0 [sflag:s26], $0x400  }
0xc4: {  	p2 =	por $0x0, $0x0;
	[sflag:s26] =	ssyncset.done @!p0 $0x0  }
0xc5: {  	s28 =	simm.s32 @p2 $0x4;
	[sflag:s26] =	ssyncadd.s32 @!p0 $0xFFFFFC00  }
0xc6: {  	_ =	swait.ge @p2 [sflag:s28], $0x4000  }
0xc7: {  	s29 =	simm.s32 @p2 $0x80;
	s30 =	simm.s32 @p2 $0xF80;
	[sflag:s28] =	ssyncset.done @p2 $0x0  }
0xc8: {  	s26 =	simm.s32 @p2 $0x5000;
	[sflag:s28] =	ssyncadd.s32 @p2 $0xFFFFC000;
	s28 =	simm.s32 @p2 $0x5  }
0xc9: {  	[spmem:s3] =	stream.indirect.scatter.add.f32 @p2 [tilespmem:s26], [sflag:$0x5], $0x80, s30, s29, $0xb8;
	[tilespmem:$0x1D000] =	vst v63  }
0xca: {  	_ =	swait.ge @p2 [sflag:s28], $0x4000  }
0xcb: {  	s26 =	simm.s32 @!p2 $0x1000;
	s29 =	simm.s32 @!p2 $0x80;
	[sflag:s28] =	ssyncset.done @p2 $0x0  }
0xcc: {  	s30 =	simm.s32 @!p2 $0x0;
	[sflag:s28] =	ssyncadd.s32 @p2 $0xFFFFC000;
	s28 =	simm.s32 @!p2 $0x4  }
0xcd: {  	[tilespmem:s26], [sflag:$0x3] =	stream.indirect.gather @!p2 [hbm4b:s1+s29], $0x80, s30, s29, $0xb8;
	[tilespmem:$0x1D000] =	vst v63  }
0xce: {  	_ =	swait.ge @!p2 [sflag:s28], $0x4000  }
0xcf: {  	s30 =	simm.s32 @!p2 $0x5000;
	[sflag:s28] =	ssyncset.done @!p2 $0x0  }
0xd0: {  	s26 =	simm.s32 @!p2 $0xF80;
	[sflag:s28] =	ssyncadd.s32 @!p2 $0xFFFFC000;
	s28 =	simm.s32 @!p2 $0x5  }
0xd1: {  	[spmem:s3] =	stream.indirect.scatter.add.f32 @!p2 [tilespmem:s30], [sflag:$0x5], $0x80, s26, s29, $0xb8;
	[tilespmem:$0x1D000] =	vst v63  }
0xd2: {  	_ =	swait.ge @!p2 [sflag:s28], $0x4000  }
0xd3: {  	s26 =	simm.s32 $0x100;
	[sflag:s28] =	ssyncset.done @!p2 $0x0  }
.LBB2_2:
0xd4: {  	[sflag:s28] =	ssyncadd.s32 @!p2 $0xFFFFC000  }
0xd5: {  	[tilespmem:s30], [sflag:$0x4] =	stream.indirect.gather @!p2 [hbm4b:s1+s29], $0x80, s29, s29, $0xb8;
	[tilespmem:$0x1D000] =	vst v63  }
0xd6: {  	_ =	swait.ge [sflag:s21], $0x4000  }
0xd7: {  	[sflag:s21] =	ssyncset.done $0x0  }
0xd8: {  	[sflag:s21] =	ssyncadd.s32 $0xFFFFC000  }
0xd9: {  	[spmem:s3] =	stream.indirect.scatter.add.f32 [tilespmem:s16], [sflag:$0x5], $0x80, s12, s15, $0xb8;
	[tilespmem:$0x1D000] =	vst v63  }
0xda: {  	_ =	swait.ge [sflag:s20], $0x4000  }
0xdb: {  	[sflag:s20] =	ssyncset.done $0x0  }
0xdc: {  	s29 =	rddreg [dreg:$0x5];
	[sflag:s20] =	ssyncadd.s32 $0xFFFFC000  }
0xdd: {  	[tilespmem:s16], [sflag:$0x3] =	stream.indirect.gather [hbm4b:s1+s15], $0x80, s29, s15, $0xb8;
	[tilespmem:$0x1D000] =	vst v63  }
0xde: {  	_ =	swait.ge [sflag:s22], $0x4000  }
0xdf: {  	[sflag:s22] =	ssyncset.done $0x0  }
0xe0: {  	s29 =	rddreg [dreg:$0x6];
	[sflag:s22] =	ssyncadd.s32 $0xFFFFC000  }
0xe1: {  	[spmem:s3] =	stream.indirect.scatter.add.f32 [tilespmem:s17], [sflag:$0x5], $0x80, s29, s15, $0xb8;
	[tilespmem:$0x1D000] =	vst v63  }
0xe2: {  	_ =	swait.ge [sflag:s20], $0x4000  }
0xe3: {  	[sflag:s20] =	ssyncset.done $0x0  }
0xe4: {  	s29 =	rddreg [dreg:$0x7];
	[sflag:s20] =	ssyncadd.s32 $0xFFFFC000  }
0xe5: {  	[tilespmem:s17], [sflag:$0x4] =	stream.indirect.gather [hbm4b:s1+s15], $0x80, s29, s15, $0xb8;
	[tilespmem:$0x1D000] =	vst v63  }
0xe6: {  	_ =	swait.ge [sflag:s21], $0x4000  }
0xe7: {  	s28 =	smov.u32 s26;
	[sflag:s21] =	ssyncset.done $0x0  }
0xe8: {  	p1 =	seq.s32 s28, $0x0;
	s29 =	rddreg [dreg:$0x8];
	[sflag:s21] =	ssyncadd.s32 $0xFFFFC000  }
0xe9: {  	[spmem:s3] =	stream.indirect.scatter.add.f32 [tilespmem:s16], [sflag:$0x5], $0x80, s29, s15, $0xb8;
	[tilespmem:$0x1D000] =	vst v63  }
0xea: {  	s30 =	simm.s32 @!p1 $0x0;
	_ =	swait.ge [sflag:s20], $0x4000  }
0xeb: {  	s31 =	simm.s32 @!p1 $0x400;
	s29 =	sadd.s32 @!p1 s28, s5;
	[sflag:s20] =	ssyncset.done $0x0  }
0xec: {  	s2 =	sadd.s32 @!p1 s28, s6;
	s29 =	sadd.s32 @!p1 $0x80, s29;
	[sflag:s20] =	ssyncadd.s32 $0xFFFFC000  }
0xed: {  	[tilespmem:s31], [sflag:$0x2] =	stream.linear.gather @!p1 [hbm4b:s29+s30], $0x400, $0x38;
	[tilespmem:$0x1D000] =	vst v63  }
0xee: {  	s0 =	simm.s32 @!p1 $0xC00;
	s2 =	sadd.s32 @!p1 $0x80, s2  }
0xef: {  	[tilespmem:s0], [sflag:$0x2] =	stream.linear.gather @!p1 [hbm4b:s2+s30], $0x400, $0x38;
	[tilespmem:$0x1D000] =	vst v63  }
0xf0: {  	s29 =	rddreg [dreg:$0x9]  }
0xf1: {  	[tilespmem:s16], [sflag:$0x3] =	stream.indirect.gather [hbm4b:s1+s15], $0x80, s29, s15, $0xb8;
	[tilespmem:$0x1D000] =	vst v63  }
0xf2: {  	_ =	swait.ge [sflag:s22], $0x4000  }
0xf3: {  	[sflag:s22] =	ssyncset.done $0x0  }
0xf4: {  	s2 =	rddreg [dreg:$0xa];
	[sflag:s22] =	ssyncadd.s32 $0xFFFFC000  }
0xf5: {  	[spmem:s3] =	stream.indirect.scatter.add.f32 [tilespmem:s17], [sflag:$0x5], $0x80, s2, s15, $0xb8;
	[tilespmem:$0x1D000] =	vst v63  }
0xf6: {  	_ =	swait.ge [sflag:s20], $0x4000  }
0xf7: {  	[sflag:s20] =	ssyncset.done $0x0  }
0xf8: {  	s31 =	rddreg [dreg:$0xb];
	[sflag:s20] =	ssyncadd.s32 $0xFFFFC000  }
0xf9: {  	[tilespmem:s17], [sflag:$0x4] =	stream.indirect.gather [hbm4b:s1+s15], $0x80, s31, s15, $0xb8;
	[tilespmem:$0x1D000] =	vst v63  }
0xfa: {  	_ =	swait.ge [sflag:s21], $0x4000  }
0xfb: {  	[sflag:s21] =	ssyncset.done $0x0  }
0xfc: {  	s2 =	rddreg [dreg:$0xc];
	[sflag:s21] =	ssyncadd.s32 $0xFFFFC000  }
0xfd: {  	[spmem:s3] =	stream.indirect.scatter.add.f32 [tilespmem:s16], [sflag:$0x5], $0x80, s2, s15, $0xb8;
	[tilespmem:$0x1D000] =	vst v63  }
0xfe: {  	_ =	swait.ge [sflag:s20], $0x4000  }
0xff: {  	[sflag:s20] =	ssyncset.done $0x0  }
0x100: {  	s31 =	rddreg [dreg:$0xd];
	[sflag:s20] =	ssyncadd.s32 $0xFFFFC000  }
0x101: {  	[tilespmem:s16], [sflag:$0x3] =	stream.indirect.gather [hbm4b:s1+s15], $0x80, s31, s15, $0xb8;
	[tilespmem:$0x1D000] =	vst v63  }
0x102: {  	_ =	swait.ge [sflag:s22], $0x4000  }
0x103: {  	[sflag:s22] =	ssyncset.done $0x0  }
0x104: {  	s2 =	rddreg [dreg:$0xe];
	[sflag:s22] =	ssyncadd.s32 $0xFFFFC000  }
0x105: {  	[spmem:s3] =	stream.indirect.scatter.add.f32 [tilespmem:s17], [sflag:$0x5], $0x80, s2, s15, $0xb8;
	[tilespmem:$0x1D000] =	vst v63  }
0x106: {  	_ =	swait.ge [sflag:s20], $0x4000  }
0x107: {  	[sflag:s20] =	ssyncset.done $0x0  }
0x108: {  	s31 =	rddreg [dreg:$0xf];
	[sflag:s20] =	ssyncadd.s32 $0xFFFFC000  }
0x109: {  	[tilespmem:s17], [sflag:$0x4] =	stream.indirect.gather [hbm4b:s1+s15], $0x80, s31, s15, $0xb8;
	[tilespmem:$0x1D000] =	vst v63  }
0x10a: {  	_ =	swait.ge [sflag:s21], $0x4000  }
0x10b: {  	[sflag:s21] =	ssyncset.done $0x0  }
0x10c: {  	s2 =	rddreg [dreg:$0x10];
	[sflag:s21] =	ssyncadd.s32 $0xFFFFC000  }
0x10d: {  	[spmem:s3] =	stream.indirect.scatter.add.f32 [tilespmem:s16], [sflag:$0x5], $0x80, s2, s15, $0xb8;
	[tilespmem:$0x1D000] =	vst v63  }
0x10e: {  	_ =	swait.ge [sflag:s20], $0x4000  }
0x10f: {  	[sflag:s20] =	ssyncset.done $0x0  }
0x110: {  	[sflag:s20] =	ssyncadd.s32 $0xFFFFC000  }
0x111: {  	_ =	swait.ge [sflag:s23], $0x400  }
0x112: {  	[sflag:s23] =	ssyncset.done $0x0  }
0x113: {  	[sflag:s23] =	ssyncadd.s32 $0xFFFFFC00  }
0x114: {  	_ =	swait.ge [sflag:s23], $0x400  }
0x115: {  	[sflag:s23] =	ssyncset.done $0x0  }
0x116: {  	[sflag:s23] =	ssyncadd.s32 $0xFFFFFC00  }
0x117: {  	[tilespmem:s16], [sflag:$0x3] =	stream.indirect.gather [hbm4b:s1+s15], $0x80, s13, s15, $0xb8;
	[tilespmem:$0x1D000] =	vst v63  }
0x118: {  	_ =	swait.ge [sflag:s22], $0x4000  }
0x119: {  	[sflag:s22] =	ssyncset.done $0x0  }
0x11a: {  	s31 =	rddreg [dreg:$0x11];
	[sflag:s22] =	ssyncadd.s32 $0xFFFFC000  }
0x11b: {  	[spmem:s3] =	stream.indirect.scatter.add.f32 [tilespmem:s17], [sflag:$0x5], $0x80, s31, s15, $0xb8;
	[tilespmem:$0x1D000] =	vst v63  }
0x11c: {  	_ =	swait.ge [sflag:s20], $0x4000  }
0x11d: {  	[sflag:s20] =	ssyncset.done $0x0  }
0x11e: {  	s2 =	rddreg [dreg:$0x12];
	[sflag:s20] =	ssyncadd.s32 $0xFFFFC000  }
0x11f: {  	[tilespmem:s17], [sflag:$0x4] =	stream.indirect.gather [hbm4b:s1+s15], $0x80, s2, s15, $0xb8;
	[tilespmem:$0x1D000] =	vst v63  }
0x120: {  	_ =	swait.ge [sflag:s21], $0x4000  }
0x121: {  	[sflag:s21] =	ssyncset.done $0x0  }
0x122: {  	[sflag:s21] =	ssyncadd.s32 $0xFFFFC000  }
0x123: {  	[spmem:s3] =	stream.indirect.scatter.add.f32 [tilespmem:s16], [sflag:$0x5], $0x80, s14, s15, $0xb8;
	[tilespmem:$0x1D000] =	vst v63  }
0x124: {  	_ =	swait.ge [sflag:s20], $0x4000  }
0x125: {  	[sflag:s20] =	ssyncset.done $0x0  }
0x126: {  	s31 =	rddreg [dreg:$0x13];
	[sflag:s20] =	ssyncadd.s32 $0xFFFFC000  }
0x127: {  	[tilespmem:s16], [sflag:$0x3] =	stream.indirect.gather [hbm4b:s1+s15], $0x80, s31, s15, $0xb8;
	[tilespmem:$0x1D000] =	vst v63  }
0x128: {  	_ =	swait.ge [sflag:s22], $0x4000  }
0x129: {  	[sflag:s22] =	ssyncset.done $0x0  }
0x12a: {  	s2 =	rddreg [dreg:$0x14];
	[sflag:s22] =	ssyncadd.s32 $0xFFFFC000  }
0x12b: {  	[spmem:s3] =	stream.indirect.scatter.add.f32 [tilespmem:s17], [sflag:$0x5], $0x80, s2, s15, $0xb8;
	[tilespmem:$0x1D000] =	vst v63  }
0x12c: {  	_ =	swait.ge [sflag:s20], $0x4000  }
0x12d: {  	[sflag:s20] =	ssyncset.done $0x0  }
0x12e: {  	s31 =	rddreg [dreg:$0x15];
	[sflag:s20] =	ssyncadd.s32 $0xFFFFC000  }
0x12f: {  	[tilespmem:s17], [sflag:$0x4] =	stream.indirect.gather [hbm4b:s1+s15], $0x80, s31, s15, $0xb8;
	[tilespmem:$0x1D000] =	vst v63  }
0x130: {  	_ =	swait.ge [sflag:s21], $0x4000  }
0x131: {  	[sflag:s21] =	ssyncset.done $0x0  }
0x132: {  	p1 =	seq.s32 s28, $0x400;
	s2 =	rddreg [dreg:$0x16];
	[sflag:s21] =	ssyncadd.s32 $0xFFFFC000  }
0x133: {  	[spmem:s3] =	stream.indirect.scatter.add.f32 [tilespmem:s16], [sflag:$0x5], $0x80, s2, s15, $0xb8;
	[tilespmem:$0x1D000] =	vst v63  }
0x134: {  	s0 =	sadd.s32 @!p1 s28, s5;
	_ =	swait.ge [sflag:s20], $0x4000  }
0x135: {  	s0 =	sadd.s32 @!p1 $0x100, s0;
	[sflag:s20] =	ssyncset.done $0x0  }
0x136: {  	s2 =	sadd.s32 @!p1 s28, s6;
	s28 =	simm.s32 @!p1 $0x0;
	[sflag:s20] =	ssyncadd.s32 $0xFFFFC000  }
0x137: {  	[tilespmem:s28], [sflag:$0x1] =	stream.linear.gather @!p1 [hbm4b:s0+s28], $0x400, $0x38;
	[tilespmem:$0x1D000] =	vst v63  }
0x138: {  	s2 =	sadd.s32 @!p1 $0x100, s2;
	s0 =	simm.s32 @!p1 $0x800  }
0x139: {  	[tilespmem:s0], [sflag:$0x1] =	stream.linear.gather @!p1 [hbm4b:s2+s28], $0x400, $0x38;
	[tilespmem:$0x1D000] =	vst v63  }
0x13a: {  	s29 =	rddreg [dreg:$0x17]  }
0x13b: {  	[tilespmem:s16], [sflag:$0x3] =	stream.indirect.gather [hbm4b:s1+s15], $0x80, s29, s15, $0xb8;
	[tilespmem:$0x1D000] =	vst v63  }
0x13c: {  	_ =	swait.ge [sflag:s22], $0x4000  }
0x13d: {  	[sflag:s22] =	ssyncset.done $0x0  }
0x13e: {  	s31 =	rddreg [dreg:$0x18];
	[sflag:s22] =	ssyncadd.s32 $0xFFFFC000  }
0x13f: {  	[spmem:s3] =	stream.indirect.scatter.add.f32 [tilespmem:s17], [sflag:$0x5], $0x80, s31, s15, $0xb8;
	[tilespmem:$0x1D000] =	vst v63  }
0x140: {  	_ =	swait.ge [sflag:s20], $0x4000  }
0x141: {  	[sflag:s20] =	ssyncset.done $0x0  }
0x142: {  	s2 =	rddreg [dreg:$0x19];
	[sflag:s20] =	ssyncadd.s32 $0xFFFFC000  }
0x143: {  	[tilespmem:s17], [sflag:$0x4] =	stream.indirect.gather [hbm4b:s1+s15], $0x80, s2, s15, $0xb8;
	[tilespmem:$0x1D000] =	vst v63  }
0x144: {  	_ =	swait.ge [sflag:s21], $0x4000  }
0x145: {  	[sflag:s21] =	ssyncset.done $0x0  }
0x146: {  	s31 =	rddreg [dreg:$0x1a];
	[sflag:s21] =	ssyncadd.s32 $0xFFFFC000  }
0x147: {  	[spmem:s3] =	stream.indirect.scatter.add.f32 [tilespmem:s16], [sflag:$0x5], $0x80, s31, s15, $0xb8;
	[tilespmem:$0x1D000] =	vst v63  }
0x148: {  	_ =	swait.ge [sflag:s20], $0x4000  }
0x149: {  	[sflag:s20] =	ssyncset.done $0x0  }
0x14a: {  	s2 =	rddreg [dreg:$0x1b];
	[sflag:s20] =	ssyncadd.s32 $0xFFFFC000  }
0x14b: {  	[tilespmem:s16], [sflag:$0x3] =	stream.indirect.gather [hbm4b:s1+s15], $0x80, s2, s15, $0xb8;
	[tilespmem:$0x1D000] =	vst v63  }
0x14c: {  	_ =	swait.ge [sflag:s22], $0x4000  }
0x14d: {  	[sflag:s22] =	ssyncset.done $0x0  }
0x14e: {  	s31 =	rddreg [dreg:$0x1c];
	[sflag:s22] =	ssyncadd.s32 $0xFFFFC000  }
0x14f: {  	[spmem:s3] =	stream.indirect.scatter.add.f32 [tilespmem:s17], [sflag:$0x5], $0x80, s31, s15, $0xb8;
	[tilespmem:$0x1D000] =	vst v63  }
0x150: {  	_ =	swait.ge [sflag:s20], $0x4000  }
0x151: {  	[sflag:s20] =	ssyncset.done $0x0  }
0x152: {  	s2 =	rddreg [dreg:$0x1d];
	[sflag:s20] =	ssyncadd.s32 $0xFFFFC000  }
0x153: {  	[tilespmem:s17], [sflag:$0x4] =	stream.indirect.gather [hbm4b:s1+s15], $0x80, s2, s15, $0xb8;
	[tilespmem:$0x1D000] =	vst v63  }
0x154: {  	_ =	swait.ge [sflag:s21], $0x4000  }
0x155: {  	[sflag:s21] =	ssyncset.done $0x0  }
0x156: {  	s31 =	rddreg [dreg:$0x1e];
	[sflag:s21] =	ssyncadd.s32 $0xFFFFC000  }
0x157: {  	[spmem:s3] =	stream.indirect.scatter.add.f32 [tilespmem:s16], [sflag:$0x5], $0x80, s31, s15, $0xb8;
	[tilespmem:$0x1D000] =	vst v63  }
0x158: {  	_ =	swait.ge [sflag:s20], $0x4000  }
0x159: {  	[sflag:s20] =	ssyncset.done $0x0  }
0x15a: {  	s0 =	simm.s32 @!p1 $0x1;
	[sflag:s20] =	ssyncadd.s32 $0xFFFFC000  }
0x15b: {  	_ =	swait.ge @!p1 [sflag:s0], $0x400  }
0x15c: {  	[sflag:s0] =	ssyncset.done @!p1 $0x0  }
0x15d: {  	[sflag:s0] =	ssyncadd.s32 @!p1 $0xFFFFFC00  }
0x15e: {  	s25 =	sadd.s32 $0x2, s25;
	_ =	swait.ge @!p1 [sflag:s0], $0x400  }
0x15f: {  	p2 =	sgt.u32 s25, $0x8;
	[sflag:s0] =	ssyncset.done @!p1 $0x0  }
0x160: {  	s2 =	simm.s32 @p2 $0x4;
	[sflag:s0] =	ssyncadd.s32 @!p1 $0xFFFFFC00  }
0x161: {  	_ =	swait.ge @p2 [sflag:s2], $0x4000  }
0x162: {  	s28 =	simm.s32 @p2 $0x80;
	s29 =	simm.s32 @p2 $0xF80;
	[sflag:s2] =	ssyncset.done @p2 $0x0  }
0x163: {  	s0 =	simm.s32 @p2 $0x5000;
	[sflag:s2] =	ssyncadd.s32 @p2 $0xFFFFC000;
	s2 =	simm.s32 @p2 $0x5  }
0x164: {  	[spmem:s3] =	stream.indirect.scatter.add.f32 @p2 [tilespmem:s0], [sflag:$0x5], $0x80, s29, s28, $0xb8;
	[tilespmem:$0x1D000] =	vst v63  }
0x165: {  	s26 =	sadd.s32 $0x100, s26;
	_ =	swait.ge @p2 [sflag:s2], $0x4000  }
0x166: {  	s0 =	simm.s32 @!p2 $0x1000;
	s29 =	simm.s32 @!p2 $0x80;
	[sflag:s2] =	ssyncset.done @p2 $0x0  }
0x167: {  	s28 =	simm.s32 @!p2 $0x0;
	[sflag:s2] =	ssyncadd.s32 @p2 $0xFFFFC000;
	s2 =	simm.s32 @!p2 $0x4  }
0x168: {  	[tilespmem:s0], [sflag:$0x3] =	stream.indirect.gather @!p2 [hbm4b:s1+s29], $0x80, s28, s29, $0xb8;
	[tilespmem:$0x1D000] =	vst v63  }
0x169: {  	p0 =	sne.s32 s26, $0x500;
	_ =	swait.ge @!p2 [sflag:s2], $0x4000  }
.Ltmp0:
0x16a: {  	s30 =	simm.s32 @!p2 $0x5000;
	[sflag:s2] =	ssyncset.done @!p2 $0x0;
	(pc) =	sbr.rel @p0 .LBB2_2-.Ltmp0, $4  }
0x16b: {  	s0 =	simm.s32 @!p2 $0xF80;
	s28 =	simm.s32 @!p2 $0x5;
	[sflag:s2] =	ssyncadd.s32 @!p2 $0xFFFFC000  }
0x16c: {  	[spmem:s3] =	stream.indirect.scatter.add.f32 @!p2 [tilespmem:s30], [sflag:$0x5], $0x80, s0, s29, $0xb8;
	[tilespmem:$0x1D000] =	vst v63  }
0x16d: {  	_ =	swait.ge @!p2 [sflag:s28], $0x4000  }
0x16e: {  	[sflag:s28] =	ssyncset.done @!p2 $0x0  }
0x16f: {  	[sflag:s28] =	ssyncadd.s32 @!p2 $0xFFFFC000;
	s24 =	sadd.s32 $0x1, s24  }
0x170: {  	[tilespmem:s30], [sflag:$0x4] =	stream.indirect.gather @!p2 [hbm4b:s1+s29], $0x80, s29, s29, $0xb8;
	[tilespmem:$0x1D000] =	vst v63  }
0x171: {  	p0 =	sne.s32 s24, s11  }
.Ltmp1:
0x172: {  	[bflag:$0x0] =	sbarrier.arrive $0xFFFF;
	(pc) =	sbr.rel @p0 .LBB2_1-.Ltmp1, $4  }
0x173: {  	[hbm:s10], [sflag:s18] =	dma.local [spmem:s19], $0x2800  }
0x174: {  	_ =	swait.ge [sflag:s20], $0x2800  }
0x175: {  	[sflag:s20] =	ssyncset.done $0x0  }
0x176: {  	[sflag:s20] =	ssyncadd.s32 $0xFFFFD800  }
0x177: {  	_ =	sfence.sel $0x180000  }
0x178: {  	[bflag:$0x0] =	sbarrier.arrive $0xFFFF  }
0x179: {  	_ =	strace $0x90000047  }
0x17a: {  	s0 =	stileid.u32;
	[bflag:$0x2] =	sbarrier.arrive $0xFFFF  }
0x17b: {  	p0 =	sne.s32 s0, $0x0;
	s0 =	rddreg [dreg:$0x4]  }
0x17c: {  	s0 =	sadd.s32 @!p0 $0x100000, s0  }
0x17d: {  	[sflag:s0] =	ssyncadd.tile.s32 @!p0 $0x1;
	_ =	shalt  }
.Lfunc_end2:
_tile_overlayer_lowered:
.L_overlay_start_2:
0x17e: {  	(tag) =	ssettag $0x2  }
0x17f: {  	s0 =	rddreg [dreg:$0x0];
	s2 =	stileid.u32  }
0x180: {  	s1 =	rddreg [dreg:$0x1];
	p0 =	sne.s32 s2, $0x0  }
0x181: {  	s3 =	rddreg [dreg:$0x2];
	[bflag:$0x3] =	sbarrier.arrive $0xFFFF;
	s2 =	simm.s32 @!p0 $0x1C05  }
0x182: {  	[timem:s3], [sflag:s2] =	dma.local @!p0 [hbm:s0], s1  }
0x183: {  	s0 =	simm.s32 @!p0 $0x5  }
0x184: {  	_ =	swait.ge @!p0 [sflag:s0], s1  }
0x185: {  	s1 =	ssub.s32 @!p0 $0x0, s1;
	[sflag:s0] =	ssyncset.done @!p0 $0x0  }
0x186: {  	[sflag:s0] =	ssyncadd.s32 @!p0 s1  }
0x187: {  	[bflag:$0x3] =	sbarrier.arrive $0xFFFF  }
0x188: {  	_ =	shalt  }

</sc_bundles>
